<compile_context>
chip_gen: v7x
topology: tpu7x:2x2x1
jax: 0.10.2.dev20260603
libtpu: 0.0.44.dev20260713+nightly
codegen_flags: <defaults>
</compile_context>

<pallas_src>
import functools

import jax
import jax.numpy as jnp
from jax import lax
from jax.experimental import pallas as pl
from jax.experimental.pallas import tpu as pltpu
from jax.experimental.pallas import tpu_sc as plsc

_FM = 32
_SUB = 8


def _make_sc_gather(B):
    info = plsc.get_sparse_core_info()
    n_cores, n_sub = info.num_cores, info.num_subcores
    nw = n_cores * n_sub
    b_per_w = B // nw
    lanes = info.num_lanes

    mesh = plsc.VectorSubcoreMesh(core_axis_name="c", subcore_axis_name="s")

    @functools.partial(
        pl.kernel,
        mesh=mesh,
        out_type=[jax.ShapeDtypeStruct((B, _FM), jnp.float32)
                  for _ in range(4)],
        scratch_types=[
            pltpu.VMEM((b_per_w,), jnp.int32),
            pltpu.VMEM((b_per_w, _FM), jnp.float32),
            [pltpu.SemaphoreType.DMA for _ in range(4)],
        ],
    )
    def sc_gather(u_tab, i_tab, c_tab, d_tab, uid, iid, cid, did,
                  o_u, o_i, o_c, o_d, idx_v, rows_v, sems):
        wid = lax.axis_index("s") * n_cores + lax.axis_index("c")
        base = wid * b_per_w
        tabs = ((u_tab, uid, o_u), (i_tab, iid, o_i),
                (c_tab, cid, o_c), (d_tab, did, o_d))
        for t, (tab, ids, out) in enumerate(tabs):
            pltpu.sync_copy(ids.at[pl.ds(base, b_per_w)], idx_v)

            def body(c, carry, tab=tab):
                v = idx_v[pl.ds(c * lanes, lanes)]
                for j in range(lanes):
                    pltpu.async_copy(
                        tab.at[v[j]], rows_v.at[c * lanes + j],
                        sems[j % 4])
                return carry

            lax.fori_loop(0, b_per_w // lanes, body, 0)
            for q in range(4):
                pltpu.make_async_copy(
                    out.at[pl.ds(base, b_per_w // 4)],
                    rows_v.at[pl.ds(0, b_per_w // 4)], sems[q]).wait()
            pltpu.sync_copy(rows_v, out.at[pl.ds(base, b_per_w)])

    return sc_gather


def _tc_body(eu_r, ei_r, ec_r, ed_r,
             ud_r, idn_r, WuT_r, bu_r, WiT_r, bi_r, wlin_r,
             W0T_r, b0_r, W1T_r, b1_r, W2T_r, b2b_r, out_r):
    f32 = jnp.float32
    eu = eu_r[...]
    ei = ei_r[...]
    ec = ec_r[...]
    ed = ed_r[...]
    e_ud = jnp.maximum(
        jnp.dot(ud_r[...], WuT_r[...], preferred_element_type=f32) + bu_r[...], 0.0)
    e_id = jnp.maximum(
        jnp.dot(idn_r[...], WiT_r[...], preferred_element_type=f32) + bi_r[...], 0.0)

    s = eu + ei + ec + ed + e_ud + e_id
    linear_out = jnp.dot(s, wlin_r[...], preferred_element_type=f32)
    sq_of_sum = jnp.sum(s * s, axis=1, keepdims=True)
    sum_of_sq = (jnp.sum(eu * eu, axis=1, keepdims=True)
                 + jnp.sum(ei * ei, axis=1, keepdims=True)
                 + jnp.sum(ec * ec, axis=1, keepdims=True)
                 + jnp.sum(ed * ed, axis=1, keepdims=True)
                 + jnp.sum(e_ud * e_ud, axis=1, keepdims=True)
                 + jnp.sum(e_id * e_id, axis=1, keepdims=True))
    fm_out = 0.5 * (sq_of_sum - sum_of_sq)

    deep_in = jnp.concatenate([eu, ei, ec, ed, e_ud, e_id], axis=1)
    h = jnp.maximum(
        jnp.dot(deep_in, W0T_r[...], preferred_element_type=f32) + b0_r[...], 0.0)
    h = jnp.maximum(
        jnp.dot(h, W1T_r[...], preferred_element_type=f32) + b1_r[...], 0.0)
    deep_out = jnp.dot(h, W2T_r[...], preferred_element_type=f32)

    logit = linear_out + fm_out + deep_out + b2b_r[...]
    out_r[...] = 1.0 / (1.0 + jnp.exp(-logit))


def _tc_deepfm(eu, ei, ec, ed, user_dense, item_dense,
               WuT, bu2, WiT, bi2, wlin2, W0T, b02, W1T, b12, W2T, b2b,
               blk=2048):
    B = eu.shape[0]
    grid = (B // blk,)
    row = lambda i: (i, 0)
    fix = lambda i: (0, 0)
    in_specs = (
        [pl.BlockSpec((blk, _FM), row) for _ in range(4)]
        + [pl.BlockSpec((blk, user_dense.shape[1]), row),
           pl.BlockSpec((blk, item_dense.shape[1]), row)]
        + [pl.BlockSpec(w.shape, fix)
           for w in (WuT, bu2, WiT, bi2, wlin2, W0T, b02, W1T, b12, W2T, b2b)]
    )
    return pl.pallas_call(
        _tc_body,
        grid=grid,
        in_specs=in_specs,
        out_specs=pl.BlockSpec((blk, 1), row),
        out_shape=jax.ShapeDtypeStruct((B, 1), jnp.float32),
    )(eu, ei, ec, ed, user_dense, item_dense,
      WuT, bu2, WiT, bi2, wlin2, W0T, b02, W1T, b12, W2T, b2b)


def kernel(user_id, item_id, item_category, item_dur_bkt, user_dense,
           item_dense, user_tab, item_tab, cat_tab, dur_tab, Wu, bu, Wi, bi,
           w_lin, W0, b0, W1, b1, W2, b2, bias):
    B = user_id.shape[0]
    uid = user_id.astype(jnp.int32)
    iid = item_id.astype(jnp.int32)
    cid = item_category.astype(jnp.int32)
    did = item_dur_bkt.astype(jnp.int32)

    sc_gather = _make_sc_gather(B)
    eu, ei, ec, ed = sc_gather(
        user_tab, item_tab, cat_tab, dur_tab, uid, iid, cid, did)

    out = _tc_deepfm(
        eu, ei, ec, ed, user_dense, item_dense,
        Wu.T, bu.reshape(1, -1), Wi.T, bi.reshape(1, -1),
        w_lin.reshape(-1, 1), W0.T, b0.reshape(1, -1), W1.T,
        b1.reshape(1, -1), W2.T, (b2 + bias).reshape(1, 1))
    return out.reshape(B)

# --- scband reference (transcript-rebuilt; emitter-appended) ---
"""Pipeline reference for scband-deep-fm-85925115724374 (READ-ONLY COPY).

The authoritative reference and input builder live on the scoring server;
editing this copy changes nothing except your own understanding.
"""

import jax, jax.numpy as jnp
import numpy as np

B = 16384
FM = 32
NU = 1000000
NI = 1000000
NC = 1000
ND = 100
UD = 25
ID = 3


def setup_inputs(seed: int = 0) -> dict:
    key = jax.random.key(seed)
    ks = jax.random.split(key, 20)
    s = 0.01
    inp = dict(
        user_id=jax.random.randint(ks[0], (B,), 0, NU),
        item_id=jax.random.randint(ks[1], (B,), 0, NI),
        item_category=jax.random.randint(ks[2], (B,), 0, NC),
        item_dur_bkt=jax.random.randint(ks[3], (B,), 0, ND),
        user_dense=jax.random.normal(ks[4], (B, UD), dtype=jnp.float32),
        item_dense=jax.random.normal(ks[5], (B, ID), dtype=jnp.float32),
        user_tab=jax.random.normal(ks[6], (NU, FM), dtype=jnp.float32) * s,
        item_tab=jax.random.normal(ks[7], (NI, FM), dtype=jnp.float32) * s,
        cat_tab=jax.random.normal(ks[8], (NC, FM), dtype=jnp.float32) * s,
        dur_tab=jax.random.normal(ks[9], (ND, FM), dtype=jnp.float32) * s,
        Wu=jax.random.normal(ks[10], (FM, UD), dtype=jnp.float32) * (1.0 / np.sqrt(UD)),
        bu=jnp.zeros((FM,), dtype=jnp.float32),
        Wi=jax.random.normal(ks[11], (FM, ID), dtype=jnp.float32) * (1.0 / np.sqrt(ID)),
        bi=jnp.zeros((FM,), dtype=jnp.float32),
        w_lin=jax.random.normal(ks[12], (FM,), dtype=jnp.float32) * 0.1,
        W0=jax.random.normal(ks[13], (256, 6 * FM), dtype=jnp.float32) * (1.0 / np.sqrt(6 * FM)),
        b0=jnp.zeros((256,), dtype=jnp.float32),
        W1=jax.random.normal(ks[14], (128, 256), dtype=jnp.float32) * (1.0 / np.sqrt(256)),
        b1=jnp.zeros((128,), dtype=jnp.float32),
        W2=jax.random.normal(ks[15], (1, 128), dtype=jnp.float32) * (1.0 / np.sqrt(128)),
        b2=jnp.zeros((1,), dtype=jnp.float32),
        bias=jnp.zeros((1,), dtype=jnp.float32),
    )
    return inp


def reference(user_id, item_id, item_category, item_dur_bkt, user_dense, item_dense,
              user_tab, item_tab, cat_tab, dur_tab, Wu, bu, Wi, bi, w_lin,
              W0, b0, W1, b1, W2, b2, bias):
    e_user = jnp.take(user_tab, user_id, axis=0)
    e_item = jnp.take(item_tab, item_id, axis=0)
    e_cat = jnp.take(cat_tab, item_category, axis=0)
    e_dur = jnp.take(dur_tab, item_dur_bkt, axis=0)
    e_ud = jax.nn.relu(user_dense @ Wu.T + bu)
    e_id = jax.nn.relu(item_dense @ Wi.T + bi)
    embs = jnp.stack([e_user, e_item, e_cat, e_dur, e_ud, e_id], axis=1)  # (B, 6, FM)
    # 1st-order linear term: linear_proj(embs).squeeze(-1).sum(dim=1)
    linear_out = jnp.einsum('bfd,d->bf', embs, w_lin).sum(axis=1)
    # FM 2nd-order interaction
    sum_of_emb = embs.sum(axis=1)
    sq_of_sum = (sum_of_emb ** 2).sum(axis=-1)
    sum_of_sq = (embs ** 2).sum(axis=-1).sum(axis=-1)
    fm_out = 0.5 * (sq_of_sum - sum_of_sq)
    # Deep MLP (dropout is identity in eval mode)
    deep_in = embs.reshape(embs.shape[0], -1)
    h = jax.nn.relu(deep_in @ W0.T + b0)
    h = jax.nn.relu(h @ W1.T + b1)
    deep_out = (h @ W2.T + b2)[:, 0]
    logit = linear_out + fm_out + deep_out + bias[0]
    return jax.nn.sigmoid(logit)

if __name__ == "__main__":
    import jax
    _d = setup_inputs()
    print(jax.jit(kernel)(*tuple(_d.values())))

</pallas_src>

<mosaic_0001>
#map = affine_map<(d0, d1) -> (0, 0)>
#map1 = affine_map<(d0, d1) -> (0)>
module attributes {stable_mosaic.version = 14 : i64} {
  func.func @sc_gather(%arg0: i32, %arg1: i32, %arg2: memref<1000000x32xf32, #tpu.memory_space<hbm>>, %arg3: memref<1000000x32xf32, #tpu.memory_space<hbm>>, %arg4: memref<1000x32xf32, #tpu.memory_space<hbm>>, %arg5: memref<100x32xf32, #tpu.memory_space<hbm>>, %arg6: memref<16384xi32, #tpu.memory_space<hbm>>, %arg7: memref<16384xi32, #tpu.memory_space<hbm>>, %arg8: memref<16384xi32, #tpu.memory_space<hbm>>, %arg9: memref<16384xi32, #tpu.memory_space<hbm>>, %arg10: memref<16384x32xf32, #tpu.memory_space<hbm>>, %arg11: memref<16384x32xf32, #tpu.memory_space<hbm>>, %arg12: memref<16384x32xf32, #tpu.memory_space<hbm>>, %arg13: memref<16384x32xf32, #tpu.memory_space<hbm>>, %arg14: memref<512xi32, #tpu.memory_space<vmem>>, %arg15: memref<512x32xf32, #tpu.memory_space<vmem>>, %arg16: memref<!tpu.dma_semaphore, #tpu.memory_space<semaphore_mem>>, %arg17: memref<!tpu.dma_semaphore, #tpu.memory_space<semaphore_mem>>, %arg18: memref<!tpu.dma_semaphore, #tpu.memory_space<semaphore_mem>>, %arg19: memref<!tpu.dma_semaphore, #tpu.memory_space<semaphore_mem>>) attributes {dimension_semantics = [#tpu.dimension_semantics<core_parallel>, #tpu.dimension_semantics<subcore_parallel>], iteration_bounds = array<i64: 2, 16>, scalar_prefetch = 0 : i64, scratch_operands = 6 : i64, tpu.core_type = #tpu.core_type<sc_vector_subcore>, window_params = [{transform_indices = #map}, {transform_indices = #map}, {transform_indices = #map}, {transform_indices = #map}, {transform_indices = #map1}, {transform_indices = #map1}, {transform_indices = #map1}, {transform_indices = #map1}, {transform_indices = #map}, {transform_indices = #map}, {transform_indices = #map}, {transform_indices = #map}]} {
    %mul3A = arith.constant 2 : i32
    %mul3A_0 = arith.muli %arg1, %mul3A : i32
    %add3A = arith.addi %mul3A_0, %arg0 : i32
    %mul3A_1 = arith.constant 512 : i32
    %mul3A_2 = arith.muli %add3A, %mul3A_1 : i32
    "tpu.region"() ({
      %run_scoped3A = tpu.sem_alloc : memref<!tpu.dma_semaphore, #tpu.memory_space<semaphore_mem>>
      %dma_start3A = tpu.memref_slice %arg6[%mul3A_2] : memref<16384xi32, #tpu.memory_space<hbm>> -> memref<512xi32, #tpu.memory_space<hbm>>
      %dma_start3A_185 = tpu.memref_slice %arg6[%mul3A_2] : memref<16384xi32, #tpu.memory_space<hbm>> -> memref<512xi32, #tpu.memory_space<hbm>>
      tpu.enqueue_dma source(%dma_start3A_185 : memref<512xi32, #tpu.memory_space<hbm>>) target(%arg14 : memref<512xi32, #tpu.memory_space<vmem>>) target_semaphore(%run_scoped3A : memref<!tpu.dma_semaphore, #tpu.memory_space<semaphore_mem>>)
      %dma_wait3A_186 = tpu.memref_slice %arg6[%mul3A_2] : memref<16384xi32, #tpu.memory_space<hbm>> -> memref<512xi32, #tpu.memory_space<hbm>>
      %dma_wait3A_187 = tpu.memref_slice %arg6[%mul3A_2] : memref<16384xi32, #tpu.memory_space<hbm>> -> memref<512xi32, #tpu.memory_space<hbm>>
      tpu.wait_dma2 semaphore(%run_scoped3A : memref<!tpu.dma_semaphore, #tpu.memory_space<semaphore_mem>>) src(%dma_wait3A_187 : memref<512xi32, #tpu.memory_space<hbm>>) dst(%arg14 : memref<512xi32, #tpu.memory_space<vmem>>)
      tpu.yield
    }) : () -> ()
    %scan3A = arith.constant 0 : i32
    %scan3A_3 = arith.constant 0 : i32
    %scan3A_4 = arith.constant 32 : i32
    %scan3A_5 = arith.addi %scan3A_3, %scan3A_4 : i32
    %scan3A_6 = arith.constant 1 : i32
    scf.for %scan3A_185 = %scan3A_3 to %scan3A_5 step %scan3A_6  : i32 {
      %mul3A_186 = arith.constant 16 : i32
      %mul3A_187 = arith.muli %scan3A_185, %mul3A_186 : i32
      %get3A = arith.index_cast %mul3A_187 : i32 to index
      %get3A_188 = tpu.vector_load %arg14[%get3A] {strides = array<i32>} : memref<512xi32, #tpu.memory_space<vmem>>, vector<16xi32>,
      %get3A_189 = vector.shape_cast %get3A_188 : vector<16xi32> to vector<16xi32>
      %slice3A = vector.extract_strided_slice %get3A_189 {offsets = [0], sizes = [1], strides = [1]} : vector<16xi32> to vector<1xi32>
      %squeeze3A = vector.extract %slice3A[0] : i32 from vector<1xi32>
      %mul3A_190 = arith.constant 16 : i32
      %mul3A_191 = arith.muli %scan3A_185, %mul3A_190 : i32
      %add3A_192 = arith.constant 0 : i32
      %add3A_193 = arith.addi %mul3A_191, %add3A_192 : i32
      %dma_start3A = arith.constant 0 : i32
      %dma_start3A_194 = tpu.memref_slice %arg15[%add3A_193, %dma_start3A] : memref<512x32xf32, #tpu.memory_space<vmem>> -> memref<1x32xf32, #tpu.memory_space<vmem>>
      %dma_start3A_195 = tpu.memref_squeeze %dma_start3A_194 : memref<1x32xf32, #tpu.memory_space<vmem>> -> memref<32xf32, #tpu.memory_space<vmem>>
      %dma_start3A_196 = arith.constant 0 : i32
      %dma_start3A_197 = tpu.memref_slice %arg2[%squeeze3A, %dma_start3A_196] : memref<1000000x32xf32, #tpu.memory_space<hbm>> -> memref<1x32xf32, #tpu.memory_space<hbm>>
      %dma_start3A_198 = tpu.memref_squeeze %dma_start3A_197 : memref<1x32xf32, #tpu.memory_space<hbm>> -> memref<32xf32, #tpu.memory_space<hbm>>
      %dma_start3A_199 = arith.constant 0 : i32
      %dma_start3A_200 = tpu.memref_slice %arg15[%add3A_193, %dma_start3A_199] : memref<512x32xf32, #tpu.memory_space<vmem>> -> memref<1x32xf32, #tpu.memory_space<vmem>>
      %dma_start3A_201 = tpu.memref_squeeze %dma_start3A_200 : memref<1x32xf32, #tpu.memory_space<vmem>> -> memref<32xf32, #tpu.memory_space<vmem>>
      %dma_start3A_202 = arith.constant 0 : i32
      %dma_start3A_203 = tpu.memref_slice %arg2[%squeeze3A, %dma_start3A_202] : memref<1000000x32xf32, #tpu.memory_space<hbm>> -> memref<1x32xf32, #tpu.memory_space<hbm>>
      %dma_start3A_204 = tpu.memref_squeeze %dma_start3A_203 : memref<1x32xf32, #tpu.memory_space<hbm>> -> memref<32xf32, #tpu.memory_space<hbm>>
      tpu.enqueue_dma source(%dma_start3A_204 : memref<32xf32, #tpu.memory_space<hbm>>) target(%dma_start3A_201 : memref<32xf32, #tpu.memory_space<vmem>>) target_semaphore(%arg16 : memref<!tpu.dma_semaphore, #tpu.memory_space<semaphore_mem>>)
      %slice3A_205 = vector.extract_strided_slice %get3A_189 {offsets = [1], sizes = [1], strides = [1]} : vector<16xi32> to vector<1xi32>
      %squeeze3A_206 = vector.extract %slice3A_205[0] : i32 from vector<1xi32>
      %mul3A_207 = arith.constant 16 : i32
      %mul3A_208 = arith.muli %scan3A_185, %mul3A_207 : i32
      %add3A_209 = arith.constant 1 : i32
      %add3A_210 = arith.addi %mul3A_208, %add3A_209 : i32
      %dma_start3A_211 = arith.constant 0 : i32
      %dma_start3A_212 = tpu.memref_slice %arg15[%add3A_210, %dma_start3A_211] : memref<512x32xf32, #tpu.memory_space<vmem>> -> memref<1x32xf32, #tpu.memory_space<vmem>>
      %dma_start3A_213 = tpu.memref_squeeze %dma_start3A_212 : memref<1x32xf32, #tpu.memory_space<vmem>> -> memref<32xf32, #tpu.memory_space<vmem>>
      %dma_start3A_214 = arith.constant 0 : i32
      %dma_start3A_215 = tpu.memref_slice %arg2[%squeeze3A_206, %dma_start3A_214] : memref<1000000x32xf32, #tpu.memory_space<hbm>> -> memref<1x32xf32, #tpu.memory_space<hbm>>
      %dma_start3A_216 = tpu.memref_squeeze %dma_start3A_215 : memref<1x32xf32, #tpu.memory_space<hbm>> -> memref<32xf32, #tpu.memory_space<hbm>>
      %dma_start3A_217 = arith.constant 0 : i32
      %dma_start3A_218 = tpu.memref_slice %arg15[%add3A_210, %dma_start3A_217] : memref<512x32xf32, #tpu.memory_space<vmem>> -> memref<1x32xf32, #tpu.memory_space<vmem>>
      %dma_start3A_219 = tpu.memref_squeeze %dma_start3A_218 : memref<1x32xf32, #tpu.memory_space<vmem>> -> memref<32xf32, #tpu.memory_space<vmem>>
      %dma_start3A_220 = arith.constant 0 : i32
      %dma_start3A_221 = tpu.memref_slice %arg2[%squeeze3A_206, %dma_start3A_220] : memref<1000000x32xf32, #tpu.memory_space<hbm>> -> memref<1x32xf32, #tpu.memory_space<hbm>>
      %dma_start3A_222 = tpu.memref_squeeze %dma_start3A_221 : memref<1x32xf32, #tpu.memory_space<hbm>> -> memref<32xf32, #tpu.memory_space<hbm>>
      tpu.enqueue_dma source(%dma_start3A_222 : memref<32xf32, #tpu.memory_space<hbm>>) target(%dma_start3A_219 : memref<32xf32, #tpu.memory_space<vmem>>) target_semaphore(%arg17 : memref<!tpu.dma_semaphore, #tpu.memory_space<semaphore_mem>>)
      %slice3A_223 = vector.extract_strided_slice %get3A_189 {offsets = [2], sizes = [1], strides = [1]} : vector<16xi32> to vector<1xi32>
      %squeeze3A_224 = vector.extract %slice3A_223[0] : i32 from vector<1xi32>
      %mul3A_225 = arith.constant 16 : i32
      %mul3A_226 = arith.muli %scan3A_185, %mul3A_225 : i32
      %add3A_227 = arith.constant 2 : i32
      %add3A_228 = arith.addi %mul3A_226, %add3A_227 : i32
      %dma_start3A_229 = arith.constant 0 : i32
      %dma_start3A_230 = tpu.memref_slice %arg15[%add3A_228, %dma_start3A_229] : memref<512x32xf32, #tpu.memory_space<vmem>> -> memref<1x32xf32, #tpu.memory_space<vmem>>
      %dma_start3A_231 = tpu.memref_squeeze %dma_start3A_230 : memref<1x32xf32, #tpu.memory_space<vmem>> -> memref<32xf32, #tpu.memory_space<vmem>>
      %dma_start3A_232 = arith.constant 0 : i32
      %dma_start3A_233 = tpu.memref_slice %arg2[%squeeze3A_224, %dma_start3A_232] : memref<1000000x32xf32, #tpu.memory_space<hbm>> -> memref<1x32xf32, #tpu.memory_space<hbm>>
      %dma_start3A_234 = tpu.memref_squeeze %dma_start3A_233 : memref<1x32xf32, #tpu.memory_space<hbm>> -> memref<32xf32, #tpu.memory_space<hbm>>
      %dma_start3A_235 = arith.constant 0 : i32
      %dma_start3A_236 = tpu.memref_slice %arg15[%add3A_228, %dma_start3A_235] : memref<512x32xf32, #tpu.memory_space<vmem>> -> memref<1x32xf32, #tpu.memory_space<vmem>>
      %dma_start3A_237 = tpu.memref_squeeze %dma_start3A_236 : memref<1x32xf32, #tpu.memory_space<vmem>> -> memref<32xf32, #tpu.memory_space<vmem>>
      %dma_start3A_238 = arith.constant 0 : i32
      %dma_start3A_239 = tpu.memref_slice %arg2[%squeeze3A_224, %dma_start3A_238] : memref<1000000x32xf32, #tpu.memory_space<hbm>> -> memref<1x32xf32, #tpu.memory_space<hbm>>
      %dma_start3A_240 = tpu.memref_squeeze %dma_start3A_239 : memref<1x32xf32, #tpu.memory_space<hbm>> -> memref<32xf32, #tpu.memory_space<hbm>>
      tpu.enqueue_dma source(%dma_start3A_240 : memref<32xf32, #tpu.memory_space<hbm>>) target(%dma_start3A_237 : memref<32xf32, #tpu.memory_space<vmem>>) target_semaphore(%arg18 : memref<!tpu.dma_semaphore, #tpu.memory_space<semaphore_mem>>)
      %slice3A_241 = vector.extract_strided_slice %get3A_189 {offsets = [3], sizes = [1], strides = [1]} : vector<16xi32> to vector<1xi32>
      %squeeze3A_242 = vector.extract %slice3A_241[0] : i32 from vector<1xi32>
      %mul3A_243 = arith.constant 16 : i32
      %mul3A_244 = arith.muli %scan3A_185, %mul3A_243 : i32
      %add3A_245 = arith.constant 3 : i32
      %add3A_246 = arith.addi %mul3A_244, %add3A_245 : i32
      %dma_start3A_247 = arith.constant 0 : i32
      %dma_start3A_248 = tpu.memref_slice %arg15[%add3A_246, %dma_start3A_247] : memref<512x32xf32, #tpu.memory_space<vmem>> -> memref<1x32xf32, #tpu.memory_space<vmem>>
      %dma_start3A_249 = tpu.memref_squeeze %dma_start3A_248 : memref<1x32xf32, #tpu.memory_space<vmem>> -> memref<32xf32, #tpu.memory_space<vmem>>
      %dma_start3A_250 = arith.constant 0 : i32
      %dma_start3A_251 = tpu.memref_slice %arg2[%squeeze3A_242, %dma_start3A_250] : memref<1000000x32xf32, #tpu.memory_space<hbm>> -> memref<1x32xf32, #tpu.memory_space<hbm>>
      %dma_start3A_252 = tpu.memref_squeeze %dma_start3A_251 : memref<1x32xf32, #tpu.memory_space<hbm>> -> memref<32xf32, #tpu.memory_space<hbm>>
      %dma_start3A_253 = arith.constant 0 : i32
      %dma_start3A_254 = tpu.memref_slice %arg15[%add3A_246, %dma_start3A_253] : memref<512x32xf32, #tpu.memory_space<vmem>> -> memref<1x32xf32, #tpu.memory_space<vmem>>
      %dma_start3A_255 = tpu.memref_squeeze %dma_start3A_254 : memref<1x32xf32, #tpu.memory_space<vmem>> -> memref<32xf32, #tpu.memory_space<vmem>>
      %dma_start3A_256 = arith.constant 0 : i32
      %dma_start3A_257 = tpu.memref_slice %arg2[%squeeze3A_242, %dma_start3A_256] : memref<1000000x32xf32, #tpu.memory_space<hbm>> -> memref<1x32xf32, #tpu.memory_space<hbm>>
      %dma_start3A_258 = tpu.memref_squeeze %dma_start3A_257 : memref<1x32xf32, #tpu.memory_space<hbm>> -> memref<32xf32, #tpu.memory_space<hbm>>
      tpu.enqueue_dma source(%dma_start3A_258 : memref<32xf32, #tpu.memory_space<hbm>>) target(%dma_start3A_255 : memref<32xf32, #tpu.memory_space<vmem>>) target_semaphore(%arg19 : memref<!tpu.dma_semaphore, #tpu.memory_space<semaphore_mem>>)
      %slice3A_259 = vector.extract_strided_slice %get3A_189 {offsets = [4], sizes = [1], strides = [1]} : vector<16xi32> to vector<1xi32>
      %squeeze3A_260 = vector.extract %slice3A_259[0] : i32 from vector<1xi32>
      %mul3A_261 = arith.constant 16 : i32
      %mul3A_262 = arith.muli %scan3A_185, %mul3A_261 : i32
      %add3A_263 = arith.constant 4 : i32
      %add3A_264 = arith.addi %mul3A_262, %add3A_263 : i32
      %dma_start3A_265 = arith.constant 0 : i32
      %dma_start3A_266 = tpu.memref_slice %arg15[%add3A_264, %dma_start3A_265] : memref<512x32xf32, #tpu.memory_space<vmem>> -> memref<1x32xf32, #tpu.memory_space<vmem>>
      %dma_start3A_267 = tpu.memref_squeeze %dma_start3A_266 : memref<1x32xf32, #tpu.memory_space<vmem>> -> memref<32xf32, #tpu.memory_space<vmem>>
      %dma_start3A_268 = arith.constant 0 : i32
      %dma_start3A_269 = tpu.memref_slice %arg2[%squeeze3A_260, %dma_start3A_268] : memref<1000000x32xf32, #tpu.memory_space<hbm>> -> memref<1x32xf32, #tpu.memory_space<hbm>>
      %dma_start3A_270 = tpu.memref_squeeze %dma_start3A_269 : memref<1x32xf32, #tpu.memory_space<hbm>> -> memref<32xf32, #tpu.memory_space<hbm>>
      %dma_start3A_271 = arith.constant 0 : i32
      %dma_start3A_272 = tpu.memref_slice %arg15[%add3A_264, %dma_start3A_271] : memref<512x32xf32, #tpu.memory_space<vmem>> -> memref<1x32xf32, #tpu.memory_space<vmem>>
      %dma_start3A_273 = tpu.memref_squeeze %dma_start3A_272 : memref<1x32xf32, #tpu.memory_space<vmem>> -> memref<32xf32, #tpu.memory_space<vmem>>
      %dma_start3A_274 = arith.constant 0 : i32
      %dma_start3A_275 = tpu.memref_slice %arg2[%squeeze3A_260, %dma_start3A_274] : memref<1000000x32xf32, #tpu.memory_space<hbm>> -> memref<1x32xf32, #tpu.memory_space<hbm>>
      %dma_start3A_276 = tpu.memref_squeeze %dma_start3A_275 : memref<1x32xf32, #tpu.memory_space<hbm>> -> memref<32xf32, #tpu.memory_space<hbm>>
      tpu.enqueue_dma source(%dma_start3A_276 : memref<32xf32, #tpu.memory_space<hbm>>) target(%dma_start3A_273 : memref<32xf32, #tpu.memory_space<vmem>>) target_semaphore(%arg16 : memref<!tpu.dma_semaphore, #tpu.memory_space<semaphore_mem>>)
      %slice3A_277 = vector.extract_strided_slice %get3A_189 {offsets = [5], sizes = [1], strides = [1]} : vector<16xi32> to vector<1xi32>
      %squeeze3A_278 = vector.extract %slice3A_277[0] : i32 from vector<1xi32>
      %mul3A_279 = arith.constant 16 : i32
      %mul3A_280 = arith.muli %scan3A_185, %mul3A_279 : i32
      %add3A_281 = arith.constant 5 : i32
      %add3A_282 = arith.addi %mul3A_280, %add3A_281 : i32
      %dma_start3A_283 = arith.constant 0 : i32
      %dma_start3A_284 = tpu.memref_slice %arg15[%add3A_282, %dma_start3A_283] : memref<512x32xf32, #tpu.memory_space<vmem>> -> memref<1x32xf32, #tpu.memory_space<vmem>>
      %dma_start3A_285 = tpu.memref_squeeze %dma_start3A_284 : memref<1x32xf32, #tpu.memory_space<vmem>> -> memref<32xf32, #tpu.memory_space<vmem>>
      %dma_start3A_286 = arith.constant 0 : i32
      %dma_start3A_287 = tpu.memref_slice %arg2[%squeeze3A_278, %dma_start3A_286] : memref<1000000x32xf32, #tpu.memory_space<hbm>> -> memref<1x32xf32, #tpu.memory_space<hbm>>
      %dma_start3A_288 = tpu.memref_squeeze %dma_start3A_287 : memref<1x32xf32, #tpu.memory_space<hbm>> -> memref<32xf32, #tpu.memory_space<hbm>>
      %dma_start3A_289 = arith.constant 0 : i32
      %dma_start3A_290 = tpu.memref_slice %arg15[%add3A_282, %dma_start3A_289] : memref<512x32xf32, #tpu.memory_space<vmem>> -> memref<1x32xf32, #tpu.memory_space<vmem>>
      %dma_start3A_291 = tpu.memref_squeeze %dma_start3A_290 : memref<1x32xf32, #tpu.memory_space<vmem>> -> memref<32xf32, #tpu.memory_space<vmem>>
      %dma_start3A_292 = arith.constant 0 : i32
      %dma_start3A_293 = tpu.memref_slice %arg2[%squeeze3A_278, %dma_start3A_292] : memref<1000000x32xf32, #tpu.memory_space<hbm>> -> memref<1x32xf32, #tpu.memory_space<hbm>>
      %dma_start3A_294 = tpu.memref_squeeze %dma_start3A_293 : memref<1x32xf32, #tpu.memory_space<hbm>> -> memref<32xf32, #tpu.memory_space<hbm>>
      tpu.enqueue_dma source(%dma_start3A_294 : memref<32xf32, #tpu.memory_space<hbm>>) target(%dma_start3A_291 : memref<32xf32, #tpu.memory_space<vmem>>) target_semaphore(%arg17 : memref<!tpu.dma_semaphore, #tpu.memory_space<semaphore_mem>>)
      %slice3A_295 = vector.extract_strided_slice %get3A_189 {offsets = [6], sizes = [1], strides = [1]} : vector<16xi32> to vector<1xi32>
      %squeeze3A_296 = vector.extract %slice3A_295[0] : i32 from vector<1xi32>
      %mul3A_297 = arith.constant 16 : i32
      %mul3A_298 = arith.muli %scan3A_185, %mul3A_297 : i32
      %add3A_299 = arith.constant 6 : i32
      %add3A_300 = arith.addi %mul3A_298, %add3A_299 : i32
      %dma_start3A_301 = arith.constant 0 : i32
      %dma_start3A_302 = tpu.memref_slice %arg15[%add3A_300, %dma_start3A_301] : memref<512x32xf32, #tpu.memory_space<vmem>> -> memref<1x32xf32, #tpu.memory_space<vmem>>
      %dma_start3A_303 = tpu.memref_squeeze %dma_start3A_302 : memref<1x32xf32, #tpu.memory_space<vmem>> -> memref<32xf32, #tpu.memory_space<vmem>>
      %dma_start3A_304 = arith.constant 0 : i32
      %dma_start3A_305 = tpu.memref_slice %arg2[%squeeze3A_296, %dma_start3A_304] : memref<1000000x32xf32, #tpu.memory_space<hbm>> -> memref<1x32xf32, #tpu.memory_space<hbm>>
      %dma_start3A_306 = tpu.memref_squeeze %dma_start3A_305 : memref<1x32xf32, #tpu.memory_space<hbm>> -> memref<32xf32, #tpu.memory_space<hbm>>
      %dma_start3A_307 = arith.constant 0 : i32
      %dma_start3A_308 = tpu.memref_slice %arg15[%add3A_300, %dma_start3A_307] : memref<512x32xf32, #tpu.memory_space<vmem>> -> memref<1x32xf32, #tpu.memory_space<vmem>>
      %dma_start3A_309 = tpu.memref_squeeze %dma_start3A_308 : memref<1x32xf32, #tpu.memory_space<vmem>> -> memref<32xf32, #tpu.memory_space<vmem>>
      %dma_start3A_310 = arith.constant 0 : i32
      %dma_start3A_311 = tpu.memref_slice %arg2[%squeeze3A_296, %dma_start3A_310] : memref<1000000x32xf32, #tpu.memory_space<hbm>> -> memref<1x32xf32, #tpu.memory_space<hbm>>
      %dma_start3A_312 = tpu.memref_squeeze %dma_start3A_311 : memref<1x32xf32, #tpu.memory_space<hbm>> -> memref<32xf32, #tpu.memory_space<hbm>>
      tpu.enqueue_dma source(%dma_start3A_312 : memref<32xf32, #tpu.memory_space<hbm>>) target(%dma_start3A_309 : memref<32xf32, #tpu.memory_space<vmem>>) target_semaphore(%arg18 : memref<!tpu.dma_semaphore, #tpu.memory_space<semaphore_mem>>)
      %slice3A_313 = vector.extract_strided_slice %get3A_189 {offsets = [7], sizes = [1], strides = [1]} : vector<16xi32> to vector<1xi32>
      %squeeze3A_314 = vector.extract %slice3A_313[0] : i32 from vector<1xi32>
      %mul3A_315 = arith.constant 16 : i32
      %mul3A_316 = arith.muli %scan3A_185, %mul3A_315 : i32
      %add3A_317 = arith.constant 7 : i32
      %add3A_318 = arith.addi %mul3A_316, %add3A_317 : i32
      %dma_start3A_319 = arith.constant 0 : i32
      %dma_start3A_320 = tpu.memref_slice %arg15[%add3A_318, %dma_start3A_319] : memref<512x32xf32, #tpu.memory_space<vmem>> -> memref<1x32xf32, #tpu.memory_space<vmem>>
      %dma_start3A_321 = tpu.memref_squeeze %dma_start3A_320 : memref<1x32xf32, #tpu.memory_space<vmem>> -> memref<32xf32, #tpu.memory_space<vmem>>
      %dma_start3A_322 = arith.constant 0 : i32
      %dma_start3A_323 = tpu.memref_slice %arg2[%squeeze3A_314, %dma_start3A_322] : memref<1000000x32xf32, #tpu.memory_space<hbm>> -> memref<1x32xf32, #tpu.memory_space<hbm>>
      %dma_start3A_324 = tpu.memref_squeeze %dma_start3A_323 : memref<1x32xf32, #tpu.memory_space<hbm>> -> memref<32xf32, #tpu.memory_space<hbm>>
      %dma_start3A_325 = arith.constant 0 : i32
      %dma_start3A_326 = tpu.memref_slice %arg15[%add3A_318, %dma_start3A_325] : memref<512x32xf32, #tpu.memory_space<vmem>> -> memref<1x32xf32, #tpu.memory_space<vmem>>
      %dma_start3A_327 = tpu.memref_squeeze %dma_start3A_326 : memref<1x32xf32, #tpu.memory_space<vmem>> -> memref<32xf32, #tpu.memory_space<vmem>>
      %dma_start3A_328 = arith.constant 0 : i32
      %dma_start3A_329 = tpu.memref_slice %arg2[%squeeze3A_314, %dma_start3A_328] : memref<1000000x32xf32, #tpu.memory_space<hbm>> -> memref<1x32xf32, #tpu.memory_space<hbm>>
      %dma_start3A_330 = tpu.memref_squeeze %dma_start3A_329 : memref<1x32xf32, #tpu.memory_space<hbm>> -> memref<32xf32, #tpu.memory_space<hbm>>
      tpu.enqueue_dma source(%dma_start3A_330 : memref<32xf32, #tpu.memory_space<hbm>>) target(%dma_start3A_327 : memref<32xf32, #tpu.memory_space<vmem>>) target_semaphore(%arg19 : memref<!tpu.dma_semaphore, #tpu.memory_space<semaphore_mem>>)
      %slice3A_331 = vector.extract_strided_slice %get3A_189 {offsets = [8], sizes = [1], strides = [1]} : vector<16xi32> to vector<1xi32>
      %squeeze3A_332 = vector.extract %slice3A_331[0] : i32 from vector<1xi32>
      %mul3A_333 = arith.constant 16 : i32
      %mul3A_334 = arith.muli %scan3A_185, %mul3A_333 : i32
      %add3A_335 = arith.constant 8 : i32
      %add3A_336 = arith.addi %mul3A_334, %add3A_335 : i32
      %dma_start3A_337 = arith.constant 0 : i32
      %dma_start3A_338 = tpu.memref_slice %arg15[%add3A_336, %dma_start3A_337] : memref<512x32xf32, #tpu.memory_space<vmem>> -> memref<1x32xf32, #tpu.memory_space<vmem>>
      %dma_start3A_339 = tpu.memref_squeeze %dma_start3A_338 : memref<1x32xf32, #tpu.memory_space<vmem>> -> memref<32xf32, #tpu.memory_space<vmem>>
      %dma_start3A_340 = arith.constant 0 : i32
      %dma_start3A_341 = tpu.memref_slice %arg2[%squeeze3A_332, %dma_start3A_340] : memref<1000000x32xf32, #tpu.memory_space<hbm>> -> memref<1x32xf32, #tpu.memory_space<hbm>>
      %dma_start3A_342 = tpu.memref_squeeze %dma_start3A_341 : memref<1x32xf32, #tpu.memory_space<hbm>> -> memref<32xf32, #tpu.memory_space<hbm>>
      %dma_start3A_343 = arith.constant 0 : i32
      %dma_start3A_344 = tpu.memref_slice %arg15[%add3A_336, %dma_start3A_343] : memref<512x32xf32, #tpu.memory_space<vmem>> -> memref<1x32xf32, #tpu.memory_space<vmem>>
      %dma_start3A_345 = tpu.memref_squeeze %dma_start3A_344 : memref<1x32xf32, #tpu.memory_space<vmem>> -> memref<32xf32, #tpu.memory_space<vmem>>
      %dma_start3A_346 = arith.constant 0 : i32
      %dma_start3A_347 = tpu.memref_slice %arg2[%squeeze3A_332, %dma_start3A_346] : memref<1000000x32xf32, #tpu.memory_space<hbm>> -> memref<1x32xf32, #tpu.memory_space<hbm>>
      %dma_start3A_348 = tpu.memref_squeeze %dma_start3A_347 : memref<1x32xf32, #tpu.memory_space<hbm>> -> memref<32xf32, #tpu.memory_space<hbm>>
      tpu.enqueue_dma source(%dma_start3A_348 : memref<32xf32, #tpu.memory_space<hbm>>) target(%dma_start3A_345 : memref<32xf32, #tpu.memory_space<vmem>>) target_semaphore(%arg16 : memref<!tpu.dma_semaphore, #tpu.memory_space<semaphore_mem>>)
      %slice3A_349 = vector.extract_strided_slice %get3A_189 {offsets = [9], sizes = [1], strides = [1]} : vector<16xi32> to vector<1xi32>
      %squeeze3A_350 = vector.extract %slice3A_349[0] : i32 from vector<1xi32>
      %mul3A_351 = arith.constant 16 : i32
      %mul3A_352 = arith.muli %scan3A_185, %mul3A_351 : i32
      %add3A_353 = arith.constant 9 : i32
      %add3A_354 = arith.addi %mul3A_352, %add3A_353 : i32
      %dma_start3A_355 = arith.constant 0 : i32
      %dma_start3A_356 = tpu.memref_slice %arg15[%add3A_354, %dma_start3A_355] : memref<512x32xf32, #tpu.memory_space<vmem>> -> memref<1x32xf32, #tpu.memory_space<vmem>>
      %dma_start3A_357 = tpu.memref_squeeze %dma_start3A_356 : memref<1x32xf32, #tpu.memory_space<vmem>> -> memref<32xf32, #tpu.memory_space<vmem>>
      %dma_start3A_358 = arith.constant 0 : i32
      %dma_start3A_359 = tpu.memref_slice %arg2[%squeeze3A_350, %dma_start3A_358] : memref<1000000x32xf32, #tpu.memory_space<hbm>> -> memref<1x32xf32, #tpu.memory_space<hbm>>
      %dma_start3A_360 = tpu.memref_squeeze %dma_start3A_359 : memref<1x32xf32, #tpu.memory_space<hbm>> -> memref<32xf32, #tpu.memory_space<hbm>>
      %dma_start3A_361 = arith.constant 0 : i32
      %dma_start3A_362 = tpu.memref_slice %arg15[%add3A_354, %dma_start3A_361] : memref<512x32xf32, #tpu.memory_space<vmem>> -> memref<1x32xf32, #tpu.memory_space<vmem>>
      %dma_start3A_363 = tpu.memref_squeeze %dma_start3A_362 : memref<1x32xf32, #tpu.memory_space<vmem>> -> memref<32xf32, #tpu.memory_space<vmem>>
      %dma_start3A_364 = arith.constant 0 : i32
      %dma_start3A_365 = tpu.memref_slice %arg2[%squeeze3A_350, %dma_start3A_364] : memref<1000000x32xf32, #tpu.memory_space<hbm>> -> memref<1x32xf32, #tpu.memory_space<hbm>>
      %dma_start3A_366 = tpu.memref_squeeze %dma_start3A_365 : memref<1x32xf32, #tpu.memory_space<hbm>> -> memref<32xf32, #tpu.memory_space<hbm>>
      tpu.enqueue_dma source(%dma_start3A_366 : memref<32xf32, #tpu.memory_space<hbm>>) target(%dma_start3A_363 : memref<32xf32, #tpu.memory_space<vmem>>) target_semaphore(%arg17 : memref<!tpu.dma_semaphore, #tpu.memory_space<semaphore_mem>>)
      %slice3A_367 = vector.extract_strided_slice %get3A_189 {offsets = [10], sizes = [1], strides = [1]} : vector<16xi32> to vector<1xi32>
      %squeeze3A_368 = vector.extract %slice3A_367[0] : i32 from vector<1xi32>
      %mul3A_369 = arith.constant 16 : i32
      %mul3A_370 = arith.muli %scan3A_185, %mul3A_369 : i32
      %add3A_371 = arith.constant 10 : i32
      %add3A_372 = arith.addi %mul3A_370, %add3A_371 : i32
      %dma_start3A_373 = arith.constant 0 : i32
      %dma_start3A_374 = tpu.memref_slice %arg15[%add3A_372, %dma_start3A_373] : memref<512x32xf32, #tpu.memory_space<vmem>> -> memref<1x32xf32, #tpu.memory_space<vmem>>
      %dma_start3A_375 = tpu.memref_squeeze %dma_start3A_374 : memref<1x32xf32, #tpu.memory_space<vmem>> -> memref<32xf32, #tpu.memory_space<vmem>>
      %dma_start3A_376 = arith.constant 0 : i32
      %dma_start3A_377 = tpu.memref_slice %arg2[%squeeze3A_368, %dma_start3A_376] : memref<1000000x32xf32, #tpu.memory_space<hbm>> -> memref<1x32xf32, #tpu.memory_space<hbm>>
      %dma_start3A_378 = tpu.memref_squeeze %dma_start3A_377 : memref<1x32xf32, #tpu.memory_space<hbm>> -> memref<32xf32, #tpu.memory_space<hbm>>
      %dma_start3A_379 = arith.constant 0 : i32
      %dma_start3A_380 = tpu.memref_slice %arg15[%add3A_372, %dma_start3A_379] : memref<512x32xf32, #tpu.memory_space<vmem>> -> memref<1x32xf32, #tpu.memory_space<vmem>>
      %dma_start3A_381 = tpu.memref_squeeze %dma_start3A_380 : memref<1x32xf32, #tpu.memory_space<vmem>> -> memref<32xf32, #tpu.memory_space<vmem>>
      %dma_start3A_382 = arith.constant 0 : i32
      %dma_start3A_383 = tpu.memref_slice %arg2[%squeeze3A_368, %dma_start3A_382] : memref<1000000x32xf32, #tpu.memory_space<hbm>> -> memref<1x32xf32, #tpu.memory_space<hbm>>
      %dma_start3A_384 = tpu.memref_squeeze %dma_start3A_383 : memref<1x32xf32, #tpu.memory_space<hbm>> -> memref<32xf32, #tpu.memory_space<hbm>>
      tpu.enqueue_dma source(%dma_start3A_384 : memref<32xf32, #tpu.memory_space<hbm>>) target(%dma_start3A_381 : memref<32xf32, #tpu.memory_space<vmem>>) target_semaphore(%arg18 : memref<!tpu.dma_semaphore, #tpu.memory_space<semaphore_mem>>)
      %slice3A_385 = vector.extract_strided_slice %get3A_189 {offsets = [11], sizes = [1], strides = [1]} : vector<16xi32> to vector<1xi32>
      %squeeze3A_386 = vector.extract %slice3A_385[0] : i32 from vector<1xi32>
      %mul3A_387 = arith.constant 16 : i32
      %mul3A_388 = arith.muli %scan3A_185, %mul3A_387 : i32
      %add3A_389 = arith.constant 11 : i32
      %add3A_390 = arith.addi %mul3A_388, %add3A_389 : i32
      %dma_start3A_391 = arith.constant 0 : i32
      %dma_start3A_392 = tpu.memref_slice %arg15[%add3A_390, %dma_start3A_391] : memref<512x32xf32, #tpu.memory_space<vmem>> -> memref<1x32xf32, #tpu.memory_space<vmem>>
      %dma_start3A_393 = tpu.memref_squeeze %dma_start3A_392 : memref<1x32xf32, #tpu.memory_space<vmem>> -> memref<32xf32, #tpu.memory_space<vmem>>
      %dma_start3A_394 = arith.constant 0 : i32
      %dma_start3A_395 = tpu.memref_slice %arg2[%squeeze3A_386, %dma_start3A_394] : memref<1000000x32xf32, #tpu.memory_space<hbm>> -> memref<1x32xf32, #tpu.memory_space<hbm>>
      %dma_start3A_396 = tpu.memref_squeeze %dma_start3A_395 : memref<1x32xf32, #tpu.memory_space<hbm>> -> memref<32xf32, #tpu.memory_space<hbm>>
      %dma_start3A_397 = arith.constant 0 : i32
      %dma_start3A_398 = tpu.memref_slice %arg15[%add3A_390, %dma_start3A_397] : memref<512x32xf32, #tpu.memory_space<vmem>> -> memref<1x32xf32, #tpu.memory_space<vmem>>
      %dma_start3A_399 = tpu.memref_squeeze %dma_start3A_398 : memref<1x32xf32, #tpu.memory_space<vmem>> -> memref<32xf32, #tpu.memory_space<vmem>>
      %dma_start3A_400 = arith.constant 0 : i32
      %dma_start3A_401 = tpu.memref_slice %arg2[%squeeze3A_386, %dma_start3A_400] : memref<1000000x32xf32, #tpu.memory_space<hbm>> -> memref<1x32xf32, #tpu.memory_space<hbm>>
      %dma_start3A_402 = tpu.memref_squeeze %dma_start3A_401 : memref<1x32xf32, #tpu.memory_space<hbm>> -> memref<32xf32, #tpu.memory_space<hbm>>
      tpu.enqueue_dma source(%dma_start3A_402 : memref<32xf32, #tpu.memory_space<hbm>>) target(%dma_start3A_399 : memref<32xf32, #tpu.memory_space<vmem>>) target_semaphore(%arg19 : memref<!tpu.dma_semaphore, #tpu.memory_space<semaphore_mem>>)
      %slice3A_403 = vector.extract_strided_slice %get3A_189 {offsets = [12], sizes = [1], strides = [1]} : vector<16xi32> to vector<1xi32>
      %squeeze3A_404 = vector.extract %slice3A_403[0] : i32 from vector<1xi32>
      %mul3A_405 = arith.constant 16 : i32
      %mul3A_406 = arith.muli %scan3A_185, %mul3A_405 : i32
      %add3A_407 = arith.constant 12 : i32
      %add3A_408 = arith.addi %mul3A_406, %add3A_407 : i32
      %dma_start3A_409 = arith.constant 0 : i32
      %dma_start3A_410 = tpu.memref_slice %arg15[%add3A_408, %dma_start3A_409] : memref<512x32xf32, #tpu.memory_space<vmem>> -> memref<1x32xf32, #tpu.memory_space<vmem>>
      %dma_start3A_411 = tpu.memref_squeeze %dma_start3A_410 : memref<1x32xf32, #tpu.memory_space<vmem>> -> memref<32xf32, #tpu.memory_space<vmem>>
      %dma_start3A_412 = arith.constant 0 : i32
      %dma_start3A_413 = tpu.memref_slice %arg2[%squeeze3A_404, %dma_start3A_412] : memref<1000000x32xf32, #tpu.memory_space<hbm>> -> memref<1x32xf32, #tpu.memory_space<hbm>>
      %dma_start3A_414 = tpu.memref_squeeze %dma_start3A_413 : memref<1x32xf32, #tpu.memory_space<hbm>> -> memref<32xf32, #tpu.memory_space<hbm>>
      %dma_start3A_415 = arith.constant 0 : i32
      %dma_start3A_416 = tpu.memref_slice %arg15[%add3A_408, %dma_start3A_415] : memref<512x32xf32, #tpu.memory_space<vmem>> -> memref<1x32xf32, #tpu.memory_space<vmem>>
      %dma_start3A_417 = tpu.memref_squeeze %dma_start3A_416 : memref<1x32xf32, #tpu.memory_space<vmem>> -> memref<32xf32, #tpu.memory_space<vmem>>
      %dma_start3A_418 = arith.constant 0 : i32
      %dma_start3A_419 = tpu.memref_slice %arg2[%squeeze3A_404, %dma_start3A_418] : memref<1000000x32xf32, #tpu.memory_space<hbm>> -> memref<1x32xf32, #tpu.memory_space<hbm>>
      %dma_start3A_420 = tpu.memref_squeeze %dma_start3A_419 : memref<1x32xf32, #tpu.memory_space<hbm>> -> memref<32xf32, #tpu.memory_space<hbm>>
      tpu.enqueue_dma source(%dma_start3A_420 : memref<32xf32, #tpu.memory_space<hbm>>) target(%dma_start3A_417 : memref<32xf32, #tpu.memory_space<vmem>>) target_semaphore(%arg16 : memref<!tpu.dma_semaphore, #tpu.memory_space<semaphore_mem>>)
      %slice3A_421 = vector.extract_strided_slice %get3A_189 {offsets = [13], sizes = [1], strides = [1]} : vector<16xi32> to vector<1xi32>
      %squeeze3A_422 = vector.extract %slice3A_421[0] : i32 from vector<1xi32>
      %mul3A_423 = arith.constant 16 : i32
      %mul3A_424 = arith.muli %scan3A_185, %mul3A_423 : i32
      %add3A_425 = arith.constant 13 : i32
      %add3A_426 = arith.addi %mul3A_424, %add3A_425 : i32
      %dma_start3A_427 = arith.constant 0 : i32
      %dma_start3A_428 = tpu.memref_slice %arg15[%add3A_426, %dma_start3A_427] : memref<512x32xf32, #tpu.memory_space<vmem>> -> memref<1x32xf32, #tpu.memory_space<vmem>>
      %dma_start3A_429 = tpu.memref_squeeze %dma_start3A_428 : memref<1x32xf32, #tpu.memory_space<vmem>> -> memref<32xf32, #tpu.memory_space<vmem>>
      %dma_start3A_430 = arith.constant 0 : i32
      %dma_start3A_431 = tpu.memref_slice %arg2[%squeeze3A_422, %dma_start3A_430] : memref<1000000x32xf32, #tpu.memory_space<hbm>> -> memref<1x32xf32, #tpu.memory_space<hbm>>
      %dma_start3A_432 = tpu.memref_squeeze %dma_start3A_431 : memref<1x32xf32, #tpu.memory_space<hbm>> -> memref<32xf32, #tpu.memory_space<hbm>>
      %dma_start3A_433 = arith.constant 0 : i32
      %dma_start3A_434 = tpu.memref_slice %arg15[%add3A_426, %dma_start3A_433] : memref<512x32xf32, #tpu.memory_space<vmem>> -> memref<1x32xf32, #tpu.memory_space<vmem>>
      %dma_start3A_435 = tpu.memref_squeeze %dma_start3A_434 : memref<1x32xf32, #tpu.memory_space<vmem>> -> memref<32xf32, #tpu.memory_space<vmem>>
      %dma_start3A_436 = arith.constant 0 : i32
      %dma_start3A_437 = tpu.memref_slice %arg2[%squeeze3A_422, %dma_start3A_436] : memref<1000000x32xf32, #tpu.memory_space<hbm>> -> memref<1x32xf32, #tpu.memory_space<hbm>>
      %dma_start3A_438 = tpu.memref_squeeze %dma_start3A_437 : memref<1x32xf32, #tpu.memory_space<hbm>> -> memref<32xf32, #tpu.memory_space<hbm>>
      tpu.enqueue_dma source(%dma_start3A_438 : memref<32xf32, #tpu.memory_space<hbm>>) target(%dma_start3A_435 : memref<32xf32, #tpu.memory_space<vmem>>) target_semaphore(%arg17 : memref<!tpu.dma_semaphore, #tpu.memory_space<semaphore_mem>>)
      %slice3A_439 = vector.extract_strided_slice %get3A_189 {offsets = [14], sizes = [1], strides = [1]} : vector<16xi32> to vector<1xi32>
      %squeeze3A_440 = vector.extract %slice3A_439[0] : i32 from vector<1xi32>
      %mul3A_441 = arith.constant 16 : i32
      %mul3A_442 = arith.muli %scan3A_185, %mul3A_441 : i32
      %add3A_443 = arith.constant 14 : i32
      %add3A_444 = arith.addi %mul3A_442, %add3A_443 : i32
      %dma_start3A_445 = arith.constant 0 : i32
      %dma_start3A_446 = tpu.memref_slice %arg15[%add3A_444, %dma_start3A_445] : memref<512x32xf32, #tpu.memory_space<vmem>> -> memref<1x32xf32, #tpu.memory_space<vmem>>
      %dma_start3A_447 = tpu.memref_squeeze %dma_start3A_446 : memref<1x32xf32, #tpu.memory_space<vmem>> -> memref<32xf32, #tpu.memory_space<vmem>>
      %dma_start3A_448 = arith.constant 0 : i32
      %dma_start3A_449 = tpu.memref_slice %arg2[%squeeze3A_440, %dma_start3A_448] : memref<1000000x32xf32, #tpu.memory_space<hbm>> -> memref<1x32xf32, #tpu.memory_space<hbm>>
      %dma_start3A_450 = tpu.memref_squeeze %dma_start3A_449 : memref<1x32xf32, #tpu.memory_space<hbm>> -> memref<32xf32, #tpu.memory_space<hbm>>
      %dma_start3A_451 = arith.constant 0 : i32
      %dma_start3A_452 = tpu.memref_slice %arg15[%add3A_444, %dma_start3A_451] : memref<512x32xf32, #tpu.memory_space<vmem>> -> memref<1x32xf32, #tpu.memory_space<vmem>>
      %dma_start3A_453 = tpu.memref_squeeze %dma_start3A_452 : memref<1x32xf32, #tpu.memory_space<vmem>> -> memref<32xf32, #tpu.memory_space<vmem>>
      %dma_start3A_454 = arith.constant 0 : i32
      %dma_start3A_455 = tpu.memref_slice %arg2[%squeeze3A_440, %dma_start3A_454] : memref<1000000x32xf32, #tpu.memory_space<hbm>> -> memref<1x32xf32, #tpu.memory_space<hbm>>
      %dma_start3A_456 = tpu.memref_squeeze %dma_start3A_455 : memref<1x32xf32, #tpu.memory_space<hbm>> -> memref<32xf32, #tpu.memory_space<hbm>>
      tpu.enqueue_dma source(%dma_start3A_456 : memref<32xf32, #tpu.memory_space<hbm>>) target(%dma_start3A_453 : memref<32xf32, #tpu.memory_space<vmem>>) target_semaphore(%arg18 : memref<!tpu.dma_semaphore, #tpu.memory_space<semaphore_mem>>)
      %slice3A_457 = vector.extract_strided_slice %get3A_189 {offsets = [15], sizes = [1], strides = [1]} : vector<16xi32> to vector<1xi32>
      %squeeze3A_458 = vector.extract %slice3A_457[0] : i32 from vector<1xi32>
      %mul3A_459 = arith.constant 16 : i32
      %mul3A_460 = arith.muli %scan3A_185, %mul3A_459 : i32
      %add3A_461 = arith.constant 15 : i32
      %add3A_462 = arith.addi %mul3A_460, %add3A_461 : i32
      %dma_start3A_463 = arith.constant 0 : i32
      %dma_start3A_464 = tpu.memref_slice %arg15[%add3A_462, %dma_start3A_463] : memref<512x32xf32, #tpu.memory_space<vmem>> -> memref<1x32xf32, #tpu.memory_space<vmem>>
      %dma_start3A_465 = tpu.memref_squeeze %dma_start3A_464 : memref<1x32xf32, #tpu.memory_space<vmem>> -> memref<32xf32, #tpu.memory_space<vmem>>
      %dma_start3A_466 = arith.constant 0 : i32
      %dma_start3A_467 = tpu.memref_slice %arg2[%squeeze3A_458, %dma_start3A_466] : memref<1000000x32xf32, #tpu.memory_space<hbm>> -> memref<1x32xf32, #tpu.memory_space<hbm>>
      %dma_start3A_468 = tpu.memref_squeeze %dma_start3A_467 : memref<1x32xf32, #tpu.memory_space<hbm>> -> memref<32xf32, #tpu.memory_space<hbm>>
      %dma_start3A_469 = arith.constant 0 : i32
      %dma_start3A_470 = tpu.memref_slice %arg15[%add3A_462, %dma_start3A_469] : memref<512x32xf32, #tpu.memory_space<vmem>> -> memref<1x32xf32, #tpu.memory_space<vmem>>
      %dma_start3A_471 = tpu.memref_squeeze %dma_start3A_470 : memref<1x32xf32, #tpu.memory_space<vmem>> -> memref<32xf32, #tpu.memory_space<vmem>>
      %dma_start3A_472 = arith.constant 0 : i32
      %dma_start3A_473 = tpu.memref_slice %arg2[%squeeze3A_458, %dma_start3A_472] : memref<1000000x32xf32, #tpu.memory_space<hbm>> -> memref<1x32xf32, #tpu.memory_space<hbm>>
      %dma_start3A_474 = tpu.memref_squeeze %dma_start3A_473 : memref<1x32xf32, #tpu.memory_space<hbm>> -> memref<32xf32, #tpu.memory_space<hbm>>
      tpu.enqueue_dma source(%dma_start3A_474 : memref<32xf32, #tpu.memory_space<hbm>>) target(%dma_start3A_471 : memref<32xf32, #tpu.memory_space<vmem>>) target_semaphore(%arg19 : memref<!tpu.dma_semaphore, #tpu.memory_space<semaphore_mem>>)
    }
    %scan3A_7 = arith.constant 32 : i32
    %dma_wait3A = arith.constant 0 : i32
    %dma_wait3A_8 = arith.constant 0 : i32
    %dma_wait3A_9 = tpu.memref_slice %arg15[%dma_wait3A, %dma_wait3A_8] : memref<512x32xf32, #tpu.memory_space<vmem>> -> memref<128x32xf32, #tpu.memory_space<vmem>>
    %dma_wait3A_10 = arith.constant 0 : i32
    %dma_wait3A_11 = tpu.memref_slice %arg10[%mul3A_2, %dma_wait3A_10] : memref<16384x32xf32, #tpu.memory_space<hbm>> -> memref<128x32xf32, #tpu.memory_space<hbm>>
    %dma_wait3A_12 = arith.constant 0 : i32
    %dma_wait3A_13 = arith.constant 0 : i32
    %dma_wait3A_14 = tpu.memref_slice %arg15[%dma_wait3A_12, %dma_wait3A_13] : memref<512x32xf32, #tpu.memory_space<vmem>> -> memref<128x32xf32, #tpu.memory_space<vmem>>
    %dma_wait3A_15 = arith.constant 0 : i32
    %dma_wait3A_16 = tpu.memref_slice %arg10[%mul3A_2, %dma_wait3A_15] : memref<16384x32xf32, #tpu.memory_space<hbm>> -> memref<128x32xf32, #tpu.memory_space<hbm>>
    tpu.wait_dma2 semaphore(%arg16 : memref<!tpu.dma_semaphore, #tpu.memory_space<semaphore_mem>>) src(%dma_wait3A_16 : memref<128x32xf32, #tpu.memory_space<hbm>>) dst(%dma_wait3A_14 : memref<128x32xf32, #tpu.memory_space<vmem>>)
    %dma_wait3A_17 = arith.constant 0 : i32
    %dma_wait3A_18 = arith.constant 0 : i32
    %dma_wait3A_19 = tpu.memref_slice %arg15[%dma_wait3A_17, %dma_wait3A_18] : memref<512x32xf32, #tpu.memory_space<vmem>> -> memref<128x32xf32, #tpu.memory_space<vmem>>
    %dma_wait3A_20 = arith.constant 0 : i32
    %dma_wait3A_21 = tpu.memref_slice %arg10[%mul3A_2, %dma_wait3A_20] : memref<16384x32xf32, #tpu.memory_space<hbm>> -> memref<128x32xf32, #tpu.memory_space<hbm>>
    %dma_wait3A_22 = arith.constant 0 : i32
    %dma_wait3A_23 = arith.constant 0 : i32
    %dma_wait3A_24 = tpu.memref_slice %arg15[%dma_wait3A_22, %dma_wait3A_23] : memref<512x32xf32, #tpu.memory_space<vmem>> -> memref<128x32xf32, #tpu.memory_space<vmem>>
    %dma_wait3A_25 = arith.constant 0 : i32
    %dma_wait3A_26 = tpu.memref_slice %arg10[%mul3A_2, %dma_wait3A_25] : memref<16384x32xf32, #tpu.memory_space<hbm>> -> memref<128x32xf32, #tpu.memory_space<hbm>>
    tpu.wait_dma2 semaphore(%arg17 : memref<!tpu.dma_semaphore, #tpu.memory_space<semaphore_mem>>) src(%dma_wait3A_26 : memref<128x32xf32, #tpu.memory_space<hbm>>) dst(%dma_wait3A_24 : memref<128x32xf32, #tpu.memory_space<vmem>>)
    %dma_wait3A_27 = arith.constant 0 : i32
    %dma_wait3A_28 = arith.constant 0 : i32
    %dma_wait3A_29 = tpu.memref_slice %arg15[%dma_wait3A_27, %dma_wait3A_28] : memref<512x32xf32, #tpu.memory_space<vmem>> -> memref<128x32xf32, #tpu.memory_space<vmem>>
    %dma_wait3A_30 = arith.constant 0 : i32
    %dma_wait3A_31 = tpu.memref_slice %arg10[%mul3A_2, %dma_wait3A_30] : memref<16384x32xf32, #tpu.memory_space<hbm>> -> memref<128x32xf32, #tpu.memory_space<hbm>>
    %dma_wait3A_32 = arith.constant 0 : i32
    %dma_wait3A_33 = arith.constant 0 : i32
    %dma_wait3A_34 = tpu.memref_slice %arg15[%dma_wait3A_32, %dma_wait3A_33] : memref<512x32xf32, #tpu.memory_space<vmem>> -> memref<128x32xf32, #tpu.memory_space<vmem>>
    %dma_wait3A_35 = arith.constant 0 : i32
    %dma_wait3A_36 = tpu.memref_slice %arg10[%mul3A_2, %dma_wait3A_35] : memref<16384x32xf32, #tpu.memory_space<hbm>> -> memref<128x32xf32, #tpu.memory_space<hbm>>
    tpu.wait_dma2 semaphore(%arg18 : memref<!tpu.dma_semaphore, #tpu.memory_space<semaphore_mem>>) src(%dma_wait3A_36 : memref<128x32xf32, #tpu.memory_space<hbm>>) dst(%dma_wait3A_34 : memref<128x32xf32, #tpu.memory_space<vmem>>)
    %dma_wait3A_37 = arith.constant 0 : i32
    %dma_wait3A_38 = arith.constant 0 : i32
    %dma_wait3A_39 = tpu.memref_slice %arg15[%dma_wait3A_37, %dma_wait3A_38] : memref<512x32xf32, #tpu.memory_space<vmem>> -> memref<128x32xf32, #tpu.memory_space<vmem>>
    %dma_wait3A_40 = arith.constant 0 : i32
    %dma_wait3A_41 = tpu.memref_slice %arg10[%mul3A_2, %dma_wait3A_40] : memref<16384x32xf32, #tpu.memory_space<hbm>> -> memref<128x32xf32, #tpu.memory_space<hbm>>
    %dma_wait3A_42 = arith.constant 0 : i32
    %dma_wait3A_43 = arith.constant 0 : i32
    %dma_wait3A_44 = tpu.memref_slice %arg15[%dma_wait3A_42, %dma_wait3A_43] : memref<512x32xf32, #tpu.memory_space<vmem>> -> memref<128x32xf32, #tpu.memory_space<vmem>>
    %dma_wait3A_45 = arith.constant 0 : i32
    %dma_wait3A_46 = tpu.memref_slice %arg10[%mul3A_2, %dma_wait3A_45] : memref<16384x32xf32, #tpu.memory_space<hbm>> -> memref<128x32xf32, #tpu.memory_space<hbm>>
    tpu.wait_dma2 semaphore(%arg19 : memref<!tpu.dma_semaphore, #tpu.memory_space<semaphore_mem>>) src(%dma_wait3A_46 : memref<128x32xf32, #tpu.memory_space<hbm>>) dst(%dma_wait3A_44 : memref<128x32xf32, #tpu.memory_space<vmem>>)
    "tpu.region"() ({
      %run_scoped3A = tpu.sem_alloc : memref<!tpu.dma_semaphore, #tpu.memory_space<semaphore_mem>>
      %dma_start3A = arith.constant 0 : i32
      %dma_start3A_185 = tpu.memref_slice %arg10[%mul3A_2, %dma_start3A] : memref<16384x32xf32, #tpu.memory_space<hbm>> -> memref<512x32xf32, #tpu.memory_space<hbm>>
      %dma_start3A_186 = arith.constant 0 : i32
      %dma_start3A_187 = tpu.memref_slice %arg10[%mul3A_2, %dma_start3A_186] : memref<16384x32xf32, #tpu.memory_space<hbm>> -> memref<512x32xf32, #tpu.memory_space<hbm>>
      tpu.enqueue_dma source(%arg15 : memref<512x32xf32, #tpu.memory_space<vmem>>) target(%dma_start3A_187 : memref<512x32xf32, #tpu.memory_space<hbm>>) target_semaphore(%run_scoped3A : memref<!tpu.dma_semaphore, #tpu.memory_space<semaphore_mem>>)
      %dma_wait3A_188 = arith.constant 0 : i32
      %dma_wait3A_189 = tpu.memref_slice %arg10[%mul3A_2, %dma_wait3A_188] : memref<16384x32xf32, #tpu.memory_space<hbm>> -> memref<512x32xf32, #tpu.memory_space<hbm>>
      %dma_wait3A_190 = arith.constant 0 : i32
      %dma_wait3A_191 = tpu.memref_slice %arg10[%mul3A_2, %dma_wait3A_190] : memref<16384x32xf32, #tpu.memory_space<hbm>> -> memref<512x32xf32, #tpu.memory_space<hbm>>
      tpu.wait_dma2 semaphore(%run_scoped3A : memref<!tpu.dma_semaphore, #tpu.memory_space<semaphore_mem>>) src(%arg15 : memref<512x32xf32, #tpu.memory_space<vmem>>) dst(%dma_wait3A_191 : memref<512x32xf32, #tpu.memory_space<hbm>>)
      tpu.yield
    }) : () -> ()
    "tpu.region"() ({
      %run_scoped3A = tpu.sem_alloc : memref<!tpu.dma_semaphore, #tpu.memory_space<semaphore_mem>>
      %dma_start3A = tpu.memref_slice %arg7[%mul3A_2] : memref<16384xi32, #tpu.memory_space<hbm>> -> memref<512xi32, #tpu.memory_space<hbm>>
      %dma_start3A_185 = tpu.memref_slice %arg7[%mul3A_2] : memref<16384xi32, #tpu.memory_space<hbm>> -> memref<512xi32, #tpu.memory_space<hbm>>
      tpu.enqueue_dma source(%dma_start3A_185 : memref<512xi32, #tpu.memory_space<hbm>>) target(%arg14 : memref<512xi32, #tpu.memory_space<vmem>>) target_semaphore(%run_scoped3A : memref<!tpu.dma_semaphore, #tpu.memory_space<semaphore_mem>>)
      %dma_wait3A_186 = tpu.memref_slice %arg7[%mul3A_2] : memref<16384xi32, #tpu.memory_space<hbm>> -> memref<512xi32, #tpu.memory_space<hbm>>
      %dma_wait3A_187 = tpu.memref_slice %arg7[%mul3A_2] : memref<16384xi32, #tpu.memory_space<hbm>> -> memref<512xi32, #tpu.memory_space<hbm>>
      tpu.wait_dma2 semaphore(%run_scoped3A : memref<!tpu.dma_semaphore, #tpu.memory_space<semaphore_mem>>) src(%dma_wait3A_187 : memref<512xi32, #tpu.memory_space<hbm>>) dst(%arg14 : memref<512xi32, #tpu.memory_space<vmem>>)
      tpu.yield
    }) : () -> ()
    %scan3A_47 = arith.constant 0 : i32
    %scan3A_48 = arith.constant 0 : i32
    %scan3A_49 = arith.constant 32 : i32
    %scan3A_50 = arith.addi %scan3A_48, %scan3A_49 : i32
    %scan3A_51 = arith.constant 1 : i32
    scf.for %scan3A_185 = %scan3A_48 to %scan3A_50 step %scan3A_51  : i32 {
      %mul3A_186 = arith.constant 16 : i32
      %mul3A_187 = arith.muli %scan3A_185, %mul3A_186 : i32
      %get3A = arith.index_cast %mul3A_187 : i32 to index
      %get3A_188 = tpu.vector_load %arg14[%get3A] {strides = array<i32>} : memref<512xi32, #tpu.memory_space<vmem>>, vector<16xi32>,
      %get3A_189 = vector.shape_cast %get3A_188 : vector<16xi32> to vector<16xi32>
      %slice3A = vector.extract_strided_slice %get3A_189 {offsets = [0], sizes = [1], strides = [1]} : vector<16xi32> to vector<1xi32>
      %squeeze3A = vector.extract %slice3A[0] : i32 from vector<1xi32>
      %mul3A_190 = arith.constant 16 : i32
      %mul3A_191 = arith.muli %scan3A_185, %mul3A_190 : i32
      %add3A_192 = arith.constant 0 : i32
      %add3A_193 = arith.addi %mul3A_191, %add3A_192 : i32
      %dma_start3A = arith.constant 0 : i32
      %dma_start3A_194 = tpu.memref_slice %arg15[%add3A_193, %dma_start3A] : memref<512x32xf32, #tpu.memory_space<vmem>> -> memref<1x32xf32, #tpu.memory_space<vmem>>
      %dma_start3A_195 = tpu.memref_squeeze %dma_start3A_194 : memref<1x32xf32, #tpu.memory_space<vmem>> -> memref<32xf32, #tpu.memory_space<vmem>>
      %dma_start3A_196 = arith.constant 0 : i32
      %dma_start3A_197 = tpu.memref_slice %arg3[%squeeze3A, %dma_start3A_196] : memref<1000000x32xf32, #tpu.memory_space<hbm>> -> memref<1x32xf32, #tpu.memory_space<hbm>>
      %dma_start3A_198 = tpu.memref_squeeze %dma_start3A_197 : memref<1x32xf32, #tpu.memory_space<hbm>> -> memref<32xf32, #tpu.memory_space<hbm>>
      %dma_start3A_199 = arith.constant 0 : i32
      %dma_start3A_200 = tpu.memref_slice %arg15[%add3A_193, %dma_start3A_199] : memref<512x32xf32, #tpu.memory_space<vmem>> -> memref<1x32xf32, #tpu.memory_space<vmem>>
      %dma_start3A_201 = tpu.memref_squeeze %dma_start3A_200 : memref<1x32xf32, #tpu.memory_space<vmem>> -> memref<32xf32, #tpu.memory_space<vmem>>
      %dma_start3A_202 = arith.constant 0 : i32
      %dma_start3A_203 = tpu.memref_slice %arg3[%squeeze3A, %dma_start3A_202] : memref<1000000x32xf32, #tpu.memory_space<hbm>> -> memref<1x32xf32, #tpu.memory_space<hbm>>
      %dma_start3A_204 = tpu.memref_squeeze %dma_start3A_203 : memref<1x32xf32, #tpu.memory_space<hbm>> -> memref<32xf32, #tpu.memory_space<hbm>>
      tpu.enqueue_dma source(%dma_start3A_204 : memref<32xf32, #tpu.memory_space<hbm>>) target(%dma_start3A_201 : memref<32xf32, #tpu.memory_space<vmem>>) target_semaphore(%arg16 : memref<!tpu.dma_semaphore, #tpu.memory_space<semaphore_mem>>)
      %slice3A_205 = vector.extract_strided_slice %get3A_189 {offsets = [1], sizes = [1], strides = [1]} : vector<16xi32> to vector<1xi32>
      %squeeze3A_206 = vector.extract %slice3A_205[0] : i32 from vector<1xi32>
      %mul3A_207 = arith.constant 16 : i32
      %mul3A_208 = arith.muli %scan3A_185, %mul3A_207 : i32
      %add3A_209 = arith.constant 1 : i32
      %add3A_210 = arith.addi %mul3A_208, %add3A_209 : i32
      %dma_start3A_211 = arith.constant 0 : i32
      %dma_start3A_212 = tpu.memref_slice %arg15[%add3A_210, %dma_start3A_211] : memref<512x32xf32, #tpu.memory_space<vmem>> -> memref<1x32xf32, #tpu.memory_space<vmem>>
      %dma_start3A_213 = tpu.memref_squeeze %dma_start3A_212 : memref<1x32xf32, #tpu.memory_space<vmem>> -> memref<32xf32, #tpu.memory_space<vmem>>
      %dma_start3A_214 = arith.constant 0 : i32
      %dma_start3A_215 = tpu.memref_slice %arg3[%squeeze3A_206, %dma_start3A_214] : memref<1000000x32xf32, #tpu.memory_space<hbm>> -> memref<1x32xf32, #tpu.memory_space<hbm>>
      %dma_start3A_216 = tpu.memref_squeeze %dma_start3A_215 : memref<1x32xf32, #tpu.memory_space<hbm>> -> memref<32xf32, #tpu.memory_space<hbm>>
      %dma_start3A_217 = arith.constant 0 : i32
      %dma_start3A_218 = tpu.memref_slice %arg15[%add3A_210, %dma_start3A_217] : memref<512x32xf32, #tpu.memory_space<vmem>> -> memref<1x32xf32, #tpu.memory_space<vmem>>
      %dma_start3A_219 = tpu.memref_squeeze %dma_start3A_218 : memref<1x32xf32, #tpu.memory_space<vmem>> -> memref<32xf32, #tpu.memory_space<vmem>>
      %dma_start3A_220 = arith.constant 0 : i32
      %dma_start3A_221 = tpu.memref_slice %arg3[%squeeze3A_206, %dma_start3A_220] : memref<1000000x32xf32, #tpu.memory_space<hbm>> -> memref<1x32xf32, #tpu.memory_space<hbm>>
      %dma_start3A_222 = tpu.memref_squeeze %dma_start3A_221 : memref<1x32xf32, #tpu.memory_space<hbm>> -> memref<32xf32, #tpu.memory_space<hbm>>
      tpu.enqueue_dma source(%dma_start3A_222 : memref<32xf32, #tpu.memory_space<hbm>>) target(%dma_start3A_219 : memref<32xf32, #tpu.memory_space<vmem>>) target_semaphore(%arg17 : memref<!tpu.dma_semaphore, #tpu.memory_space<semaphore_mem>>)
      %slice3A_223 = vector.extract_strided_slice %get3A_189 {offsets = [2], sizes = [1], strides = [1]} : vector<16xi32> to vector<1xi32>
      %squeeze3A_224 = vector.extract %slice3A_223[0] : i32 from vector<1xi32>
      %mul3A_225 = arith.constant 16 : i32
      %mul3A_226 = arith.muli %scan3A_185, %mul3A_225 : i32
      %add3A_227 = arith.constant 2 : i32
      %add3A_228 = arith.addi %mul3A_226, %add3A_227 : i32
      %dma_start3A_229 = arith.constant 0 : i32
      %dma_start3A_230 = tpu.memref_slice %arg15[%add3A_228, %dma_start3A_229] : memref<512x32xf32, #tpu.memory_space<vmem>> -> memref<1x32xf32, #tpu.memory_space<vmem>>
      %dma_start3A_231 = tpu.memref_squeeze %dma_start3A_230 : memref<1x32xf32, #tpu.memory_space<vmem>> -> memref<32xf32, #tpu.memory_space<vmem>>
      %dma_start3A_232 = arith.constant 0 : i32
      %dma_start3A_233 = tpu.memref_slice %arg3[%squeeze3A_224, %dma_start3A_232] : memref<1000000x32xf32, #tpu.memory_space<hbm>> -> memref<1x32xf32, #tpu.memory_space<hbm>>
      %dma_start3A_234 = tpu.memref_squeeze %dma_start3A_233 : memref<1x32xf32, #tpu.memory_space<hbm>> -> memref<32xf32, #tpu.memory_space<hbm>>
      %dma_start3A_235 = arith.constant 0 : i32
      %dma_start3A_236 = tpu.memref_slice %arg15[%add3A_228, %dma_start3A_235] : memref<512x32xf32, #tpu.memory_space<vmem>> -> memref<1x32xf32, #tpu.memory_space<vmem>>
      %dma_start3A_237 = tpu.memref_squeeze %dma_start3A_236 : memref<1x32xf32, #tpu.memory_space<vmem>> -> memref<32xf32, #tpu.memory_space<vmem>>
      %dma_start3A_238 = arith.constant 0 : i32
      %dma_start3A_239 = tpu.memref_slice %arg3[%squeeze3A_224, %dma_start3A_238] : memref<1000000x32xf32, #tpu.memory_space<hbm>> -> memref<1x32xf32, #tpu.memory_space<hbm>>
      %dma_start3A_240 = tpu.memref_squeeze %dma_start3A_239 : memref<1x32xf32, #tpu.memory_space<hbm>> -> memref<32xf32, #tpu.memory_space<hbm>>
      tpu.enqueue_dma source(%dma_start3A_240 : memref<32xf32, #tpu.memory_space<hbm>>) target(%dma_start3A_237 : memref<32xf32, #tpu.memory_space<vmem>>) target_semaphore(%arg18 : memref<!tpu.dma_semaphore, #tpu.memory_space<semaphore_mem>>)
      %slice3A_241 = vector.extract_strided_slice %get3A_189 {offsets = [3], sizes = [1], strides = [1]} : vector<16xi32> to vector<1xi32>
      %squeeze3A_242 = vector.extract %slice3A_241[0] : i32 from vector<1xi32>
      %mul3A_243 = arith.constant 16 : i32
      %mul3A_244 = arith.muli %scan3A_185, %mul3A_243 : i32
      %add3A_245 = arith.constant 3 : i32
      %add3A_246 = arith.addi %mul3A_244, %add3A_245 : i32
      %dma_start3A_247 = arith.constant 0 : i32
      %dma_start3A_248 = tpu.memref_slice %arg15[%add3A_246, %dma_start3A_247] : memref<512x32xf32, #tpu.memory_space<vmem>> -> memref<1x32xf32, #tpu.memory_space<vmem>>
      %dma_start3A_249 = tpu.memref_squeeze %dma_start3A_248 : memref<1x32xf32, #tpu.memory_space<vmem>> -> memref<32xf32, #tpu.memory_space<vmem>>
      %dma_start3A_250 = arith.constant 0 : i32
      %dma_start3A_251 = tpu.memref_slice %arg3[%squeeze3A_242, %dma_start3A_250] : memref<1000000x32xf32, #tpu.memory_space<hbm>> -> memref<1x32xf32, #tpu.memory_space<hbm>>
      %dma_start3A_252 = tpu.memref_squeeze %dma_start3A_251 : memref<1x32xf32, #tpu.memory_space<hbm>> -> memref<32xf32, #tpu.memory_space<hbm>>
      %dma_start3A_253 = arith.constant 0 : i32
      %dma_start3A_254 = tpu.memref_slice %arg15[%add3A_246, %dma_start3A_253] : memref<512x32xf32, #tpu.memory_space<vmem>> -> memref<1x32xf32, #tpu.memory_space<vmem>>
      %dma_start3A_255 = tpu.memref_squeeze %dma_start3A_254 : memref<1x32xf32, #tpu.memory_space<vmem>> -> memref<32xf32, #tpu.memory_space<vmem>>
      %dma_start3A_256 = arith.constant 0 : i32
      %dma_start3A_257 = tpu.memref_slice %arg3[%squeeze3A_242, %dma_start3A_256] : memref<1000000x32xf32, #tpu.memory_space<hbm>> -> memref<1x32xf32, #tpu.memory_space<hbm>>
      %dma_start3A_258 = tpu.memref_squeeze %dma_start3A_257 : memref<1x32xf32, #tpu.memory_space<hbm>> -> memref<32xf32, #tpu.memory_space<hbm>>
      tpu.enqueue_dma source(%dma_start3A_258 : memref<32xf32, #tpu.memory_space<hbm>>) target(%dma_start3A_255 : memref<32xf32, #tpu.memory_space<vmem>>) target_semaphore(%arg19 : memref<!tpu.dma_semaphore, #tpu.memory_space<semaphore_mem>>)
      %slice3A_259 = vector.extract_strided_slice %get3A_189 {offsets = [4], sizes = [1], strides = [1]} : vector<16xi32> to vector<1xi32>
      %squeeze3A_260 = vector.extract %slice3A_259[0] : i32 from vector<1xi32>
      %mul3A_261 = arith.constant 16 : i32
      %mul3A_262 = arith.muli %scan3A_185, %mul3A_261 : i32
      %add3A_263 = arith.constant 4 : i32
      %add3A_264 = arith.addi %mul3A_262, %add3A_263 : i32
      %dma_start3A_265 = arith.constant 0 : i32
      %dma_start3A_266 = tpu.memref_slice %arg15[%add3A_264, %dma_start3A_265] : memref<512x32xf32, #tpu.memory_space<vmem>> -> memref<1x32xf32, #tpu.memory_space<vmem>>
      %dma_start3A_267 = tpu.memref_squeeze %dma_start3A_266 : memref<1x32xf32, #tpu.memory_space<vmem>> -> memref<32xf32, #tpu.memory_space<vmem>>
      %dma_start3A_268 = arith.constant 0 : i32
      %dma_start3A_269 = tpu.memref_slice %arg3[%squeeze3A_260, %dma_start3A_268] : memref<1000000x32xf32, #tpu.memory_space<hbm>> -> memref<1x32xf32, #tpu.memory_space<hbm>>
      %dma_start3A_270 = tpu.memref_squeeze %dma_start3A_269 : memref<1x32xf32, #tpu.memory_space<hbm>> -> memref<32xf32, #tpu.memory_space<hbm>>
      %dma_start3A_271 = arith.constant 0 : i32
      %dma_start3A_272 = tpu.memref_slice %arg15[%add3A_264, %dma_start3A_271] : memref<512x32xf32, #tpu.memory_space<vmem>> -> memref<1x32xf32, #tpu.memory_space<vmem>>
      %dma_start3A_273 = tpu.memref_squeeze %dma_start3A_272 : memref<1x32xf32, #tpu.memory_space<vmem>> -> memref<32xf32, #tpu.memory_space<vmem>>
      %dma_start3A_274 = arith.constant 0 : i32
      %dma_start3A_275 = tpu.memref_slice %arg3[%squeeze3A_260, %dma_start3A_274] : memref<1000000x32xf32, #tpu.memory_space<hbm>> -> memref<1x32xf32, #tpu.memory_space<hbm>>
      %dma_start3A_276 = tpu.memref_squeeze %dma_start3A_275 : memref<1x32xf32, #tpu.memory_space<hbm>> -> memref<32xf32, #tpu.memory_space<hbm>>
      tpu.enqueue_dma source(%dma_start3A_276 : memref<32xf32, #tpu.memory_space<hbm>>) target(%dma_start3A_273 : memref<32xf32, #tpu.memory_space<vmem>>) target_semaphore(%arg16 : memref<!tpu.dma_semaphore, #tpu.memory_space<semaphore_mem>>)
      %slice3A_277 = vector.extract_strided_slice %get3A_189 {offsets = [5], sizes = [1], strides = [1]} : vector<16xi32> to vector<1xi32>
      %squeeze3A_278 = vector.extract %slice3A_277[0] : i32 from vector<1xi32>
      %mul3A_279 = arith.constant 16 : i32
      %mul3A_280 = arith.muli %scan3A_185, %mul3A_279 : i32
      %add3A_281 = arith.constant 5 : i32
      %add3A_282 = arith.addi %mul3A_280, %add3A_281 : i32
      %dma_start3A_283 = arith.constant 0 : i32
      %dma_start3A_284 = tpu.memref_slice %arg15[%add3A_282, %dma_start3A_283] : memref<512x32xf32, #tpu.memory_space<vmem>> -> memref<1x32xf32, #tpu.memory_space<vmem>>
      %dma_start3A_285 = tpu.memref_squeeze %dma_start3A_284 : memref<1x32xf32, #tpu.memory_space<vmem>> -> memref<32xf32, #tpu.memory_space<vmem>>
      %dma_start3A_286 = arith.constant 0 : i32
      %dma_start3A_287 = tpu.memref_slice %arg3[%squeeze3A_278, %dma_start3A_286] : memref<1000000x32xf32, #tpu.memory_space<hbm>> -> memref<1x32xf32, #tpu.memory_space<hbm>>
      %dma_start3A_288 = tpu.memref_squeeze %dma_start3A_287 : memref<1x32xf32, #tpu.memory_space<hbm>> -> memref<32xf32, #tpu.memory_space<hbm>>
      %dma_start3A_289 = arith.constant 0 : i32
      %dma_start3A_290 = tpu.memref_slice %arg15[%add3A_282, %dma_start3A_289] : memref<512x32xf32, #tpu.memory_space<vmem>> -> memref<1x32xf32, #tpu.memory_space<vmem>>
      %dma_start3A_291 = tpu.memref_squeeze %dma_start3A_290 : memref<1x32xf32, #tpu.memory_space<vmem>> -> memref<32xf32, #tpu.memory_space<vmem>>
      %dma_start3A_292 = arith.constant 0 : i32
      %dma_start3A_293 = tpu.memref_slice %arg3[%squeeze3A_278, %dma_start3A_292] : memref<1000000x32xf32, #tpu.memory_space<hbm>> -> memref<1x32xf32, #tpu.memory_space<hbm>>
      %dma_start3A_294 = tpu.memref_squeeze %dma_start3A_293 : memref<1x32xf32, #tpu.memory_space<hbm>> -> memref<32xf32, #tpu.memory_space<hbm>>
      tpu.enqueue_dma source(%dma_start3A_294 : memref<32xf32, #tpu.memory_space<hbm>>) target(%dma_start3A_291 : memref<32xf32, #tpu.memory_space<vmem>>) target_semaphore(%arg17 : memref<!tpu.dma_semaphore, #tpu.memory_space<semaphore_mem>>)
      %slice3A_295 = vector.extract_strided_slice %get3A_189 {offsets = [6], sizes = [1], strides = [1]} : vector<16xi32> to vector<1xi32>
      %squeeze3A_296 = vector.extract %slice3A_295[0] : i32 from vector<1xi32>
      %mul3A_297 = arith.constant 16 : i32
      %mul3A_298 = arith.muli %scan3A_185, %mul3A_297 : i32
      %add3A_299 = arith.constant 6 : i32
      %add3A_300 = arith.addi %mul3A_298, %add3A_299 : i32
      %dma_start3A_301 = arith.constant 0 : i32
      %dma_start3A_302 = tpu.memref_slice %arg15[%add3A_300, %dma_start3A_301] : memref<512x32xf32, #tpu.memory_space<vmem>> -> memref<1x32xf32, #tpu.memory_space<vmem>>
      %dma_start3A_303 = tpu.memref_squeeze %dma_start3A_302 : memref<1x32xf32, #tpu.memory_space<vmem>> -> memref<32xf32, #tpu.memory_space<vmem>>
      %dma_start3A_304 = arith.constant 0 : i32
      %dma_start3A_305 = tpu.memref_slice %arg3[%squeeze3A_296, %dma_start3A_304] : memref<1000000x32xf32, #tpu.memory_space<hbm>> -> memref<1x32xf32, #tpu.memory_space<hbm>>
      %dma_start3A_306 = tpu.memref_squeeze %dma_start3A_305 : memref<1x32xf32, #tpu.memory_space<hbm>> -> memref<32xf32, #tpu.memory_space<hbm>>
      %dma_start3A_307 = arith.constant 0 : i32
      %dma_start3A_308 = tpu.memref_slice %arg15[%add3A_300, %dma_start3A_307] : memref<512x32xf32, #tpu.memory_space<vmem>> -> memref<1x32xf32, #tpu.memory_space<vmem>>
      %dma_start3A_309 = tpu.memref_squeeze %dma_start3A_308 : memref<1x32xf32, #tpu.memory_space<vmem>> -> memref<32xf32, #tpu.memory_space<vmem>>
      %dma_start3A_310 = arith.constant 0 : i32
      %dma_start3A_311 = tpu.memref_slice %arg3[%squeeze3A_296, %dma_start3A_310] : memref<1000000x32xf32, #tpu.memory_space<hbm>> -> memref<1x32xf32, #tpu.memory_space<hbm>>
      %dma_start3A_312 = tpu.memref_squeeze %dma_start3A_311 : memref<1x32xf32, #tpu.memory_space<hbm>> -> memref<32xf32, #tpu.memory_space<hbm>>
      tpu.enqueue_dma source(%dma_start3A_312 : memref<32xf32, #tpu.memory_space<hbm>>) target(%dma_start3A_309 : memref<32xf32, #tpu.memory_space<vmem>>) target_semaphore(%arg18 : memref<!tpu.dma_semaphore, #tpu.memory_space<semaphore_mem>>)
      %slice3A_313 = vector.extract_strided_slice %get3A_189 {offsets = [7], sizes = [1], strides = [1]} : vector<16xi32> to vector<1xi32>
      %squeeze3A_314 = vector.extract %slice3A_313[0] : i32 from vector<1xi32>
      %mul3A_315 = arith.constant 16 : i32
      %mul3A_316 = arith.muli %scan3A_185, %mul3A_315 : i32
      %add3A_317 = arith.constant 7 : i32
      %add3A_318 = arith.addi %mul3A_316, %add3A_317 : i32
      %dma_start3A_319 = arith.constant 0 : i32
      %dma_start3A_320 = tpu.memref_slice %arg15[%add3A_318, %dma_start3A_319] : memref<512x32xf32, #tpu.memory_space<vmem>> -> memref<1x32xf32, #tpu.memory_space<vmem>>
      %dma_start3A_321 = tpu.memref_squeeze %dma_start3A_320 : memref<1x32xf32, #tpu.memory_space<vmem>> -> memref<32xf32, #tpu.memory_space<vmem>>
      %dma_start3A_322 = arith.constant 0 : i32
      %dma_start3A_323 = tpu.memref_slice %arg3[%squeeze3A_314, %dma_start3A_322] : memref<1000000x32xf32, #tpu.memory_space<hbm>> -> memref<1x32xf32, #tpu.memory_space<hbm>>
      %dma_start3A_324 = tpu.memref_squeeze %dma_start3A_323 : memref<1x32xf32, #tpu.memory_space<hbm>> -> memref<32xf32, #tpu.memory_space<hbm>>
      %dma_start3A_325 = arith.constant 0 : i32
      %dma_start3A_326 = tpu.memref_slice %arg15[%add3A_318, %dma_start3A_325] : memref<512x32xf32, #tpu.memory_space<vmem>> -> memref<1x32xf32, #tpu.memory_space<vmem>>
      %dma_start3A_327 = tpu.memref_squeeze %dma_start3A_326 : memref<1x32xf32, #tpu.memory_space<vmem>> -> memref<32xf32, #tpu.memory_space<vmem>>
      %dma_start3A_328 = arith.constant 0 : i32
      %dma_start3A_329 = tpu.memref_slice %arg3[%squeeze3A_314, %dma_start3A_328] : memref<1000000x32xf32, #tpu.memory_space<hbm>> -> memref<1x32xf32, #tpu.memory_space<hbm>>
      %dma_start3A_330 = tpu.memref_squeeze %dma_start3A_329 : memref<1x32xf32, #tpu.memory_space<hbm>> -> memref<32xf32, #tpu.memory_space<hbm>>
      tpu.enqueue_dma source(%dma_start3A_330 : memref<32xf32, #tpu.memory_space<hbm>>) target(%dma_start3A_327 : memref<32xf32, #tpu.memory_space<vmem>>) target_semaphore(%arg19 : memref<!tpu.dma_semaphore, #tpu.memory_space<semaphore_mem>>)
      %slice3A_331 = vector.extract_strided_slice %get3A_189 {offsets = [8], sizes = [1], strides = [1]} : vector<16xi32> to vector<1xi32>
      %squeeze3A_332 = vector.extract %slice3A_331[0] : i32 from vector<1xi32>
      %mul3A_333 = arith.constant 16 : i32
      %mul3A_334 = arith.muli %scan3A_185, %mul3A_333 : i32
      %add3A_335 = arith.constant 8 : i32
      %add3A_336 = arith.addi %mul3A_334, %add3A_335 : i32
      %dma_start3A_337 = arith.constant 0 : i32
      %dma_start3A_338 = tpu.memref_slice %arg15[%add3A_336, %dma_start3A_337] : memref<512x32xf32, #tpu.memory_space<vmem>> -> memref<1x32xf32, #tpu.memory_space<vmem>>
      %dma_start3A_339 = tpu.memref_squeeze %dma_start3A_338 : memref<1x32xf32, #tpu.memory_space<vmem>> -> memref<32xf32, #tpu.memory_space<vmem>>
      %dma_start3A_340 = arith.constant 0 : i32
      %dma_start3A_341 = tpu.memref_slice %arg3[%squeeze3A_332, %dma_start3A_340] : memref<1000000x32xf32, #tpu.memory_space<hbm>> -> memref<1x32xf32, #tpu.memory_space<hbm>>
      %dma_start3A_342 = tpu.memref_squeeze %dma_start3A_341 : memref<1x32xf32, #tpu.memory_space<hbm>> -> memref<32xf32, #tpu.memory_space<hbm>>
      %dma_start3A_343 = arith.constant 0 : i32
      %dma_start3A_344 = tpu.memref_slice %arg15[%add3A_336, %dma_start3A_343] : memref<512x32xf32, #tpu.memory_space<vmem>> -> memref<1x32xf32, #tpu.memory_space<vmem>>
      %dma_start3A_345 = tpu.memref_squeeze %dma_start3A_344 : memref<1x32xf32, #tpu.memory_space<vmem>> -> memref<32xf32, #tpu.memory_space<vmem>>
      %dma_start3A_346 = arith.constant 0 : i32
      %dma_start3A_347 = tpu.memref_slice %arg3[%squeeze3A_332, %dma_start3A_346] : memref<1000000x32xf32, #tpu.memory_space<hbm>> -> memref<1x32xf32, #tpu.memory_space<hbm>>
      %dma_start3A_348 = tpu.memref_squeeze %dma_start3A_347 : memref<1x32xf32, #tpu.memory_space<hbm>> -> memref<32xf32, #tpu.memory_space<hbm>>
      tpu.enqueue_dma source(%dma_start3A_348 : memref<32xf32, #tpu.memory_space<hbm>>) target(%dma_start3A_345 : memref<32xf32, #tpu.memory_space<vmem>>) target_semaphore(%arg16 : memref<!tpu.dma_semaphore, #tpu.memory_space<semaphore_mem>>)
      %slice3A_349 = vector.extract_strided_slice %get3A_189 {offsets = [9], sizes = [1], strides = [1]} : vector<16xi32> to vector<1xi32>
      %squeeze3A_350 = vector.extract %slice3A_349[0] : i32 from vector<1xi32>
      %mul3A_351 = arith.constant 16 : i32
      %mul3A_352 = arith.muli %scan3A_185, %mul3A_351 : i32
      %add3A_353 = arith.constant 9 : i32
      %add3A_354 = arith.addi %mul3A_352, %add3A_353 : i32
      %dma_start3A_355 = arith.constant 0 : i32
      %dma_start3A_356 = tpu.memref_slice %arg15[%add3A_354, %dma_start3A_355] : memref<512x32xf32, #tpu.memory_space<vmem>> -> memref<1x32xf32, #tpu.memory_space<vmem>>
      %dma_start3A_357 = tpu.memref_squeeze %dma_start3A_356 : memref<1x32xf32, #tpu.memory_space<vmem>> -> memref<32xf32, #tpu.memory_space<vmem>>
      %dma_start3A_358 = arith.constant 0 : i32
      %dma_start3A_359 = tpu.memref_slice %arg3[%squeeze3A_350, %dma_start3A_358] : memref<1000000x32xf32, #tpu.memory_space<hbm>> -> memref<1x32xf32, #tpu.memory_space<hbm>>
      %dma_start3A_360 = tpu.memref_squeeze %dma_start3A_359 : memref<1x32xf32, #tpu.memory_space<hbm>> -> memref<32xf32, #tpu.memory_space<hbm>>
      %dma_start3A_361 = arith.constant 0 : i32
      %dma_start3A_362 = tpu.memref_slice %arg15[%add3A_354, %dma_start3A_361] : memref<512x32xf32, #tpu.memory_space<vmem>> -> memref<1x32xf32, #tpu.memory_space<vmem>>
      %dma_start3A_363 = tpu.memref_squeeze %dma_start3A_362 : memref<1x32xf32, #tpu.memory_space<vmem>> -> memref<32xf32, #tpu.memory_space<vmem>>
      %dma_start3A_364 = arith.constant 0 : i32
      %dma_start3A_365 = tpu.memref_slice %arg3[%squeeze3A_350, %dma_start3A_364] : memref<1000000x32xf32, #tpu.memory_space<hbm>> -> memref<1x32xf32, #tpu.memory_space<hbm>>
      %dma_start3A_366 = tpu.memref_squeeze %dma_start3A_365 : memref<1x32xf32, #tpu.memory_space<hbm>> -> memref<32xf32, #tpu.memory_space<hbm>>
      tpu.enqueue_dma source(%dma_start3A_366 : memref<32xf32, #tpu.memory_space<hbm>>) target(%dma_start3A_363 : memref<32xf32, #tpu.memory_space<vmem>>) target_semaphore(%arg17 : memref<!tpu.dma_semaphore, #tpu.memory_space<semaphore_mem>>)
      %slice3A_367 = vector.extract_strided_slice %get3A_189 {offsets = [10], sizes = [1], strides = [1]} : vector<16xi32> to vector<1xi32>
      %squeeze3A_368 = vector.extract %slice3A_367[0] : i32 from vector<1xi32>
      %mul3A_369 = arith.constant 16 : i32
      %mul3A_370 = arith.muli %scan3A_185, %mul3A_369 : i32
      %add3A_371 = arith.constant 10 : i32
      %add3A_372 = arith.addi %mul3A_370, %add3A_371 : i32
      %dma_start3A_373 = arith.constant 0 : i32
      %dma_start3A_374 = tpu.memref_slice %arg15[%add3A_372, %dma_start3A_373] : memref<512x32xf32, #tpu.memory_space<vmem>> -> memref<1x32xf32, #tpu.memory_space<vmem>>
      %dma_start3A_375 = tpu.memref_squeeze %dma_start3A_374 : memref<1x32xf32, #tpu.memory_space<vmem>> -> memref<32xf32, #tpu.memory_space<vmem>>
      %dma_start3A_376 = arith.constant 0 : i32
      %dma_start3A_377 = tpu.memref_slice %arg3[%squeeze3A_368, %dma_start3A_376] : memref<1000000x32xf32, #tpu.memory_space<hbm>> -> memref<1x32xf32, #tpu.memory_space<hbm>>
      %dma_start3A_378 = tpu.memref_squeeze %dma_start3A_377 : memref<1x32xf32, #tpu.memory_space<hbm>> -> memref<32xf32, #tpu.memory_space<hbm>>
      %dma_start3A_379 = arith.constant 0 : i32
      %dma_start3A_380 = tpu.memref_slice %arg15[%add3A_372, %dma_start3A_379] : memref<512x32xf32, #tpu.memory_space<vmem>> -> memref<1x32xf32, #tpu.memory_space<vmem>>
      %dma_start3A_381 = tpu.memref_squeeze %dma_start3A_380 : memref<1x32xf32, #tpu.memory_space<vmem>> -> memref<32xf32, #tpu.memory_space<vmem>>
      %dma_start3A_382 = arith.constant 0 : i32
      %dma_start3A_383 = tpu.memref_slice %arg3[%squeeze3A_368, %dma_start3A_382] : memref<1000000x32xf32, #tpu.memory_space<hbm>> -> memref<1x32xf32, #tpu.memory_space<hbm>>
      %dma_start3A_384 = tpu.memref_squeeze %dma_start3A_383 : memref<1x32xf32, #tpu.memory_space<hbm>> -> memref<32xf32, #tpu.memory_space<hbm>>
      tpu.enqueue_dma source(%dma_start3A_384 : memref<32xf32, #tpu.memory_space<hbm>>) target(%dma_start3A_381 : memref<32xf32, #tpu.memory_space<vmem>>) target_semaphore(%arg18 : memref<!tpu.dma_semaphore, #tpu.memory_space<semaphore_mem>>)
      %slice3A_385 = vector.extract_strided_slice %get3A_189 {offsets = [11], sizes = [1], strides = [1]} : vector<16xi32> to vector<1xi32>
      %squeeze3A_386 = vector.extract %slice3A_385[0] : i32 from vector<1xi32>
      %mul3A_387 = arith.constant 16 : i32
      %mul3A_388 = arith.muli %scan3A_185, %mul3A_387 : i32
      %add3A_389 = arith.constant 11 : i32
      %add3A_390 = arith.addi %mul3A_388, %add3A_389 : i32
      %dma_start3A_391 = arith.constant 0 : i32
      %dma_start3A_392 = tpu.memref_slice %arg15[%add3A_390, %dma_start3A_391] : memref<512x32xf32, #tpu.memory_space<vmem>> -> memref<1x32xf32, #tpu.memory_space<vmem>>
      %dma_start3A_393 = tpu.memref_squeeze %dma_start3A_392 : memref<1x32xf32, #tpu.memory_space<vmem>> -> memref<32xf32, #tpu.memory_space<vmem>>
      %dma_start3A_394 = arith.constant 0 : i32
      %dma_start3A_395 = tpu.memref_slice %arg3[%squeeze3A_386, %dma_start3A_394] : memref<1000000x32xf32, #tpu.memory_space<hbm>> -> memref<1x32xf32, #tpu.memory_space<hbm>>
      %dma_start3A_396 = tpu.memref_squeeze %dma_start3A_395 : memref<1x32xf32, #tpu.memory_space<hbm>> -> memref<32xf32, #tpu.memory_space<hbm>>
      %dma_start3A_397 = arith.constant 0 : i32
      %dma_start3A_398 = tpu.memref_slice %arg15[%add3A_390, %dma_start3A_397] : memref<512x32xf32, #tpu.memory_space<vmem>> -> memref<1x32xf32, #tpu.memory_space<vmem>>
      %dma_start3A_399 = tpu.memref_squeeze %dma_start3A_398 : memref<1x32xf32, #tpu.memory_space<vmem>> -> memref<32xf32, #tpu.memory_space<vmem>>
      %dma_start3A_400 = arith.constant 0 : i32
      %dma_start3A_401 = tpu.memref_slice %arg3[%squeeze3A_386, %dma_start3A_400] : memref<1000000x32xf32, #tpu.memory_space<hbm>> -> memref<1x32xf32, #tpu.memory_space<hbm>>
      %dma_start3A_402 = tpu.memref_squeeze %dma_start3A_401 : memref<1x32xf32, #tpu.memory_space<hbm>> -> memref<32xf32, #tpu.memory_space<hbm>>
      tpu.enqueue_dma source(%dma_start3A_402 : memref<32xf32, #tpu.memory_space<hbm>>) target(%dma_start3A_399 : memref<32xf32, #tpu.memory_space<vmem>>) target_semaphore(%arg19 : memref<!tpu.dma_semaphore, #tpu.memory_space<semaphore_mem>>)
      %slice3A_403 = vector.extract_strided_slice %get3A_189 {offsets = [12], sizes = [1], strides = [1]} : vector<16xi32> to vector<1xi32>
      %squeeze3A_404 = vector.extract %slice3A_403[0] : i32 from vector<1xi32>
      %mul3A_405 = arith.constant 16 : i32
      %mul3A_406 = arith.muli %scan3A_185, %mul3A_405 : i32
      %add3A_407 = arith.constant 12 : i32
      %add3A_408 = arith.addi %mul3A_406, %add3A_407 : i32
      %dma_start3A_409 = arith.constant 0 : i32
      %dma_start3A_410 = tpu.memref_slice %arg15[%add3A_408, %dma_start3A_409] : memref<512x32xf32, #tpu.memory_space<vmem>> -> memref<1x32xf32, #tpu.memory_space<vmem>>
      %dma_start3A_411 = tpu.memref_squeeze %dma_start3A_410 : memref<1x32xf32, #tpu.memory_space<vmem>> -> memref<32xf32, #tpu.memory_space<vmem>>
      %dma_start3A_412 = arith.constant 0 : i32
      %dma_start3A_413 = tpu.memref_slice %arg3[%squeeze3A_404, %dma_start3A_412] : memref<1000000x32xf32, #tpu.memory_space<hbm>> -> memref<1x32xf32, #tpu.memory_space<hbm>>
      %dma_start3A_414 = tpu.memref_squeeze %dma_start3A_413 : memref<1x32xf32, #tpu.memory_space<hbm>> -> memref<32xf32, #tpu.memory_space<hbm>>
      %dma_start3A_415 = arith.constant 0 : i32
      %dma_start3A_416 = tpu.memref_slice %arg15[%add3A_408, %dma_start3A_415] : memref<512x32xf32, #tpu.memory_space<vmem>> -> memref<1x32xf32, #tpu.memory_space<vmem>>
      %dma_start3A_417 = tpu.memref_squeeze %dma_start3A_416 : memref<1x32xf32, #tpu.memory_space<vmem>> -> memref<32xf32, #tpu.memory_space<vmem>>
      %dma_start3A_418 = arith.constant 0 : i32
      %dma_start3A_419 = tpu.memref_slice %arg3[%squeeze3A_404, %dma_start3A_418] : memref<1000000x32xf32, #tpu.memory_space<hbm>> -> memref<1x32xf32, #tpu.memory_space<hbm>>
      %dma_start3A_420 = tpu.memref_squeeze %dma_start3A_419 : memref<1x32xf32, #tpu.memory_space<hbm>> -> memref<32xf32, #tpu.memory_space<hbm>>
      tpu.enqueue_dma source(%dma_start3A_420 : memref<32xf32, #tpu.memory_space<hbm>>) target(%dma_start3A_417 : memref<32xf32, #tpu.memory_space<vmem>>) target_semaphore(%arg16 : memref<!tpu.dma_semaphore, #tpu.memory_space<semaphore_mem>>)
      %slice3A_421 = vector.extract_strided_slice %get3A_189 {offsets = [13], sizes = [1], strides = [1]} : vector<16xi32> to vector<1xi32>
      %squeeze3A_422 = vector.extract %slice3A_421[0] : i32 from vector<1xi32>
      %mul3A_423 = arith.constant 16 : i32
      %mul3A_424 = arith.muli %scan3A_185, %mul3A_423 : i32
      %add3A_425 = arith.constant 13 : i32
      %add3A_426 = arith.addi %mul3A_424, %add3A_425 : i32
      %dma_start3A_427 = arith.constant 0 : i32
      %dma_start3A_428 = tpu.memref_slice %arg15[%add3A_426, %dma_start3A_427] : memref<512x32xf32, #tpu.memory_space<vmem>> -> memref<1x32xf32, #tpu.memory_space<vmem>>
      %dma_start3A_429 = tpu.memref_squeeze %dma_start3A_428 : memref<1x32xf32, #tpu.memory_space<vmem>> -> memref<32xf32, #tpu.memory_space<vmem>>
      %dma_start3A_430 = arith.constant 0 : i32
      %dma_start3A_431 = tpu.memref_slice %arg3[%squeeze3A_422, %dma_start3A_430] : memref<1000000x32xf32, #tpu.memory_space<hbm>> -> memref<1x32xf32, #tpu.memory_space<hbm>>
      %dma_start3A_432 = tpu.memref_squeeze %dma_start3A_431 : memref<1x32xf32, #tpu.memory_space<hbm>> -> memref<32xf32, #tpu.memory_space<hbm>>
      %dma_start3A_433 = arith.constant 0 : i32
      %dma_start3A_434 = tpu.memref_slice %arg15[%add3A_426, %dma_start3A_433] : memref<512x32xf32, #tpu.memory_space<vmem>> -> memref<1x32xf32, #tpu.memory_space<vmem>>
      %dma_start3A_435 = tpu.memref_squeeze %dma_start3A_434 : memref<1x32xf32, #tpu.memory_space<vmem>> -> memref<32xf32, #tpu.memory_space<vmem>>
      %dma_start3A_436 = arith.constant 0 : i32
      %dma_start3A_437 = tpu.memref_slice %arg3[%squeeze3A_422, %dma_start3A_436] : memref<1000000x32xf32, #tpu.memory_space<hbm>> -> memref<1x32xf32, #tpu.memory_space<hbm>>
      %dma_start3A_438 = tpu.memref_squeeze %dma_start3A_437 : memref<1x32xf32, #tpu.memory_space<hbm>> -> memref<32xf32, #tpu.memory_space<hbm>>
      tpu.enqueue_dma source(%dma_start3A_438 : memref<32xf32, #tpu.memory_space<hbm>>) target(%dma_start3A_435 : memref<32xf32, #tpu.memory_space<vmem>>) target_semaphore(%arg17 : memref<!tpu.dma_semaphore, #tpu.memory_space<semaphore_mem>>)
      %slice3A_439 = vector.extract_strided_slice %get3A_189 {offsets = [14], sizes = [1], strides = [1]} : vector<16xi32> to vector<1xi32>
      %squeeze3A_440 = vector.extract %slice3A_439[0] : i32 from vector<1xi32>
      %mul3A_441 = arith.constant 16 : i32
      %mul3A_442 = arith.muli %scan3A_185, %mul3A_441 : i32
      %add3A_443 = arith.constant 14 : i32
      %add3A_444 = arith.addi %mul3A_442, %add3A_443 : i32
      %dma_start3A_445 = arith.constant 0 : i32
      %dma_start3A_446 = tpu.memref_slice %arg15[%add3A_444, %dma_start3A_445] : memref<512x32xf32, #tpu.memory_space<vmem>> -> memref<1x32xf32, #tpu.memory_space<vmem>>
      %dma_start3A_447 = tpu.memref_squeeze %dma_start3A_446 : memref<1x32xf32, #tpu.memory_space<vmem>> -> memref<32xf32, #tpu.memory_space<vmem>>
      %dma_start3A_448 = arith.constant 0 : i32
      %dma_start3A_449 = tpu.memref_slice %arg3[%squeeze3A_440, %dma_start3A_448] : memref<1000000x32xf32, #tpu.memory_space<hbm>> -> memref<1x32xf32, #tpu.memory_space<hbm>>
      %dma_start3A_450 = tpu.memref_squeeze %dma_start3A_449 : memref<1x32xf32, #tpu.memory_space<hbm>> -> memref<32xf32, #tpu.memory_space<hbm>>
      %dma_start3A_451 = arith.constant 0 : i32
      %dma_start3A_452 = tpu.memref_slice %arg15[%add3A_444, %dma_start3A_451] : memref<512x32xf32, #tpu.memory_space<vmem>> -> memref<1x32xf32, #tpu.memory_space<vmem>>
      %dma_start3A_453 = tpu.memref_squeeze %dma_start3A_452 : memref<1x32xf32, #tpu.memory_space<vmem>> -> memref<32xf32, #tpu.memory_space<vmem>>
      %dma_start3A_454 = arith.constant 0 : i32
      %dma_start3A_455 = tpu.memref_slice %arg3[%squeeze3A_440, %dma_start3A_454] : memref<1000000x32xf32, #tpu.memory_space<hbm>> -> memref<1x32xf32, #tpu.memory_space<hbm>>
      %dma_start3A_456 = tpu.memref_squeeze %dma_start3A_455 : memref<1x32xf32, #tpu.memory_space<hbm>> -> memref<32xf32, #tpu.memory_space<hbm>>
      tpu.enqueue_dma source(%dma_start3A_456 : memref<32xf32, #tpu.memory_space<hbm>>) target(%dma_start3A_453 : memref<32xf32, #tpu.memory_space<vmem>>) target_semaphore(%arg18 : memref<!tpu.dma_semaphore, #tpu.memory_space<semaphore_mem>>)
      %slice3A_457 = vector.extract_strided_slice %get3A_189 {offsets = [15], sizes = [1], strides = [1]} : vector<16xi32> to vector<1xi32>
      %squeeze3A_458 = vector.extract %slice3A_457[0] : i32 from vector<1xi32>
      %mul3A_459 = arith.constant 16 : i32
      %mul3A_460 = arith.muli %scan3A_185, %mul3A_459 : i32
      %add3A_461 = arith.constant 15 : i32
      %add3A_462 = arith.addi %mul3A_460, %add3A_461 : i32
      %dma_start3A_463 = arith.constant 0 : i32
      %dma_start3A_464 = tpu.memref_slice %arg15[%add3A_462, %dma_start3A_463] : memref<512x32xf32, #tpu.memory_space<vmem>> -> memref<1x32xf32, #tpu.memory_space<vmem>>
      %dma_start3A_465 = tpu.memref_squeeze %dma_start3A_464 : memref<1x32xf32, #tpu.memory_space<vmem>> -> memref<32xf32, #tpu.memory_space<vmem>>
      %dma_start3A_466 = arith.constant 0 : i32
      %dma_start3A_467 = tpu.memref_slice %arg3[%squeeze3A_458, %dma_start3A_466] : memref<1000000x32xf32, #tpu.memory_space<hbm>> -> memref<1x32xf32, #tpu.memory_space<hbm>>
      %dma_start3A_468 = tpu.memref_squeeze %dma_start3A_467 : memref<1x32xf32, #tpu.memory_space<hbm>> -> memref<32xf32, #tpu.memory_space<hbm>>
      %dma_start3A_469 = arith.constant 0 : i32
      %dma_start3A_470 = tpu.memref_slice %arg15[%add3A_462, %dma_start3A_469] : memref<512x32xf32, #tpu.memory_space<vmem>> -> memref<1x32xf32, #tpu.memory_space<vmem>>
      %dma_start3A_471 = tpu.memref_squeeze %dma_start3A_470 : memref<1x32xf32, #tpu.memory_space<vmem>> -> memref<32xf32, #tpu.memory_space<vmem>>
      %dma_start3A_472 = arith.constant 0 : i32
      %dma_start3A_473 = tpu.memref_slice %arg3[%squeeze3A_458, %dma_start3A_472] : memref<1000000x32xf32, #tpu.memory_space<hbm>> -> memref<1x32xf32, #tpu.memory_space<hbm>>
      %dma_start3A_474 = tpu.memref_squeeze %dma_start3A_473 : memref<1x32xf32, #tpu.memory_space<hbm>> -> memref<32xf32, #tpu.memory_space<hbm>>
      tpu.enqueue_dma source(%dma_start3A_474 : memref<32xf32, #tpu.memory_space<hbm>>) target(%dma_start3A_471 : memref<32xf32, #tpu.memory_space<vmem>>) target_semaphore(%arg19 : memref<!tpu.dma_semaphore, #tpu.memory_space<semaphore_mem>>)
    }
    %scan3A_52 = arith.constant 32 : i32
    %dma_wait3A_53 = arith.constant 0 : i32
    %dma_wait3A_54 = arith.constant 0 : i32
    %dma_wait3A_55 = tpu.memref_slice %arg15[%dma_wait3A_53, %dma_wait3A_54] : memref<512x32xf32, #tpu.memory_space<vmem>> -> memref<128x32xf32, #tpu.memory_space<vmem>>
    %dma_wait3A_56 = arith.constant 0 : i32
    %dma_wait3A_57 = tpu.memref_slice %arg11[%mul3A_2, %dma_wait3A_56] : memref<16384x32xf32, #tpu.memory_space<hbm>> -> memref<128x32xf32, #tpu.memory_space<hbm>>
    %dma_wait3A_58 = arith.constant 0 : i32
    %dma_wait3A_59 = arith.constant 0 : i32
    %dma_wait3A_60 = tpu.memref_slice %arg15[%dma_wait3A_58, %dma_wait3A_59] : memref<512x32xf32, #tpu.memory_space<vmem>> -> memref<128x32xf32, #tpu.memory_space<vmem>>
    %dma_wait3A_61 = arith.constant 0 : i32
    %dma_wait3A_62 = tpu.memref_slice %arg11[%mul3A_2, %dma_wait3A_61] : memref<16384x32xf32, #tpu.memory_space<hbm>> -> memref<128x32xf32, #tpu.memory_space<hbm>>
    tpu.wait_dma2 semaphore(%arg16 : memref<!tpu.dma_semaphore, #tpu.memory_space<semaphore_mem>>) src(%dma_wait3A_62 : memref<128x32xf32, #tpu.memory_space<hbm>>) dst(%dma_wait3A_60 : memref<128x32xf32, #tpu.memory_space<vmem>>)
    %dma_wait3A_63 = arith.constant 0 : i32
    %dma_wait3A_64 = arith.constant 0 : i32
    %dma_wait3A_65 = tpu.memref_slice %arg15[%dma_wait3A_63, %dma_wait3A_64] : memref<512x32xf32, #tpu.memory_space<vmem>> -> memref<128x32xf32, #tpu.memory_space<vmem>>
    %dma_wait3A_66 = arith.constant 0 : i32
    %dma_wait3A_67 = tpu.memref_slice %arg11[%mul3A_2, %dma_wait3A_66] : memref<16384x32xf32, #tpu.memory_space<hbm>> -> memref<128x32xf32, #tpu.memory_space<hbm>>
    %dma_wait3A_68 = arith.constant 0 : i32
    %dma_wait3A_69 = arith.constant 0 : i32
    %dma_wait3A_70 = tpu.memref_slice %arg15[%dma_wait3A_68, %dma_wait3A_69] : memref<512x32xf32, #tpu.memory_space<vmem>> -> memref<128x32xf32, #tpu.memory_space<vmem>>
    %dma_wait3A_71 = arith.constant 0 : i32
    %dma_wait3A_72 = tpu.memref_slice %arg11[%mul3A_2, %dma_wait3A_71] : memref<16384x32xf32, #tpu.memory_space<hbm>> -> memref<128x32xf32, #tpu.memory_space<hbm>>
    tpu.wait_dma2 semaphore(%arg17 : memref<!tpu.dma_semaphore, #tpu.memory_space<semaphore_mem>>) src(%dma_wait3A_72 : memref<128x32xf32, #tpu.memory_space<hbm>>) dst(%dma_wait3A_70 : memref<128x32xf32, #tpu.memory_space<vmem>>)
    %dma_wait3A_73 = arith.constant 0 : i32
    %dma_wait3A_74 = arith.constant 0 : i32
    %dma_wait3A_75 = tpu.memref_slice %arg15[%dma_wait3A_73, %dma_wait3A_74] : memref<512x32xf32, #tpu.memory_space<vmem>> -> memref<128x32xf32, #tpu.memory_space<vmem>>
    %dma_wait3A_76 = arith.constant 0 : i32
    %dma_wait3A_77 = tpu.memref_slice %arg11[%mul3A_2, %dma_wait3A_76] : memref<16384x32xf32, #tpu.memory_space<hbm>> -> memref<128x32xf32, #tpu.memory_space<hbm>>
    %dma_wait3A_78 = arith.constant 0 : i32
    %dma_wait3A_79 = arith.constant 0 : i32
    %dma_wait3A_80 = tpu.memref_slice %arg15[%dma_wait3A_78, %dma_wait3A_79] : memref<512x32xf32, #tpu.memory_space<vmem>> -> memref<128x32xf32, #tpu.memory_space<vmem>>
    %dma_wait3A_81 = arith.constant 0 : i32
    %dma_wait3A_82 = tpu.memref_slice %arg11[%mul3A_2, %dma_wait3A_81] : memref<16384x32xf32, #tpu.memory_space<hbm>> -> memref<128x32xf32, #tpu.memory_space<hbm>>
    tpu.wait_dma2 semaphore(%arg18 : memref<!tpu.dma_semaphore, #tpu.memory_space<semaphore_mem>>) src(%dma_wait3A_82 : memref<128x32xf32, #tpu.memory_space<hbm>>) dst(%dma_wait3A_80 : memref<128x32xf32, #tpu.memory_space<vmem>>)
    %dma_wait3A_83 = arith.constant 0 : i32
    %dma_wait3A_84 = arith.constant 0 : i32
    %dma_wait3A_85 = tpu.memref_slice %arg15[%dma_wait3A_83, %dma_wait3A_84] : memref<512x32xf32, #tpu.memory_space<vmem>> -> memref<128x32xf32, #tpu.memory_space<vmem>>
    %dma_wait3A_86 = arith.constant 0 : i32
    %dma_wait3A_87 = tpu.memref_slice %arg11[%mul3A_2, %dma_wait3A_86] : memref<16384x32xf32, #tpu.memory_space<hbm>> -> memref<128x32xf32, #tpu.memory_space<hbm>>
    %dma_wait3A_88 = arith.constant 0 : i32
    %dma_wait3A_89 = arith.constant 0 : i32
    %dma_wait3A_90 = tpu.memref_slice %arg15[%dma_wait3A_88, %dma_wait3A_89] : memref<512x32xf32, #tpu.memory_space<vmem>> -> memref<128x32xf32, #tpu.memory_space<vmem>>
    %dma_wait3A_91 = arith.constant 0 : i32
    %dma_wait3A_92 = tpu.memref_slice %arg11[%mul3A_2, %dma_wait3A_91] : memref<16384x32xf32, #tpu.memory_space<hbm>> -> memref<128x32xf32, #tpu.memory_space<hbm>>
    tpu.wait_dma2 semaphore(%arg19 : memref<!tpu.dma_semaphore, #tpu.memory_space<semaphore_mem>>) src(%dma_wait3A_92 : memref<128x32xf32, #tpu.memory_space<hbm>>) dst(%dma_wait3A_90 : memref<128x32xf32, #tpu.memory_space<vmem>>)
    "tpu.region"() ({
      %run_scoped3A = tpu.sem_alloc : memref<!tpu.dma_semaphore, #tpu.memory_space<semaphore_mem>>
      %dma_start3A = arith.constant 0 : i32
      %dma_start3A_185 = tpu.memref_slice %arg11[%mul3A_2, %dma_start3A] : memref<16384x32xf32, #tpu.memory_space<hbm>> -> memref<512x32xf32, #tpu.memory_space<hbm>>
      %dma_start3A_186 = arith.constant 0 : i32
      %dma_start3A_187 = tpu.memref_slice %arg11[%mul3A_2, %dma_start3A_186] : memref<16384x32xf32, #tpu.memory_space<hbm>> -> memref<512x32xf32, #tpu.memory_space<hbm>>
      tpu.enqueue_dma source(%arg15 : memref<512x32xf32, #tpu.memory_space<vmem>>) target(%dma_start3A_187 : memref<512x32xf32, #tpu.memory_space<hbm>>) target_semaphore(%run_scoped3A : memref<!tpu.dma_semaphore, #tpu.memory_space<semaphore_mem>>)
      %dma_wait3A_188 = arith.constant 0 : i32
      %dma_wait3A_189 = tpu.memref_slice %arg11[%mul3A_2, %dma_wait3A_188] : memref<16384x32xf32, #tpu.memory_space<hbm>> -> memref<512x32xf32, #tpu.memory_space<hbm>>
      %dma_wait3A_190 = arith.constant 0 : i32
      %dma_wait3A_191 = tpu.memref_slice %arg11[%mul3A_2, %dma_wait3A_190] : memref<16384x32xf32, #tpu.memory_space<hbm>> -> memref<512x32xf32, #tpu.memory_space<hbm>>
      tpu.wait_dma2 semaphore(%run_scoped3A : memref<!tpu.dma_semaphore, #tpu.memory_space<semaphore_mem>>) src(%arg15 : memref<512x32xf32, #tpu.memory_space<vmem>>) dst(%dma_wait3A_191 : memref<512x32xf32, #tpu.memory_space<hbm>>)
      tpu.yield
    }) : () -> ()
    "tpu.region"() ({
      %run_scoped3A = tpu.sem_alloc : memref<!tpu.dma_semaphore, #tpu.memory_space<semaphore_mem>>
      %dma_start3A = tpu.memref_slice %arg8[%mul3A_2] : memref<16384xi32, #tpu.memory_space<hbm>> -> memref<512xi32, #tpu.memory_space<hbm>>
      %dma_start3A_185 = tpu.memref_slice %arg8[%mul3A_2] : memref<16384xi32, #tpu.memory_space<hbm>> -> memref<512xi32, #tpu.memory_space<hbm>>
      tpu.enqueue_dma source(%dma_start3A_185 : memref<512xi32, #tpu.memory_space<hbm>>) target(%arg14 : memref<512xi32, #tpu.memory_space<vmem>>) target_semaphore(%run_scoped3A : memref<!tpu.dma_semaphore, #tpu.memory_space<semaphore_mem>>)
      %dma_wait3A_186 = tpu.memref_slice %arg8[%mul3A_2] : memref<16384xi32, #tpu.memory_space<hbm>> -> memref<512xi32, #tpu.memory_space<hbm>>
      %dma_wait3A_187 = tpu.memref_slice %arg8[%mul3A_2] : memref<16384xi32, #tpu.memory_space<hbm>> -> memref<512xi32, #tpu.memory_space<hbm>>
      tpu.wait_dma2 semaphore(%run_scoped3A : memref<!tpu.dma_semaphore, #tpu.memory_space<semaphore_mem>>) src(%dma_wait3A_187 : memref<512xi32, #tpu.memory_space<hbm>>) dst(%arg14 : memref<512xi32, #tpu.memory_space<vmem>>)
      tpu.yield
    }) : () -> ()
    %scan3A_93 = arith.constant 0 : i32
    %scan3A_94 = arith.constant 0 : i32
    %scan3A_95 = arith.constant 32 : i32
    %scan3A_96 = arith.addi %scan3A_94, %scan3A_95 : i32
    %scan3A_97 = arith.constant 1 : i32
    scf.for %scan3A_185 = %scan3A_94 to %scan3A_96 step %scan3A_97  : i32 {
      %mul3A_186 = arith.constant 16 : i32
      %mul3A_187 = arith.muli %scan3A_185, %mul3A_186 : i32
      %get3A = arith.index_cast %mul3A_187 : i32 to index
      %get3A_188 = tpu.vector_load %arg14[%get3A] {strides = array<i32>} : memref<512xi32, #tpu.memory_space<vmem>>, vector<16xi32>,
      %get3A_189 = vector.shape_cast %get3A_188 : vector<16xi32> to vector<16xi32>
      %slice3A = vector.extract_strided_slice %get3A_189 {offsets = [0], sizes = [1], strides = [1]} : vector<16xi32> to vector<1xi32>
      %squeeze3A = vector.extract %slice3A[0] : i32 from vector<1xi32>
      %mul3A_190 = arith.constant 16 : i32
      %mul3A_191 = arith.muli %scan3A_185, %mul3A_190 : i32
      %add3A_192 = arith.constant 0 : i32
      %add3A_193 = arith.addi %mul3A_191, %add3A_192 : i32
      %dma_start3A = arith.constant 0 : i32
      %dma_start3A_194 = tpu.memref_slice %arg15[%add3A_193, %dma_start3A] : memref<512x32xf32, #tpu.memory_space<vmem>> -> memref<1x32xf32, #tpu.memory_space<vmem>>
      %dma_start3A_195 = tpu.memref_squeeze %dma_start3A_194 : memref<1x32xf32, #tpu.memory_space<vmem>> -> memref<32xf32, #tpu.memory_space<vmem>>
      %dma_start3A_196 = arith.constant 0 : i32
      %dma_start3A_197 = tpu.memref_slice %arg4[%squeeze3A, %dma_start3A_196] : memref<1000x32xf32, #tpu.memory_space<hbm>> -> memref<1x32xf32, #tpu.memory_space<hbm>>
      %dma_start3A_198 = tpu.memref_squeeze %dma_start3A_197 : memref<1x32xf32, #tpu.memory_space<hbm>> -> memref<32xf32, #tpu.memory_space<hbm>>
      %dma_start3A_199 = arith.constant 0 : i32
      %dma_start3A_200 = tpu.memref_slice %arg15[%add3A_193, %dma_start3A_199] : memref<512x32xf32, #tpu.memory_space<vmem>> -> memref<1x32xf32, #tpu.memory_space<vmem>>
      %dma_start3A_201 = tpu.memref_squeeze %dma_start3A_200 : memref<1x32xf32, #tpu.memory_space<vmem>> -> memref<32xf32, #tpu.memory_space<vmem>>
      %dma_start3A_202 = arith.constant 0 : i32
      %dma_start3A_203 = tpu.memref_slice %arg4[%squeeze3A, %dma_start3A_202] : memref<1000x32xf32, #tpu.memory_space<hbm>> -> memref<1x32xf32, #tpu.memory_space<hbm>>
      %dma_start3A_204 = tpu.memref_squeeze %dma_start3A_203 : memref<1x32xf32, #tpu.memory_space<hbm>> -> memref<32xf32, #tpu.memory_space<hbm>>
      tpu.enqueue_dma source(%dma_start3A_204 : memref<32xf32, #tpu.memory_space<hbm>>) target(%dma_start3A_201 : memref<32xf32, #tpu.memory_space<vmem>>) target_semaphore(%arg16 : memref<!tpu.dma_semaphore, #tpu.memory_space<semaphore_mem>>)
      %slice3A_205 = vector.extract_strided_slice %get3A_189 {offsets = [1], sizes = [1], strides = [1]} : vector<16xi32> to vector<1xi32>
      %squeeze3A_206 = vector.extract %slice3A_205[0] : i32 from vector<1xi32>
      %mul3A_207 = arith.constant 16 : i32
      %mul3A_208 = arith.muli %scan3A_185, %mul3A_207 : i32
      %add3A_209 = arith.constant 1 : i32
      %add3A_210 = arith.addi %mul3A_208, %add3A_209 : i32
      %dma_start3A_211 = arith.constant 0 : i32
      %dma_start3A_212 = tpu.memref_slice %arg15[%add3A_210, %dma_start3A_211] : memref<512x32xf32, #tpu.memory_space<vmem>> -> memref<1x32xf32, #tpu.memory_space<vmem>>
      %dma_start3A_213 = tpu.memref_squeeze %dma_start3A_212 : memref<1x32xf32, #tpu.memory_space<vmem>> -> memref<32xf32, #tpu.memory_space<vmem>>
      %dma_start3A_214 = arith.constant 0 : i32
      %dma_start3A_215 = tpu.memref_slice %arg4[%squeeze3A_206, %dma_start3A_214] : memref<1000x32xf32, #tpu.memory_space<hbm>> -> memref<1x32xf32, #tpu.memory_space<hbm>>
      %dma_start3A_216 = tpu.memref_squeeze %dma_start3A_215 : memref<1x32xf32, #tpu.memory_space<hbm>> -> memref<32xf32, #tpu.memory_space<hbm>>
      %dma_start3A_217 = arith.constant 0 : i32
      %dma_start3A_218 = tpu.memref_slice %arg15[%add3A_210, %dma_start3A_217] : memref<512x32xf32, #tpu.memory_space<vmem>> -> memref<1x32xf32, #tpu.memory_space<vmem>>
      %dma_start3A_219 = tpu.memref_squeeze %dma_start3A_218 : memref<1x32xf32, #tpu.memory_space<vmem>> -> memref<32xf32, #tpu.memory_space<vmem>>
      %dma_start3A_220 = arith.constant 0 : i32
      %dma_start3A_221 = tpu.memref_slice %arg4[%squeeze3A_206, %dma_start3A_220] : memref<1000x32xf32, #tpu.memory_space<hbm>> -> memref<1x32xf32, #tpu.memory_space<hbm>>
      %dma_start3A_222 = tpu.memref_squeeze %dma_start3A_221 : memref<1x32xf32, #tpu.memory_space<hbm>> -> memref<32xf32, #tpu.memory_space<hbm>>
      tpu.enqueue_dma source(%dma_start3A_222 : memref<32xf32, #tpu.memory_space<hbm>>) target(%dma_start3A_219 : memref<32xf32, #tpu.memory_space<vmem>>) target_semaphore(%arg17 : memref<!tpu.dma_semaphore, #tpu.memory_space<semaphore_mem>>)
      %slice3A_223 = vector.extract_strided_slice %get3A_189 {offsets = [2], sizes = [1], strides = [1]} : vector<16xi32> to vector<1xi32>
      %squeeze3A_224 = vector.extract %slice3A_223[0] : i32 from vector<1xi32>
      %mul3A_225 = arith.constant 16 : i32
      %mul3A_226 = arith.muli %scan3A_185, %mul3A_225 : i32
      %add3A_227 = arith.constant 2 : i32
      %add3A_228 = arith.addi %mul3A_226, %add3A_227 : i32
      %dma_start3A_229 = arith.constant 0 : i32
      %dma_start3A_230 = tpu.memref_slice %arg15[%add3A_228, %dma_start3A_229] : memref<512x32xf32, #tpu.memory_space<vmem>> -> memref<1x32xf32, #tpu.memory_space<vmem>>
      %dma_start3A_231 = tpu.memref_squeeze %dma_start3A_230 : memref<1x32xf32, #tpu.memory_space<vmem>> -> memref<32xf32, #tpu.memory_space<vmem>>
      %dma_start3A_232 = arith.constant 0 : i32
      %dma_start3A_233 = tpu.memref_slice %arg4[%squeeze3A_224, %dma_start3A_232] : memref<1000x32xf32, #tpu.memory_space<hbm>> -> memref<1x32xf32, #tpu.memory_space<hbm>>
      %dma_start3A_234 = tpu.memref_squeeze %dma_start3A_233 : memref<1x32xf32, #tpu.memory_space<hbm>> -> memref<32xf32, #tpu.memory_space<hbm>>
      %dma_start3A_235 = arith.constant 0 : i32
      %dma_start3A_236 = tpu.memref_slice %arg15[%add3A_228, %dma_start3A_235] : memref<512x32xf32, #tpu.memory_space<vmem>> -> memref<1x32xf32, #tpu.memory_space<vmem>>
      %dma_start3A_237 = tpu.memref_squeeze %dma_start3A_236 : memref<1x32xf32, #tpu.memory_space<vmem>> -> memref<32xf32, #tpu.memory_space<vmem>>
      %dma_start3A_238 = arith.constant 0 : i32
      %dma_start3A_239 = tpu.memref_slice %arg4[%squeeze3A_224, %dma_start3A_238] : memref<1000x32xf32, #tpu.memory_space<hbm>> -> memref<1x32xf32, #tpu.memory_space<hbm>>
      %dma_start3A_240 = tpu.memref_squeeze %dma_start3A_239 : memref<1x32xf32, #tpu.memory_space<hbm>> -> memref<32xf32, #tpu.memory_space<hbm>>
      tpu.enqueue_dma source(%dma_start3A_240 : memref<32xf32, #tpu.memory_space<hbm>>) target(%dma_start3A_237 : memref<32xf32, #tpu.memory_space<vmem>>) target_semaphore(%arg18 : memref<!tpu.dma_semaphore, #tpu.memory_space<semaphore_mem>>)
      %slice3A_241 = vector.extract_strided_slice %get3A_189 {offsets = [3], sizes = [1], strides = [1]} : vector<16xi32> to vector<1xi32>
      %squeeze3A_242 = vector.extract %slice3A_241[0] : i32 from vector<1xi32>
      %mul3A_243 = arith.constant 16 : i32
      %mul3A_244 = arith.muli %scan3A_185, %mul3A_243 : i32
      %add3A_245 = arith.constant 3 : i32
      %add3A_246 = arith.addi %mul3A_244, %add3A_245 : i32
      %dma_start3A_247 = arith.constant 0 : i32
      %dma_start3A_248 = tpu.memref_slice %arg15[%add3A_246, %dma_start3A_247] : memref<512x32xf32, #tpu.memory_space<vmem>> -> memref<1x32xf32, #tpu.memory_space<vmem>>
      %dma_start3A_249 = tpu.memref_squeeze %dma_start3A_248 : memref<1x32xf32, #tpu.memory_space<vmem>> -> memref<32xf32, #tpu.memory_space<vmem>>
      %dma_start3A_250 = arith.constant 0 : i32
      %dma_start3A_251 = tpu.memref_slice %arg4[%squeeze3A_242, %dma_start3A_250] : memref<1000x32xf32, #tpu.memory_space<hbm>> -> memref<1x32xf32, #tpu.memory_space<hbm>>
      %dma_start3A_252 = tpu.memref_squeeze %dma_start3A_251 : memref<1x32xf32, #tpu.memory_space<hbm>> -> memref<32xf32, #tpu.memory_space<hbm>>
      %dma_start3A_253 = arith.constant 0 : i32
      %dma_start3A_254 = tpu.memref_slice %arg15[%add3A_246, %dma_start3A_253] : memref<512x32xf32, #tpu.memory_space<vmem>> -> memref<1x32xf32, #tpu.memory_space<vmem>>
      %dma_start3A_255 = tpu.memref_squeeze %dma_start3A_254 : memref<1x32xf32, #tpu.memory_space<vmem>> -> memref<32xf32, #tpu.memory_space<vmem>>
      %dma_start3A_256 = arith.constant 0 : i32
      %dma_start3A_257 = tpu.memref_slice %arg4[%squeeze3A_242, %dma_start3A_256] : memref<1000x32xf32, #tpu.memory_space<hbm>> -> memref<1x32xf32, #tpu.memory_space<hbm>>
      %dma_start3A_258 = tpu.memref_squeeze %dma_start3A_257 : memref<1x32xf32, #tpu.memory_space<hbm>> -> memref<32xf32, #tpu.memory_space<hbm>>
      tpu.enqueue_dma source(%dma_start3A_258 : memref<32xf32, #tpu.memory_space<hbm>>) target(%dma_start3A_255 : memref<32xf32, #tpu.memory_space<vmem>>) target_semaphore(%arg19 : memref<!tpu.dma_semaphore, #tpu.memory_space<semaphore_mem>>)
      %slice3A_259 = vector.extract_strided_slice %get3A_189 {offsets = [4], sizes = [1], strides = [1]} : vector<16xi32> to vector<1xi32>
      %squeeze3A_260 = vector.extract %slice3A_259[0] : i32 from vector<1xi32>
      %mul3A_261 = arith.constant 16 : i32
      %mul3A_262 = arith.muli %scan3A_185, %mul3A_261 : i32
      %add3A_263 = arith.constant 4 : i32
      %add3A_264 = arith.addi %mul3A_262, %add3A_263 : i32
      %dma_start3A_265 = arith.constant 0 : i32
      %dma_start3A_266 = tpu.memref_slice %arg15[%add3A_264, %dma_start3A_265] : memref<512x32xf32, #tpu.memory_space<vmem>> -> memref<1x32xf32, #tpu.memory_space<vmem>>
      %dma_start3A_267 = tpu.memref_squeeze %dma_start3A_266 : memref<1x32xf32, #tpu.memory_space<vmem>> -> memref<32xf32, #tpu.memory_space<vmem>>
      %dma_start3A_268 = arith.constant 0 : i32
      %dma_start3A_269 = tpu.memref_slice %arg4[%squeeze3A_260, %dma_start3A_268] : memref<1000x32xf32, #tpu.memory_space<hbm>> -> memref<1x32xf32, #tpu.memory_space<hbm>>
      %dma_start3A_270 = tpu.memref_squeeze %dma_start3A_269 : memref<1x32xf32, #tpu.memory_space<hbm>> -> memref<32xf32, #tpu.memory_space<hbm>>
      %dma_start3A_271 = arith.constant 0 : i32
      %dma_start3A_272 = tpu.memref_slice %arg15[%add3A_264, %dma_start3A_271] : memref<512x32xf32, #tpu.memory_space<vmem>> -> memref<1x32xf32, #tpu.memory_space<vmem>>
      %dma_start3A_273 = tpu.memref_squeeze %dma_start3A_272 : memref<1x32xf32, #tpu.memory_space<vmem>> -> memref<32xf32, #tpu.memory_space<vmem>>
      %dma_start3A_274 = arith.constant 0 : i32
      %dma_start3A_275 = tpu.memref_slice %arg4[%squeeze3A_260, %dma_start3A_274] : memref<1000x32xf32, #tpu.memory_space<hbm>> -> memref<1x32xf32, #tpu.memory_space<hbm>>
      %dma_start3A_276 = tpu.memref_squeeze %dma_start3A_275 : memref<1x32xf32, #tpu.memory_space<hbm>> -> memref<32xf32, #tpu.memory_space<hbm>>
      tpu.enqueue_dma source(%dma_start3A_276 : memref<32xf32, #tpu.memory_space<hbm>>) target(%dma_start3A_273 : memref<32xf32, #tpu.memory_space<vmem>>) target_semaphore(%arg16 : memref<!tpu.dma_semaphore, #tpu.memory_space<semaphore_mem>>)
      %slice3A_277 = vector.extract_strided_slice %get3A_189 {offsets = [5], sizes = [1], strides = [1]} : vector<16xi32> to vector<1xi32>
      %squeeze3A_278 = vector.extract %slice3A_277[0] : i32 from vector<1xi32>
      %mul3A_279 = arith.constant 16 : i32
      %mul3A_280 = arith.muli %scan3A_185, %mul3A_279 : i32
      %add3A_281 = arith.constant 5 : i32
      %add3A_282 = arith.addi %mul3A_280, %add3A_281 : i32
      %dma_start3A_283 = arith.constant 0 : i32
      %dma_start3A_284 = tpu.memref_slice %arg15[%add3A_282, %dma_start3A_283] : memref<512x32xf32, #tpu.memory_space<vmem>> -> memref<1x32xf32, #tpu.memory_space<vmem>>
      %dma_start3A_285 = tpu.memref_squeeze %dma_start3A_284 : memref<1x32xf32, #tpu.memory_space<vmem>> -> memref<32xf32, #tpu.memory_space<vmem>>
      %dma_start3A_286 = arith.constant 0 : i32
      %dma_start3A_287 = tpu.memref_slice %arg4[%squeeze3A_278, %dma_start3A_286] : memref<1000x32xf32, #tpu.memory_space<hbm>> -> memref<1x32xf32, #tpu.memory_space<hbm>>
      %dma_start3A_288 = tpu.memref_squeeze %dma_start3A_287 : memref<1x32xf32, #tpu.memory_space<hbm>> -> memref<32xf32, #tpu.memory_space<hbm>>
      %dma_start3A_289 = arith.constant 0 : i32
      %dma_start3A_290 = tpu.memref_slice %arg15[%add3A_282, %dma_start3A_289] : memref<512x32xf32, #tpu.memory_space<vmem>> -> memref<1x32xf32, #tpu.memory_space<vmem>>
      %dma_start3A_291 = tpu.memref_squeeze %dma_start3A_290 : memref<1x32xf32, #tpu.memory_space<vmem>> -> memref<32xf32, #tpu.memory_space<vmem>>
      %dma_start3A_292 = arith.constant 0 : i32
      %dma_start3A_293 = tpu.memref_slice %arg4[%squeeze3A_278, %dma_start3A_292] : memref<1000x32xf32, #tpu.memory_space<hbm>> -> memref<1x32xf32, #tpu.memory_space<hbm>>
      %dma_start3A_294 = tpu.memref_squeeze %dma_start3A_293 : memref<1x32xf32, #tpu.memory_space<hbm>> -> memref<32xf32, #tpu.memory_space<hbm>>
      tpu.enqueue_dma source(%dma_start3A_294 : memref<32xf32, #tpu.memory_space<hbm>>) target(%dma_start3A_291 : memref<32xf32, #tpu.memory_space<vmem>>) target_semaphore(%arg17 : memref<!tpu.dma_semaphore, #tpu.memory_space<semaphore_mem>>)
      %slice3A_295 = vector.extract_strided_slice %get3A_189 {offsets = [6], sizes = [1], strides = [1]} : vector<16xi32> to vector<1xi32>
      %squeeze3A_296 = vector.extract %slice3A_295[0] : i32 from vector<1xi32>
      %mul3A_297 = arith.constant 16 : i32
      %mul3A_298 = arith.muli %scan3A_185, %mul3A_297 : i32
      %add3A_299 = arith.constant 6 : i32
      %add3A_300 = arith.addi %mul3A_298, %add3A_299 : i32
      %dma_start3A_301 = arith.constant 0 : i32
      %dma_start3A_302 = tpu.memref_slice %arg15[%add3A_300, %dma_start3A_301] : memref<512x32xf32, #tpu.memory_space<vmem>> -> memref<1x32xf32, #tpu.memory_space<vmem>>
      %dma_start3A_303 = tpu.memref_squeeze %dma_start3A_302 : memref<1x32xf32, #tpu.memory_space<vmem>> -> memref<32xf32, #tpu.memory_space<vmem>>
      %dma_start3A_304 = arith.constant 0 : i32
      %dma_start3A_305 = tpu.memref_slice %arg4[%squeeze3A_296, %dma_start3A_304] : memref<1000x32xf32, #tpu.memory_space<hbm>> -> memref<1x32xf32, #tpu.memory_space<hbm>>
      %dma_start3A_306 = tpu.memref_squeeze %dma_start3A_305 : memref<1x32xf32, #tpu.memory_space<hbm>> -> memref<32xf32, #tpu.memory_space<hbm>>
      %dma_start3A_307 = arith.constant 0 : i32
      %dma_start3A_308 = tpu.memref_slice %arg15[%add3A_300, %dma_start3A_307] : memref<512x32xf32, #tpu.memory_space<vmem>> -> memref<1x32xf32, #tpu.memory_space<vmem>>
      %dma_start3A_309 = tpu.memref_squeeze %dma_start3A_308 : memref<1x32xf32, #tpu.memory_space<vmem>> -> memref<32xf32, #tpu.memory_space<vmem>>
      %dma_start3A_310 = arith.constant 0 : i32
      %dma_start3A_311 = tpu.memref_slice %arg4[%squeeze3A_296, %dma_start3A_310] : memref<1000x32xf32, #tpu.memory_space<hbm>> -> memref<1x32xf32, #tpu.memory_space<hbm>>
      %dma_start3A_312 = tpu.memref_squeeze %dma_start3A_311 : memref<1x32xf32, #tpu.memory_space<hbm>> -> memref<32xf32, #tpu.memory_space<hbm>>
      tpu.enqueue_dma source(%dma_start3A_312 : memref<32xf32, #tpu.memory_space<hbm>>) target(%dma_start3A_309 : memref<32xf32, #tpu.memory_space<vmem>>) target_semaphore(%arg18 : memref<!tpu.dma_semaphore, #tpu.memory_space<semaphore_mem>>)
      %slice3A_313 = vector.extract_strided_slice %get3A_189 {offsets = [7], sizes = [1], strides = [1]} : vector<16xi32> to vector<1xi32>
      %squeeze3A_314 = vector.extract %slice3A_313[0] : i32 from vector<1xi32>
      %mul3A_315 = arith.constant 16 : i32
      %mul3A_316 = arith.muli %scan3A_185, %mul3A_315 : i32
      %add3A_317 = arith.constant 7 : i32
      %add3A_318 = arith.addi %mul3A_316, %add3A_317 : i32
      %dma_start3A_319 = arith.constant 0 : i32
      %dma_start3A_320 = tpu.memref_slice %arg15[%add3A_318, %dma_start3A_319] : memref<512x32xf32, #tpu.memory_space<vmem>> -> memref<1x32xf32, #tpu.memory_space<vmem>>
      %dma_start3A_321 = tpu.memref_squeeze %dma_start3A_320 : memref<1x32xf32, #tpu.memory_space<vmem>> -> memref<32xf32, #tpu.memory_space<vmem>>
      %dma_start3A_322 = arith.constant 0 : i32
      %dma_start3A_323 = tpu.memref_slice %arg4[%squeeze3A_314, %dma_start3A_322] : memref<1000x32xf32, #tpu.memory_space<hbm>> -> memref<1x32xf32, #tpu.memory_space<hbm>>
      %dma_start3A_324 = tpu.memref_squeeze %dma_start3A_323 : memref<1x32xf32, #tpu.memory_space<hbm>> -> memref<32xf32, #tpu.memory_space<hbm>>
      %dma_start3A_325 = arith.constant 0 : i32
      %dma_start3A_326 = tpu.memref_slice %arg15[%add3A_318, %dma_start3A_325] : memref<512x32xf32, #tpu.memory_space<vmem>> -> memref<1x32xf32, #tpu.memory_space<vmem>>
      %dma_start3A_327 = tpu.memref_squeeze %dma_start3A_326 : memref<1x32xf32, #tpu.memory_space<vmem>> -> memref<32xf32, #tpu.memory_space<vmem>>
      %dma_start3A_328 = arith.constant 0 : i32
      %dma_start3A_329 = tpu.memref_slice %arg4[%squeeze3A_314, %dma_start3A_328] : memref<1000x32xf32, #tpu.memory_space<hbm>> -> memref<1x32xf32, #tpu.memory_space<hbm>>
      %dma_start3A_330 = tpu.memref_squeeze %dma_start3A_329 : memref<1x32xf32, #tpu.memory_space<hbm>> -> memref<32xf32, #tpu.memory_space<hbm>>
      tpu.enqueue_dma source(%dma_start3A_330 : memref<32xf32, #tpu.memory_space<hbm>>) target(%dma_start3A_327 : memref<32xf32, #tpu.memory_space<vmem>>) target_semaphore(%arg19 : memref<!tpu.dma_semaphore, #tpu.memory_space<semaphore_mem>>)
      %slice3A_331 = vector.extract_strided_slice %get3A_189 {offsets = [8], sizes = [1], strides = [1]} : vector<16xi32> to vector<1xi32>
      %squeeze3A_332 = vector.extract %slice3A_331[0] : i32 from vector<1xi32>
      %mul3A_333 = arith.constant 16 : i32
      %mul3A_334 = arith.muli %scan3A_185, %mul3A_333 : i32
      %add3A_335 = arith.constant 8 : i32
      %add3A_336 = arith.addi %mul3A_334, %add3A_335 : i32
      %dma_start3A_337 = arith.constant 0 : i32
      %dma_start3A_338 = tpu.memref_slice %arg15[%add3A_336, %dma_start3A_337] : memref<512x32xf32, #tpu.memory_space<vmem>> -> memref<1x32xf32, #tpu.memory_space<vmem>>
      %dma_start3A_339 = tpu.memref_squeeze %dma_start3A_338 : memref<1x32xf32, #tpu.memory_space<vmem>> -> memref<32xf32, #tpu.memory_space<vmem>>
      %dma_start3A_340 = arith.constant 0 : i32
      %dma_start3A_341 = tpu.memref_slice %arg4[%squeeze3A_332, %dma_start3A_340] : memref<1000x32xf32, #tpu.memory_space<hbm>> -> memref<1x32xf32, #tpu.memory_space<hbm>>
      %dma_start3A_342 = tpu.memref_squeeze %dma_start3A_341 : memref<1x32xf32, #tpu.memory_space<hbm>> -> memref<32xf32, #tpu.memory_space<hbm>>
      %dma_start3A_343 = arith.constant 0 : i32
      %dma_start3A_344 = tpu.memref_slice %arg15[%add3A_336, %dma_start3A_343] : memref<512x32xf32, #tpu.memory_space<vmem>> -> memref<1x32xf32, #tpu.memory_space<vmem>>
      %dma_start3A_345 = tpu.memref_squeeze %dma_start3A_344 : memref<1x32xf32, #tpu.memory_space<vmem>> -> memref<32xf32, #tpu.memory_space<vmem>>
      %dma_start3A_346 = arith.constant 0 : i32
      %dma_start3A_347 = tpu.memref_slice %arg4[%squeeze3A_332, %dma_start3A_346] : memref<1000x32xf32, #tpu.memory_space<hbm>> -> memref<1x32xf32, #tpu.memory_space<hbm>>
      %dma_start3A_348 = tpu.memref_squeeze %dma_start3A_347 : memref<1x32xf32, #tpu.memory_space<hbm>> -> memref<32xf32, #tpu.memory_space<hbm>>
      tpu.enqueue_dma source(%dma_start3A_348 : memref<32xf32, #tpu.memory_space<hbm>>) target(%dma_start3A_345 : memref<32xf32, #tpu.memory_space<vmem>>) target_semaphore(%arg16 : memref<!tpu.dma_semaphore, #tpu.memory_space<semaphore_mem>>)
      %slice3A_349 = vector.extract_strided_slice %get3A_189 {offsets = [9], sizes = [1], strides = [1]} : vector<16xi32> to vector<1xi32>
      %squeeze3A_350 = vector.extract %slice3A_349[0] : i32 from vector<1xi32>
      %mul3A_351 = arith.constant 16 : i32
      %mul3A_352 = arith.muli %scan3A_185, %mul3A_351 : i32
      %add3A_353 = arith.constant 9 : i32
      %add3A_354 = arith.addi %mul3A_352, %add3A_353 : i32
      %dma_start3A_355 = arith.constant 0 : i32
      %dma_start3A_356 = tpu.memref_slice %arg15[%add3A_354, %dma_start3A_355] : memref<512x32xf32, #tpu.memory_space<vmem>> -> memref<1x32xf32, #tpu.memory_space<vmem>>
      %dma_start3A_357 = tpu.memref_squeeze %dma_start3A_356 : memref<1x32xf32, #tpu.memory_space<vmem>> -> memref<32xf32, #tpu.memory_space<vmem>>
      %dma_start3A_358 = arith.constant 0 : i32
      %dma_start3A_359 = tpu.memref_slice %arg4[%squeeze3A_350, %dma_start3A_358] : memref<1000x32xf32, #tpu.memory_space<hbm>> -> memref<1x32xf32, #tpu.memory_space<hbm>>
      %dma_start3A_360 = tpu.memref_squeeze %dma_start3A_359 : memref<1x32xf32, #tpu.memory_space<hbm>> -> memref<32xf32, #tpu.memory_space<hbm>>
      %dma_start3A_361 = arith.constant 0 : i32
      %dma_start3A_362 = tpu.memref_slice %arg15[%add3A_354, %dma_start3A_361] : memref<512x32xf32, #tpu.memory_space<vmem>> -> memref<1x32xf32, #tpu.memory_space<vmem>>
      %dma_start3A_363 = tpu.memref_squeeze %dma_start3A_362 : memref<1x32xf32, #tpu.memory_space<vmem>> -> memref<32xf32, #tpu.memory_space<vmem>>
      %dma_start3A_364 = arith.constant 0 : i32
      %dma_start3A_365 = tpu.memref_slice %arg4[%squeeze3A_350, %dma_start3A_364] : memref<1000x32xf32, #tpu.memory_space<hbm>> -> memref<1x32xf32, #tpu.memory_space<hbm>>
      %dma_start3A_366 = tpu.memref_squeeze %dma_start3A_365 : memref<1x32xf32, #tpu.memory_space<hbm>> -> memref<32xf32, #tpu.memory_space<hbm>>
      tpu.enqueue_dma source(%dma_start3A_366 : memref<32xf32, #tpu.memory_space<hbm>>) target(%dma_start3A_363 : memref<32xf32, #tpu.memory_space<vmem>>) target_semaphore(%arg17 : memref<!tpu.dma_semaphore, #tpu.memory_space<semaphore_mem>>)
      %slice3A_367 = vector.extract_strided_slice %get3A_189 {offsets = [10], sizes = [1], strides = [1]} : vector<16xi32> to vector<1xi32>
      %squeeze3A_368 = vector.extract %slice3A_367[0] : i32 from vector<1xi32>
      %mul3A_369 = arith.constant 16 : i32
      %mul3A_370 = arith.muli %scan3A_185, %mul3A_369 : i32
      %add3A_371 = arith.constant 10 : i32
      %add3A_372 = arith.addi %mul3A_370, %add3A_371 : i32
      %dma_start3A_373 = arith.constant 0 : i32
      %dma_start3A_374 = tpu.memref_slice %arg15[%add3A_372, %dma_start3A_373] : memref<512x32xf32, #tpu.memory_space<vmem>> -> memref<1x32xf32, #tpu.memory_space<vmem>>
      %dma_start3A_375 = tpu.memref_squeeze %dma_start3A_374 : memref<1x32xf32, #tpu.memory_space<vmem>> -> memref<32xf32, #tpu.memory_space<vmem>>
      %dma_start3A_376 = arith.constant 0 : i32
      %dma_start3A_377 = tpu.memref_slice %arg4[%squeeze3A_368, %dma_start3A_376] : memref<1000x32xf32, #tpu.memory_space<hbm>> -> memref<1x32xf32, #tpu.memory_space<hbm>>
      %dma_start3A_378 = tpu.memref_squeeze %dma_start3A_377 : memref<1x32xf32, #tpu.memory_space<hbm>> -> memref<32xf32, #tpu.memory_space<hbm>>
      %dma_start3A_379 = arith.constant 0 : i32
      %dma_start3A_380 = tpu.memref_slice %arg15[%add3A_372, %dma_start3A_379] : memref<512x32xf32, #tpu.memory_space<vmem>> -> memref<1x32xf32, #tpu.memory_space<vmem>>
      %dma_start3A_381 = tpu.memref_squeeze %dma_start3A_380 : memref<1x32xf32, #tpu.memory_space<vmem>> -> memref<32xf32, #tpu.memory_space<vmem>>
      %dma_start3A_382 = arith.constant 0 : i32
      %dma_start3A_383 = tpu.memref_slice %arg4[%squeeze3A_368, %dma_start3A_382] : memref<1000x32xf32, #tpu.memory_space<hbm>> -> memref<1x32xf32, #tpu.memory_space<hbm>>
      %dma_start3A_384 = tpu.memref_squeeze %dma_start3A_383 : memref<1x32xf32, #tpu.memory_space<hbm>> -> memref<32xf32, #tpu.memory_space<hbm>>
      tpu.enqueue_dma source(%dma_start3A_384 : memref<32xf32, #tpu.memory_space<hbm>>) target(%dma_start3A_381 : memref<32xf32, #tpu.memory_space<vmem>>) target_semaphore(%arg18 : memref<!tpu.dma_semaphore, #tpu.memory_space<semaphore_mem>>)
      %slice3A_385 = vector.extract_strided_slice %get3A_189 {offsets = [11], sizes = [1], strides = [1]} : vector<16xi32> to vector<1xi32>
      %squeeze3A_386 = vector.extract %slice3A_385[0] : i32 from vector<1xi32>
      %mul3A_387 = arith.constant 16 : i32
      %mul3A_388 = arith.muli %scan3A_185, %mul3A_387 : i32
      %add3A_389 = arith.constant 11 : i32
      %add3A_390 = arith.addi %mul3A_388, %add3A_389 : i32
      %dma_start3A_391 = arith.constant 0 : i32
      %dma_start3A_392 = tpu.memref_slice %arg15[%add3A_390, %dma_start3A_391] : memref<512x32xf32, #tpu.memory_space<vmem>> -> memref<1x32xf32, #tpu.memory_space<vmem>>
      %dma_start3A_393 = tpu.memref_squeeze %dma_start3A_392 : memref<1x32xf32, #tpu.memory_space<vmem>> -> memref<32xf32, #tpu.memory_space<vmem>>
      %dma_start3A_394 = arith.constant 0 : i32
      %dma_start3A_395 = tpu.memref_slice %arg4[%squeeze3A_386, %dma_start3A_394] : memref<1000x32xf32, #tpu.memory_space<hbm>> -> memref<1x32xf32, #tpu.memory_space<hbm>>
      %dma_start3A_396 = tpu.memref_squeeze %dma_start3A_395 : memref<1x32xf32, #tpu.memory_space<hbm>> -> memref<32xf32, #tpu.memory_space<hbm>>
      %dma_start3A_397 = arith.constant 0 : i32
      %dma_start3A_398 = tpu.memref_slice %arg15[%add3A_390, %dma_start3A_397] : memref<512x32xf32, #tpu.memory_space<vmem>> -> memref<1x32xf32, #tpu.memory_space<vmem>>
      %dma_start3A_399 = tpu.memref_squeeze %dma_start3A_398 : memref<1x32xf32, #tpu.memory_space<vmem>> -> memref<32xf32, #tpu.memory_space<vmem>>
      %dma_start3A_400 = arith.constant 0 : i32
      %dma_start3A_401 = tpu.memref_slice %arg4[%squeeze3A_386, %dma_start3A_400] : memref<1000x32xf32, #tpu.memory_space<hbm>> -> memref<1x32xf32, #tpu.memory_space<hbm>>
      %dma_start3A_402 = tpu.memref_squeeze %dma_start3A_401 : memref<1x32xf32, #tpu.memory_space<hbm>> -> memref<32xf32, #tpu.memory_space<hbm>>
      tpu.enqueue_dma source(%dma_start3A_402 : memref<32xf32, #tpu.memory_space<hbm>>) target(%dma_start3A_399 : memref<32xf32, #tpu.memory_space<vmem>>) target_semaphore(%arg19 : memref<!tpu.dma_semaphore, #tpu.memory_space<semaphore_mem>>)
      %slice3A_403 = vector.extract_strided_slice %get3A_189 {offsets = [12], sizes = [1], strides = [1]} : vector<16xi32> to vector<1xi32>
      %squeeze3A_404 = vector.extract %slice3A_403[0] : i32 from vector<1xi32>
      %mul3A_405 = arith.constant 16 : i32
      %mul3A_406 = arith.muli %scan3A_185, %mul3A_405 : i32
      %add3A_407 = arith.constant 12 : i32
      %add3A_408 = arith.addi %mul3A_406, %add3A_407 : i32
      %dma_start3A_409 = arith.constant 0 : i32
      %dma_start3A_410 = tpu.memref_slice %arg15[%add3A_408, %dma_start3A_409] : memref<512x32xf32, #tpu.memory_space<vmem>> -> memref<1x32xf32, #tpu.memory_space<vmem>>
      %dma_start3A_411 = tpu.memref_squeeze %dma_start3A_410 : memref<1x32xf32, #tpu.memory_space<vmem>> -> memref<32xf32, #tpu.memory_space<vmem>>
      %dma_start3A_412 = arith.constant 0 : i32
      %dma_start3A_413 = tpu.memref_slice %arg4[%squeeze3A_404, %dma_start3A_412] : memref<1000x32xf32, #tpu.memory_space<hbm>> -> memref<1x32xf32, #tpu.memory_space<hbm>>
      %dma_start3A_414 = tpu.memref_squeeze %dma_start3A_413 : memref<1x32xf32, #tpu.memory_space<hbm>> -> memref<32xf32, #tpu.memory_space<hbm>>
      %dma_start3A_415 = arith.constant 0 : i32
      %dma_start3A_416 = tpu.memref_slice %arg15[%add3A_408, %dma_start3A_415] : memref<512x32xf32, #tpu.memory_space<vmem>> -> memref<1x32xf32, #tpu.memory_space<vmem>>
      %dma_start3A_417 = tpu.memref_squeeze %dma_start3A_416 : memref<1x32xf32, #tpu.memory_space<vmem>> -> memref<32xf32, #tpu.memory_space<vmem>>
      %dma_start3A_418 = arith.constant 0 : i32
      %dma_start3A_419 = tpu.memref_slice %arg4[%squeeze3A_404, %dma_start3A_418] : memref<1000x32xf32, #tpu.memory_space<hbm>> -> memref<1x32xf32, #tpu.memory_space<hbm>>
      %dma_start3A_420 = tpu.memref_squeeze %dma_start3A_419 : memref<1x32xf32, #tpu.memory_space<hbm>> -> memref<32xf32, #tpu.memory_space<hbm>>
      tpu.enqueue_dma source(%dma_start3A_420 : memref<32xf32, #tpu.memory_space<hbm>>) target(%dma_start3A_417 : memref<32xf32, #tpu.memory_space<vmem>>) target_semaphore(%arg16 : memref<!tpu.dma_semaphore, #tpu.memory_space<semaphore_mem>>)
      %slice3A_421 = vector.extract_strided_slice %get3A_189 {offsets = [13], sizes = [1], strides = [1]} : vector<16xi32> to vector<1xi32>
      %squeeze3A_422 = vector.extract %slice3A_421[0] : i32 from vector<1xi32>
      %mul3A_423 = arith.constant 16 : i32
      %mul3A_424 = arith.muli %scan3A_185, %mul3A_423 : i32
      %add3A_425 = arith.constant 13 : i32
      %add3A_426 = arith.addi %mul3A_424, %add3A_425 : i32
      %dma_start3A_427 = arith.constant 0 : i32
      %dma_start3A_428 = tpu.memref_slice %arg15[%add3A_426, %dma_start3A_427] : memref<512x32xf32, #tpu.memory_space<vmem>> -> memref<1x32xf32, #tpu.memory_space<vmem>>
      %dma_start3A_429 = tpu.memref_squeeze %dma_start3A_428 : memref<1x32xf32, #tpu.memory_space<vmem>> -> memref<32xf32, #tpu.memory_space<vmem>>
      %dma_start3A_430 = arith.constant 0 : i32
      %dma_start3A_431 = tpu.memref_slice %arg4[%squeeze3A_422, %dma_start3A_430] : memref<1000x32xf32, #tpu.memory_space<hbm>> -> memref<1x32xf32, #tpu.memory_space<hbm>>
      %dma_start3A_432 = tpu.memref_squeeze %dma_start3A_431 : memref<1x32xf32, #tpu.memory_space<hbm>> -> memref<32xf32, #tpu.memory_space<hbm>>
      %dma_start3A_433 = arith.constant 0 : i32
      %dma_start3A_434 = tpu.memref_slice %arg15[%add3A_426, %dma_start3A_433] : memref<512x32xf32, #tpu.memory_space<vmem>> -> memref<1x32xf32, #tpu.memory_space<vmem>>
      %dma_start3A_435 = tpu.memref_squeeze %dma_start3A_434 : memref<1x32xf32, #tpu.memory_space<vmem>> -> memref<32xf32, #tpu.memory_space<vmem>>
      %dma_start3A_436 = arith.constant 0 : i32
      %dma_start3A_437 = tpu.memref_slice %arg4[%squeeze3A_422, %dma_start3A_436] : memref<1000x32xf32, #tpu.memory_space<hbm>> -> memref<1x32xf32, #tpu.memory_space<hbm>>
      %dma_start3A_438 = tpu.memref_squeeze %dma_start3A_437 : memref<1x32xf32, #tpu.memory_space<hbm>> -> memref<32xf32, #tpu.memory_space<hbm>>
      tpu.enqueue_dma source(%dma_start3A_438 : memref<32xf32, #tpu.memory_space<hbm>>) target(%dma_start3A_435 : memref<32xf32, #tpu.memory_space<vmem>>) target_semaphore(%arg17 : memref<!tpu.dma_semaphore, #tpu.memory_space<semaphore_mem>>)
      %slice3A_439 = vector.extract_strided_slice %get3A_189 {offsets = [14], sizes = [1], strides = [1]} : vector<16xi32> to vector<1xi32>
      %squeeze3A_440 = vector.extract %slice3A_439[0] : i32 from vector<1xi32>
      %mul3A_441 = arith.constant 16 : i32
      %mul3A_442 = arith.muli %scan3A_185, %mul3A_441 : i32
      %add3A_443 = arith.constant 14 : i32
      %add3A_444 = arith.addi %mul3A_442, %add3A_443 : i32
      %dma_start3A_445 = arith.constant 0 : i32
      %dma_start3A_446 = tpu.memref_slice %arg15[%add3A_444, %dma_start3A_445] : memref<512x32xf32, #tpu.memory_space<vmem>> -> memref<1x32xf32, #tpu.memory_space<vmem>>
      %dma_start3A_447 = tpu.memref_squeeze %dma_start3A_446 : memref<1x32xf32, #tpu.memory_space<vmem>> -> memref<32xf32, #tpu.memory_space<vmem>>
      %dma_start3A_448 = arith.constant 0 : i32
      %dma_start3A_449 = tpu.memref_slice %arg4[%squeeze3A_440, %dma_start3A_448] : memref<1000x32xf32, #tpu.memory_space<hbm>> -> memref<1x32xf32, #tpu.memory_space<hbm>>
      %dma_start3A_450 = tpu.memref_squeeze %dma_start3A_449 : memref<1x32xf32, #tpu.memory_space<hbm>> -> memref<32xf32, #tpu.memory_space<hbm>>
      %dma_start3A_451 = arith.constant 0 : i32
      %dma_start3A_452 = tpu.memref_slice %arg15[%add3A_444, %dma_start3A_451] : memref<512x32xf32, #tpu.memory_space<vmem>> -> memref<1x32xf32, #tpu.memory_space<vmem>>
      %dma_start3A_453 = tpu.memref_squeeze %dma_start3A_452 : memref<1x32xf32, #tpu.memory_space<vmem>> -> memref<32xf32, #tpu.memory_space<vmem>>
      %dma_start3A_454 = arith.constant 0 : i32
      %dma_start3A_455 = tpu.memref_slice %arg4[%squeeze3A_440, %dma_start3A_454] : memref<1000x32xf32, #tpu.memory_space<hbm>> -> memref<1x32xf32, #tpu.memory_space<hbm>>
      %dma_start3A_456 = tpu.memref_squeeze %dma_start3A_455 : memref<1x32xf32, #tpu.memory_space<hbm>> -> memref<32xf32, #tpu.memory_space<hbm>>
      tpu.enqueue_dma source(%dma_start3A_456 : memref<32xf32, #tpu.memory_space<hbm>>) target(%dma_start3A_453 : memref<32xf32, #tpu.memory_space<vmem>>) target_semaphore(%arg18 : memref<!tpu.dma_semaphore, #tpu.memory_space<semaphore_mem>>)
      %slice3A_457 = vector.extract_strided_slice %get3A_189 {offsets = [15], sizes = [1], strides = [1]} : vector<16xi32> to vector<1xi32>
      %squeeze3A_458 = vector.extract %slice3A_457[0] : i32 from vector<1xi32>
      %mul3A_459 = arith.constant 16 : i32
      %mul3A_460 = arith.muli %scan3A_185, %mul3A_459 : i32
      %add3A_461 = arith.constant 15 : i32
      %add3A_462 = arith.addi %mul3A_460, %add3A_461 : i32
      %dma_start3A_463 = arith.constant 0 : i32
      %dma_start3A_464 = tpu.memref_slice %arg15[%add3A_462, %dma_start3A_463] : memref<512x32xf32, #tpu.memory_space<vmem>> -> memref<1x32xf32, #tpu.memory_space<vmem>>
      %dma_start3A_465 = tpu.memref_squeeze %dma_start3A_464 : memref<1x32xf32, #tpu.memory_space<vmem>> -> memref<32xf32, #tpu.memory_space<vmem>>
      %dma_start3A_466 = arith.constant 0 : i32
      %dma_start3A_467 = tpu.memref_slice %arg4[%squeeze3A_458, %dma_start3A_466] : memref<1000x32xf32, #tpu.memory_space<hbm>> -> memref<1x32xf32, #tpu.memory_space<hbm>>
      %dma_start3A_468 = tpu.memref_squeeze %dma_start3A_467 : memref<1x32xf32, #tpu.memory_space<hbm>> -> memref<32xf32, #tpu.memory_space<hbm>>
      %dma_start3A_469 = arith.constant 0 : i32
      %dma_start3A_470 = tpu.memref_slice %arg15[%add3A_462, %dma_start3A_469] : memref<512x32xf32, #tpu.memory_space<vmem>> -> memref<1x32xf32, #tpu.memory_space<vmem>>
      %dma_start3A_471 = tpu.memref_squeeze %dma_start3A_470 : memref<1x32xf32, #tpu.memory_space<vmem>> -> memref<32xf32, #tpu.memory_space<vmem>>
      %dma_start3A_472 = arith.constant 0 : i32
      %dma_start3A_473 = tpu.memref_slice %arg4[%squeeze3A_458, %dma_start3A_472] : memref<1000x32xf32, #tpu.memory_space<hbm>> -> memref<1x32xf32, #tpu.memory_space<hbm>>
      %dma_start3A_474 = tpu.memref_squeeze %dma_start3A_473 : memref<1x32xf32, #tpu.memory_space<hbm>> -> memref<32xf32, #tpu.memory_space<hbm>>
      tpu.enqueue_dma source(%dma_start3A_474 : memref<32xf32, #tpu.memory_space<hbm>>) target(%dma_start3A_471 : memref<32xf32, #tpu.memory_space<vmem>>) target_semaphore(%arg19 : memref<!tpu.dma_semaphore, #tpu.memory_space<semaphore_mem>>)
    }
    %scan3A_98 = arith.constant 32 : i32
    %dma_wait3A_99 = arith.constant 0 : i32
    %dma_wait3A_100 = arith.constant 0 : i32
    %dma_wait3A_101 = tpu.memref_slice %arg15[%dma_wait3A_99, %dma_wait3A_100] : memref<512x32xf32, #tpu.memory_space<vmem>> -> memref<128x32xf32, #tpu.memory_space<vmem>>
    %dma_wait3A_102 = arith.constant 0 : i32
    %dma_wait3A_103 = tpu.memref_slice %arg12[%mul3A_2, %dma_wait3A_102] : memref<16384x32xf32, #tpu.memory_space<hbm>> -> memref<128x32xf32, #tpu.memory_space<hbm>>
    %dma_wait3A_104 = arith.constant 0 : i32
    %dma_wait3A_105 = arith.constant 0 : i32
    %dma_wait3A_106 = tpu.memref_slice %arg15[%dma_wait3A_104, %dma_wait3A_105] : memref<512x32xf32, #tpu.memory_space<vmem>> -> memref<128x32xf32, #tpu.memory_space<vmem>>
    %dma_wait3A_107 = arith.constant 0 : i32
    %dma_wait3A_108 = tpu.memref_slice %arg12[%mul3A_2, %dma_wait3A_107] : memref<16384x32xf32, #tpu.memory_space<hbm>> -> memref<128x32xf32, #tpu.memory_space<hbm>>
    tpu.wait_dma2 semaphore(%arg16 : memref<!tpu.dma_semaphore, #tpu.memory_space<semaphore_mem>>) src(%dma_wait3A_108 : memref<128x32xf32, #tpu.memory_space<hbm>>) dst(%dma_wait3A_106 : memref<128x32xf32, #tpu.memory_space<vmem>>)
    %dma_wait3A_109 = arith.constant 0 : i32
    %dma_wait3A_110 = arith.constant 0 : i32
    %dma_wait3A_111 = tpu.memref_slice %arg15[%dma_wait3A_109, %dma_wait3A_110] : memref<512x32xf32, #tpu.memory_space<vmem>> -> memref<128x32xf32, #tpu.memory_space<vmem>>
    %dma_wait3A_112 = arith.constant 0 : i32
    %dma_wait3A_113 = tpu.memref_slice %arg12[%mul3A_2, %dma_wait3A_112] : memref<16384x32xf32, #tpu.memory_space<hbm>> -> memref<128x32xf32, #tpu.memory_space<hbm>>
    %dma_wait3A_114 = arith.constant 0 : i32
    %dma_wait3A_115 = arith.constant 0 : i32
    %dma_wait3A_116 = tpu.memref_slice %arg15[%dma_wait3A_114, %dma_wait3A_115] : memref<512x32xf32, #tpu.memory_space<vmem>> -> memref<128x32xf32, #tpu.memory_space<vmem>>
    %dma_wait3A_117 = arith.constant 0 : i32
    %dma_wait3A_118 = tpu.memref_slice %arg12[%mul3A_2, %dma_wait3A_117] : memref<16384x32xf32, #tpu.memory_space<hbm>> -> memref<128x32xf32, #tpu.memory_space<hbm>>
    tpu.wait_dma2 semaphore(%arg17 : memref<!tpu.dma_semaphore, #tpu.memory_space<semaphore_mem>>) src(%dma_wait3A_118 : memref<128x32xf32, #tpu.memory_space<hbm>>) dst(%dma_wait3A_116 : memref<128x32xf32, #tpu.memory_space<vmem>>)
    %dma_wait3A_119 = arith.constant 0 : i32
    %dma_wait3A_120 = arith.constant 0 : i32
    %dma_wait3A_121 = tpu.memref_slice %arg15[%dma_wait3A_119, %dma_wait3A_120] : memref<512x32xf32, #tpu.memory_space<vmem>> -> memref<128x32xf32, #tpu.memory_space<vmem>>
    %dma_wait3A_122 = arith.constant 0 : i32
    %dma_wait3A_123 = tpu.memref_slice %arg12[%mul3A_2, %dma_wait3A_122] : memref<16384x32xf32, #tpu.memory_space<hbm>> -> memref<128x32xf32, #tpu.memory_space<hbm>>
    %dma_wait3A_124 = arith.constant 0 : i32
    %dma_wait3A_125 = arith.constant 0 : i32
    %dma_wait3A_126 = tpu.memref_slice %arg15[%dma_wait3A_124, %dma_wait3A_125] : memref<512x32xf32, #tpu.memory_space<vmem>> -> memref<128x32xf32, #tpu.memory_space<vmem>>
    %dma_wait3A_127 = arith.constant 0 : i32
    %dma_wait3A_128 = tpu.memref_slice %arg12[%mul3A_2, %dma_wait3A_127] : memref<16384x32xf32, #tpu.memory_space<hbm>> -> memref<128x32xf32, #tpu.memory_space<hbm>>
    tpu.wait_dma2 semaphore(%arg18 : memref<!tpu.dma_semaphore, #tpu.memory_space<semaphore_mem>>) src(%dma_wait3A_128 : memref<128x32xf32, #tpu.memory_space<hbm>>) dst(%dma_wait3A_126 : memref<128x32xf32, #tpu.memory_space<vmem>>)
    %dma_wait3A_129 = arith.constant 0 : i32
    %dma_wait3A_130 = arith.constant 0 : i32
    %dma_wait3A_131 = tpu.memref_slice %arg15[%dma_wait3A_129, %dma_wait3A_130] : memref<512x32xf32, #tpu.memory_space<vmem>> -> memref<128x32xf32, #tpu.memory_space<vmem>>
    %dma_wait3A_132 = arith.constant 0 : i32
    %dma_wait3A_133 = tpu.memref_slice %arg12[%mul3A_2, %dma_wait3A_132] : memref<16384x32xf32, #tpu.memory_space<hbm>> -> memref<128x32xf32, #tpu.memory_space<hbm>>
    %dma_wait3A_134 = arith.constant 0 : i32
    %dma_wait3A_135 = arith.constant 0 : i32
    %dma_wait3A_136 = tpu.memref_slice %arg15[%dma_wait3A_134, %dma_wait3A_135] : memref<512x32xf32, #tpu.memory_space<vmem>> -> memref<128x32xf32, #tpu.memory_space<vmem>>
    %dma_wait3A_137 = arith.constant 0 : i32
    %dma_wait3A_138 = tpu.memref_slice %arg12[%mul3A_2, %dma_wait3A_137] : memref<16384x32xf32, #tpu.memory_space<hbm>> -> memref<128x32xf32, #tpu.memory_space<hbm>>
    tpu.wait_dma2 semaphore(%arg19 : memref<!tpu.dma_semaphore, #tpu.memory_space<semaphore_mem>>) src(%dma_wait3A_138 : memref<128x32xf32, #tpu.memory_space<hbm>>) dst(%dma_wait3A_136 : memref<128x32xf32, #tpu.memory_space<vmem>>)
    "tpu.region"() ({
      %run_scoped3A = tpu.sem_alloc : memref<!tpu.dma_semaphore, #tpu.memory_space<semaphore_mem>>
      %dma_start3A = arith.constant 0 : i32
      %dma_start3A_185 = tpu.memref_slice %arg12[%mul3A_2, %dma_start3A] : memref<16384x32xf32, #tpu.memory_space<hbm>> -> memref<512x32xf32, #tpu.memory_space<hbm>>
      %dma_start3A_186 = arith.constant 0 : i32
      %dma_start3A_187 = tpu.memref_slice %arg12[%mul3A_2, %dma_start3A_186] : memref<16384x32xf32, #tpu.memory_space<hbm>> -> memref<512x32xf32, #tpu.memory_space<hbm>>
      tpu.enqueue_dma source(%arg15 : memref<512x32xf32, #tpu.memory_space<vmem>>) target(%dma_start3A_187 : memref<512x32xf32, #tpu.memory_space<hbm>>) target_semaphore(%run_scoped3A : memref<!tpu.dma_semaphore, #tpu.memory_space<semaphore_mem>>)
      %dma_wait3A_188 = arith.constant 0 : i32
      %dma_wait3A_189 = tpu.memref_slice %arg12[%mul3A_2, %dma_wait3A_188] : memref<16384x32xf32, #tpu.memory_space<hbm>> -> memref<512x32xf32, #tpu.memory_space<hbm>>
      %dma_wait3A_190 = arith.constant 0 : i32
      %dma_wait3A_191 = tpu.memref_slice %arg12[%mul3A_2, %dma_wait3A_190] : memref<16384x32xf32, #tpu.memory_space<hbm>> -> memref<512x32xf32, #tpu.memory_space<hbm>>
      tpu.wait_dma2 semaphore(%run_scoped3A : memref<!tpu.dma_semaphore, #tpu.memory_space<semaphore_mem>>) src(%arg15 : memref<512x32xf32, #tpu.memory_space<vmem>>) dst(%dma_wait3A_191 : memref<512x32xf32, #tpu.memory_space<hbm>>)
      tpu.yield
    }) : () -> ()
    "tpu.region"() ({
      %run_scoped3A = tpu.sem_alloc : memref<!tpu.dma_semaphore, #tpu.memory_space<semaphore_mem>>
      %dma_start3A = tpu.memref_slice %arg9[%mul3A_2] : memref<16384xi32, #tpu.memory_space<hbm>> -> memref<512xi32, #tpu.memory_space<hbm>>
      %dma_start3A_185 = tpu.memref_slice %arg9[%mul3A_2] : memref<16384xi32, #tpu.memory_space<hbm>> -> memref<512xi32, #tpu.memory_space<hbm>>
      tpu.enqueue_dma source(%dma_start3A_185 : memref<512xi32, #tpu.memory_space<hbm>>) target(%arg14 : memref<512xi32, #tpu.memory_space<vmem>>) target_semaphore(%run_scoped3A : memref<!tpu.dma_semaphore, #tpu.memory_space<semaphore_mem>>)
      %dma_wait3A_186 = tpu.memref_slice %arg9[%mul3A_2] : memref<16384xi32, #tpu.memory_space<hbm>> -> memref<512xi32, #tpu.memory_space<hbm>>
      %dma_wait3A_187 = tpu.memref_slice %arg9[%mul3A_2] : memref<16384xi32, #tpu.memory_space<hbm>> -> memref<512xi32, #tpu.memory_space<hbm>>
      tpu.wait_dma2 semaphore(%run_scoped3A : memref<!tpu.dma_semaphore, #tpu.memory_space<semaphore_mem>>) src(%dma_wait3A_187 : memref<512xi32, #tpu.memory_space<hbm>>) dst(%arg14 : memref<512xi32, #tpu.memory_space<vmem>>)
      tpu.yield
    }) : () -> ()
    %scan3A_139 = arith.constant 0 : i32
    %scan3A_140 = arith.constant 0 : i32
    %scan3A_141 = arith.constant 32 : i32
    %scan3A_142 = arith.addi %scan3A_140, %scan3A_141 : i32
    %scan3A_143 = arith.constant 1 : i32
    scf.for %scan3A_185 = %scan3A_140 to %scan3A_142 step %scan3A_143  : i32 {
      %mul3A_186 = arith.constant 16 : i32
      %mul3A_187 = arith.muli %scan3A_185, %mul3A_186 : i32
      %get3A = arith.index_cast %mul3A_187 : i32 to index
      %get3A_188 = tpu.vector_load %arg14[%get3A] {strides = array<i32>} : memref<512xi32, #tpu.memory_space<vmem>>, vector<16xi32>,
      %get3A_189 = vector.shape_cast %get3A_188 : vector<16xi32> to vector<16xi32>
      %slice3A = vector.extract_strided_slice %get3A_189 {offsets = [0], sizes = [1], strides = [1]} : vector<16xi32> to vector<1xi32>
      %squeeze3A = vector.extract %slice3A[0] : i32 from vector<1xi32>
      %mul3A_190 = arith.constant 16 : i32
      %mul3A_191 = arith.muli %scan3A_185, %mul3A_190 : i32
      %add3A_192 = arith.constant 0 : i32
      %add3A_193 = arith.addi %mul3A_191, %add3A_192 : i32
      %dma_start3A = arith.constant 0 : i32
      %dma_start3A_194 = tpu.memref_slice %arg15[%add3A_193, %dma_start3A] : memref<512x32xf32, #tpu.memory_space<vmem>> -> memref<1x32xf32, #tpu.memory_space<vmem>>
      %dma_start3A_195 = tpu.memref_squeeze %dma_start3A_194 : memref<1x32xf32, #tpu.memory_space<vmem>> -> memref<32xf32, #tpu.memory_space<vmem>>
      %dma_start3A_196 = arith.constant 0 : i32
      %dma_start3A_197 = tpu.memref_slice %arg5[%squeeze3A, %dma_start3A_196] : memref<100x32xf32, #tpu.memory_space<hbm>> -> memref<1x32xf32, #tpu.memory_space<hbm>>
      %dma_start3A_198 = tpu.memref_squeeze %dma_start3A_197 : memref<1x32xf32, #tpu.memory_space<hbm>> -> memref<32xf32, #tpu.memory_space<hbm>>
      %dma_start3A_199 = arith.constant 0 : i32
      %dma_start3A_200 = tpu.memref_slice %arg15[%add3A_193, %dma_start3A_199] : memref<512x32xf32, #tpu.memory_space<vmem>> -> memref<1x32xf32, #tpu.memory_space<vmem>>
      %dma_start3A_201 = tpu.memref_squeeze %dma_start3A_200 : memref<1x32xf32, #tpu.memory_space<vmem>> -> memref<32xf32, #tpu.memory_space<vmem>>
      %dma_start3A_202 = arith.constant 0 : i32
      %dma_start3A_203 = tpu.memref_slice %arg5[%squeeze3A, %dma_start3A_202] : memref<100x32xf32, #tpu.memory_space<hbm>> -> memref<1x32xf32, #tpu.memory_space<hbm>>
      %dma_start3A_204 = tpu.memref_squeeze %dma_start3A_203 : memref<1x32xf32, #tpu.memory_space<hbm>> -> memref<32xf32, #tpu.memory_space<hbm>>
      tpu.enqueue_dma source(%dma_start3A_204 : memref<32xf32, #tpu.memory_space<hbm>>) target(%dma_start3A_201 : memref<32xf32, #tpu.memory_space<vmem>>) target_semaphore(%arg16 : memref<!tpu.dma_semaphore, #tpu.memory_space<semaphore_mem>>)
      %slice3A_205 = vector.extract_strided_slice %get3A_189 {offsets = [1], sizes = [1], strides = [1]} : vector<16xi32> to vector<1xi32>
      %squeeze3A_206 = vector.extract %slice3A_205[0] : i32 from vector<1xi32>
      %mul3A_207 = arith.constant 16 : i32
      %mul3A_208 = arith.muli %scan3A_185, %mul3A_207 : i32
      %add3A_209 = arith.constant 1 : i32
      %add3A_210 = arith.addi %mul3A_208, %add3A_209 : i32
      %dma_start3A_211 = arith.constant 0 : i32
      %dma_start3A_212 = tpu.memref_slice %arg15[%add3A_210, %dma_start3A_211] : memref<512x32xf32, #tpu.memory_space<vmem>> -> memref<1x32xf32, #tpu.memory_space<vmem>>
      %dma_start3A_213 = tpu.memref_squeeze %dma_start3A_212 : memref<1x32xf32, #tpu.memory_space<vmem>> -> memref<32xf32, #tpu.memory_space<vmem>>
      %dma_start3A_214 = arith.constant 0 : i32
      %dma_start3A_215 = tpu.memref_slice %arg5[%squeeze3A_206, %dma_start3A_214] : memref<100x32xf32, #tpu.memory_space<hbm>> -> memref<1x32xf32, #tpu.memory_space<hbm>>
      %dma_start3A_216 = tpu.memref_squeeze %dma_start3A_215 : memref<1x32xf32, #tpu.memory_space<hbm>> -> memref<32xf32, #tpu.memory_space<hbm>>
      %dma_start3A_217 = arith.constant 0 : i32
      %dma_start3A_218 = tpu.memref_slice %arg15[%add3A_210, %dma_start3A_217] : memref<512x32xf32, #tpu.memory_space<vmem>> -> memref<1x32xf32, #tpu.memory_space<vmem>>
      %dma_start3A_219 = tpu.memref_squeeze %dma_start3A_218 : memref<1x32xf32, #tpu.memory_space<vmem>> -> memref<32xf32, #tpu.memory_space<vmem>>
      %dma_start3A_220 = arith.constant 0 : i32
      %dma_start3A_221 = tpu.memref_slice %arg5[%squeeze3A_206, %dma_start3A_220] : memref<100x32xf32, #tpu.memory_space<hbm>> -> memref<1x32xf32, #tpu.memory_space<hbm>>
      %dma_start3A_222 = tpu.memref_squeeze %dma_start3A_221 : memref<1x32xf32, #tpu.memory_space<hbm>> -> memref<32xf32, #tpu.memory_space<hbm>>
      tpu.enqueue_dma source(%dma_start3A_222 : memref<32xf32, #tpu.memory_space<hbm>>) target(%dma_start3A_219 : memref<32xf32, #tpu.memory_space<vmem>>) target_semaphore(%arg17 : memref<!tpu.dma_semaphore, #tpu.memory_space<semaphore_mem>>)
      %slice3A_223 = vector.extract_strided_slice %get3A_189 {offsets = [2], sizes = [1], strides = [1]} : vector<16xi32> to vector<1xi32>
      %squeeze3A_224 = vector.extract %slice3A_223[0] : i32 from vector<1xi32>
      %mul3A_225 = arith.constant 16 : i32
      %mul3A_226 = arith.muli %scan3A_185, %mul3A_225 : i32
      %add3A_227 = arith.constant 2 : i32
      %add3A_228 = arith.addi %mul3A_226, %add3A_227 : i32
      %dma_start3A_229 = arith.constant 0 : i32
      %dma_start3A_230 = tpu.memref_slice %arg15[%add3A_228, %dma_start3A_229] : memref<512x32xf32, #tpu.memory_space<vmem>> -> memref<1x32xf32, #tpu.memory_space<vmem>>
      %dma_start3A_231 = tpu.memref_squeeze %dma_start3A_230 : memref<1x32xf32, #tpu.memory_space<vmem>> -> memref<32xf32, #tpu.memory_space<vmem>>
      %dma_start3A_232 = arith.constant 0 : i32
      %dma_start3A_233 = tpu.memref_slice %arg5[%squeeze3A_224, %dma_start3A_232] : memref<100x32xf32, #tpu.memory_space<hbm>> -> memref<1x32xf32, #tpu.memory_space<hbm>>
      %dma_start3A_234 = tpu.memref_squeeze %dma_start3A_233 : memref<1x32xf32, #tpu.memory_space<hbm>> -> memref<32xf32, #tpu.memory_space<hbm>>
      %dma_start3A_235 = arith.constant 0 : i32
      %dma_start3A_236 = tpu.memref_slice %arg15[%add3A_228, %dma_start3A_235] : memref<512x32xf32, #tpu.memory_space<vmem>> -> memref<1x32xf32, #tpu.memory_space<vmem>>
      %dma_start3A_237 = tpu.memref_squeeze %dma_start3A_236 : memref<1x32xf32, #tpu.memory_space<vmem>> -> memref<32xf32, #tpu.memory_space<vmem>>
      %dma_start3A_238 = arith.constant 0 : i32
      %dma_start3A_239 = tpu.memref_slice %arg5[%squeeze3A_224, %dma_start3A_238] : memref<100x32xf32, #tpu.memory_space<hbm>> -> memref<1x32xf32, #tpu.memory_space<hbm>>
      %dma_start3A_240 = tpu.memref_squeeze %dma_start3A_239 : memref<1x32xf32, #tpu.memory_space<hbm>> -> memref<32xf32, #tpu.memory_space<hbm>>
      tpu.enqueue_dma source(%dma_start3A_240 : memref<32xf32, #tpu.memory_space<hbm>>) target(%dma_start3A_237 : memref<32xf32, #tpu.memory_space<vmem>>) target_semaphore(%arg18 : memref<!tpu.dma_semaphore, #tpu.memory_space<semaphore_mem>>)
      %slice3A_241 = vector.extract_strided_slice %get3A_189 {offsets = [3], sizes = [1], strides = [1]} : vector<16xi32> to vector<1xi32>
      %squeeze3A_242 = vector.extract %slice3A_241[0] : i32 from vector<1xi32>
      %mul3A_243 = arith.constant 16 : i32
      %mul3A_244 = arith.muli %scan3A_185, %mul3A_243 : i32
      %add3A_245 = arith.constant 3 : i32
      %add3A_246 = arith.addi %mul3A_244, %add3A_245 : i32
      %dma_start3A_247 = arith.constant 0 : i32
      %dma_start3A_248 = tpu.memref_slice %arg15[%add3A_246, %dma_start3A_247] : memref<512x32xf32, #tpu.memory_space<vmem>> -> memref<1x32xf32, #tpu.memory_space<vmem>>
      %dma_start3A_249 = tpu.memref_squeeze %dma_start3A_248 : memref<1x32xf32, #tpu.memory_space<vmem>> -> memref<32xf32, #tpu.memory_space<vmem>>
      %dma_start3A_250 = arith.constant 0 : i32
      %dma_start3A_251 = tpu.memref_slice %arg5[%squeeze3A_242, %dma_start3A_250] : memref<100x32xf32, #tpu.memory_space<hbm>> -> memref<1x32xf32, #tpu.memory_space<hbm>>
      %dma_start3A_252 = tpu.memref_squeeze %dma_start3A_251 : memref<1x32xf32, #tpu.memory_space<hbm>> -> memref<32xf32, #tpu.memory_space<hbm>>
      %dma_start3A_253 = arith.constant 0 : i32
      %dma_start3A_254 = tpu.memref_slice %arg15[%add3A_246, %dma_start3A_253] : memref<512x32xf32, #tpu.memory_space<vmem>> -> memref<1x32xf32, #tpu.memory_space<vmem>>
      %dma_start3A_255 = tpu.memref_squeeze %dma_start3A_254 : memref<1x32xf32, #tpu.memory_space<vmem>> -> memref<32xf32, #tpu.memory_space<vmem>>
      %dma_start3A_256 = arith.constant 0 : i32
      %dma_start3A_257 = tpu.memref_slice %arg5[%squeeze3A_242, %dma_start3A_256] : memref<100x32xf32, #tpu.memory_space<hbm>> -> memref<1x32xf32, #tpu.memory_space<hbm>>
      %dma_start3A_258 = tpu.memref_squeeze %dma_start3A_257 : memref<1x32xf32, #tpu.memory_space<hbm>> -> memref<32xf32, #tpu.memory_space<hbm>>
      tpu.enqueue_dma source(%dma_start3A_258 : memref<32xf32, #tpu.memory_space<hbm>>) target(%dma_start3A_255 : memref<32xf32, #tpu.memory_space<vmem>>) target_semaphore(%arg19 : memref<!tpu.dma_semaphore, #tpu.memory_space<semaphore_mem>>)
      %slice3A_259 = vector.extract_strided_slice %get3A_189 {offsets = [4], sizes = [1], strides = [1]} : vector<16xi32> to vector<1xi32>
      %squeeze3A_260 = vector.extract %slice3A_259[0] : i32 from vector<1xi32>
      %mul3A_261 = arith.constant 16 : i32
      %mul3A_262 = arith.muli %scan3A_185, %mul3A_261 : i32
      %add3A_263 = arith.constant 4 : i32
      %add3A_264 = arith.addi %mul3A_262, %add3A_263 : i32
      %dma_start3A_265 = arith.constant 0 : i32
      %dma_start3A_266 = tpu.memref_slice %arg15[%add3A_264, %dma_start3A_265] : memref<512x32xf32, #tpu.memory_space<vmem>> -> memref<1x32xf32, #tpu.memory_space<vmem>>
      %dma_start3A_267 = tpu.memref_squeeze %dma_start3A_266 : memref<1x32xf32, #tpu.memory_space<vmem>> -> memref<32xf32, #tpu.memory_space<vmem>>
      %dma_start3A_268 = arith.constant 0 : i32
      %dma_start3A_269 = tpu.memref_slice %arg5[%squeeze3A_260, %dma_start3A_268] : memref<100x32xf32, #tpu.memory_space<hbm>> -> memref<1x32xf32, #tpu.memory_space<hbm>>
      %dma_start3A_270 = tpu.memref_squeeze %dma_start3A_269 : memref<1x32xf32, #tpu.memory_space<hbm>> -> memref<32xf32, #tpu.memory_space<hbm>>
      %dma_start3A_271 = arith.constant 0 : i32
      %dma_start3A_272 = tpu.memref_slice %arg15[%add3A_264, %dma_start3A_271] : memref<512x32xf32, #tpu.memory_space<vmem>> -> memref<1x32xf32, #tpu.memory_space<vmem>>
      %dma_start3A_273 = tpu.memref_squeeze %dma_start3A_272 : memref<1x32xf32, #tpu.memory_space<vmem>> -> memref<32xf32, #tpu.memory_space<vmem>>
      %dma_start3A_274 = arith.constant 0 : i32
      %dma_start3A_275 = tpu.memref_slice %arg5[%squeeze3A_260, %dma_start3A_274] : memref<100x32xf32, #tpu.memory_space<hbm>> -> memref<1x32xf32, #tpu.memory_space<hbm>>
      %dma_start3A_276 = tpu.memref_squeeze %dma_start3A_275 : memref<1x32xf32, #tpu.memory_space<hbm>> -> memref<32xf32, #tpu.memory_space<hbm>>
      tpu.enqueue_dma source(%dma_start3A_276 : memref<32xf32, #tpu.memory_space<hbm>>) target(%dma_start3A_273 : memref<32xf32, #tpu.memory_space<vmem>>) target_semaphore(%arg16 : memref<!tpu.dma_semaphore, #tpu.memory_space<semaphore_mem>>)
      %slice3A_277 = vector.extract_strided_slice %get3A_189 {offsets = [5], sizes = [1], strides = [1]} : vector<16xi32> to vector<1xi32>
      %squeeze3A_278 = vector.extract %slice3A_277[0] : i32 from vector<1xi32>
      %mul3A_279 = arith.constant 16 : i32
      %mul3A_280 = arith.muli %scan3A_185, %mul3A_279 : i32
      %add3A_281 = arith.constant 5 : i32
      %add3A_282 = arith.addi %mul3A_280, %add3A_281 : i32
      %dma_start3A_283 = arith.constant 0 : i32
      %dma_start3A_284 = tpu.memref_slice %arg15[%add3A_282, %dma_start3A_283] : memref<512x32xf32, #tpu.memory_space<vmem>> -> memref<1x32xf32, #tpu.memory_space<vmem>>
      %dma_start3A_285 = tpu.memref_squeeze %dma_start3A_284 : memref<1x32xf32, #tpu.memory_space<vmem>> -> memref<32xf32, #tpu.memory_space<vmem>>
      %dma_start3A_286 = arith.constant 0 : i32
      %dma_start3A_287 = tpu.memref_slice %arg5[%squeeze3A_278, %dma_start3A_286] : memref<100x32xf32, #tpu.memory_space<hbm>> -> memref<1x32xf32, #tpu.memory_space<hbm>>
      %dma_start3A_288 = tpu.memref_squeeze %dma_start3A_287 : memref<1x32xf32, #tpu.memory_space<hbm>> -> memref<32xf32, #tpu.memory_space<hbm>>
      %dma_start3A_289 = arith.constant 0 : i32
      %dma_start3A_290 = tpu.memref_slice %arg15[%add3A_282, %dma_start3A_289] : memref<512x32xf32, #tpu.memory_space<vmem>> -> memref<1x32xf32, #tpu.memory_space<vmem>>
      %dma_start3A_291 = tpu.memref_squeeze %dma_start3A_290 : memref<1x32xf32, #tpu.memory_space<vmem>> -> memref<32xf32, #tpu.memory_space<vmem>>
      %dma_start3A_292 = arith.constant 0 : i32
      %dma_start3A_293 = tpu.memref_slice %arg5[%squeeze3A_278, %dma_start3A_292] : memref<100x32xf32, #tpu.memory_space<hbm>> -> memref<1x32xf32, #tpu.memory_space<hbm>>
      %dma_start3A_294 = tpu.memref_squeeze %dma_start3A_293 : memref<1x32xf32, #tpu.memory_space<hbm>> -> memref<32xf32, #tpu.memory_space<hbm>>
      tpu.enqueue_dma source(%dma_start3A_294 : memref<32xf32, #tpu.memory_space<hbm>>) target(%dma_start3A_291 : memref<32xf32, #tpu.memory_space<vmem>>) target_semaphore(%arg17 : memref<!tpu.dma_semaphore, #tpu.memory_space<semaphore_mem>>)
      %slice3A_295 = vector.extract_strided_slice %get3A_189 {offsets = [6], sizes = [1], strides = [1]} : vector<16xi32> to vector<1xi32>
      %squeeze3A_296 = vector.extract %slice3A_295[0] : i32 from vector<1xi32>
      %mul3A_297 = arith.constant 16 : i32
      %mul3A_298 = arith.muli %scan3A_185, %mul3A_297 : i32
      %add3A_299 = arith.constant 6 : i32
      %add3A_300 = arith.addi %mul3A_298, %add3A_299 : i32
      %dma_start3A_301 = arith.constant 0 : i32
      %dma_start3A_302 = tpu.memref_slice %arg15[%add3A_300, %dma_start3A_301] : memref<512x32xf32, #tpu.memory_space<vmem>> -> memref<1x32xf32, #tpu.memory_space<vmem>>
      %dma_start3A_303 = tpu.memref_squeeze %dma_start3A_302 : memref<1x32xf32, #tpu.memory_space<vmem>> -> memref<32xf32, #tpu.memory_space<vmem>>
      %dma_start3A_304 = arith.constant 0 : i32
      %dma_start3A_305 = tpu.memref_slice %arg5[%squeeze3A_296, %dma_start3A_304] : memref<100x32xf32, #tpu.memory_space<hbm>> -> memref<1x32xf32, #tpu.memory_space<hbm>>
      %dma_start3A_306 = tpu.memref_squeeze %dma_start3A_305 : memref<1x32xf32, #tpu.memory_space<hbm>> -> memref<32xf32, #tpu.memory_space<hbm>>
      %dma_start3A_307 = arith.constant 0 : i32
      %dma_start3A_308 = tpu.memref_slice %arg15[%add3A_300, %dma_start3A_307] : memref<512x32xf32, #tpu.memory_space<vmem>> -> memref<1x32xf32, #tpu.memory_space<vmem>>
      %dma_start3A_309 = tpu.memref_squeeze %dma_start3A_308 : memref<1x32xf32, #tpu.memory_space<vmem>> -> memref<32xf32, #tpu.memory_space<vmem>>
      %dma_start3A_310 = arith.constant 0 : i32
      %dma_start3A_311 = tpu.memref_slice %arg5[%squeeze3A_296, %dma_start3A_310] : memref<100x32xf32, #tpu.memory_space<hbm>> -> memref<1x32xf32, #tpu.memory_space<hbm>>
      %dma_start3A_312 = tpu.memref_squeeze %dma_start3A_311 : memref<1x32xf32, #tpu.memory_space<hbm>> -> memref<32xf32, #tpu.memory_space<hbm>>
      tpu.enqueue_dma source(%dma_start3A_312 : memref<32xf32, #tpu.memory_space<hbm>>) target(%dma_start3A_309 : memref<32xf32, #tpu.memory_space<vmem>>) target_semaphore(%arg18 : memref<!tpu.dma_semaphore, #tpu.memory_space<semaphore_mem>>)
      %slice3A_313 = vector.extract_strided_slice %get3A_189 {offsets = [7], sizes = [1], strides = [1]} : vector<16xi32> to vector<1xi32>
      %squeeze3A_314 = vector.extract %slice3A_313[0] : i32 from vector<1xi32>
      %mul3A_315 = arith.constant 16 : i32
      %mul3A_316 = arith.muli %scan3A_185, %mul3A_315 : i32
      %add3A_317 = arith.constant 7 : i32
      %add3A_318 = arith.addi %mul3A_316, %add3A_317 : i32
      %dma_start3A_319 = arith.constant 0 : i32
      %dma_start3A_320 = tpu.memref_slice %arg15[%add3A_318, %dma_start3A_319] : memref<512x32xf32, #tpu.memory_space<vmem>> -> memref<1x32xf32, #tpu.memory_space<vmem>>
      %dma_start3A_321 = tpu.memref_squeeze %dma_start3A_320 : memref<1x32xf32, #tpu.memory_space<vmem>> -> memref<32xf32, #tpu.memory_space<vmem>>
      %dma_start3A_322 = arith.constant 0 : i32
      %dma_start3A_323 = tpu.memref_slice %arg5[%squeeze3A_314, %dma_start3A_322] : memref<100x32xf32, #tpu.memory_space<hbm>> -> memref<1x32xf32, #tpu.memory_space<hbm>>
      %dma_start3A_324 = tpu.memref_squeeze %dma_start3A_323 : memref<1x32xf32, #tpu.memory_space<hbm>> -> memref<32xf32, #tpu.memory_space<hbm>>
      %dma_start3A_325 = arith.constant 0 : i32
      %dma_start3A_326 = tpu.memref_slice %arg15[%add3A_318, %dma_start3A_325] : memref<512x32xf32, #tpu.memory_space<vmem>> -> memref<1x32xf32, #tpu.memory_space<vmem>>
      %dma_start3A_327 = tpu.memref_squeeze %dma_start3A_326 : memref<1x32xf32, #tpu.memory_space<vmem>> -> memref<32xf32, #tpu.memory_space<vmem>>
      %dma_start3A_328 = arith.constant 0 : i32
      %dma_start3A_329 = tpu.memref_slice %arg5[%squeeze3A_314, %dma_start3A_328] : memref<100x32xf32, #tpu.memory_space<hbm>> -> memref<1x32xf32, #tpu.memory_space<hbm>>
      %dma_start3A_330 = tpu.memref_squeeze %dma_start3A_329 : memref<1x32xf32, #tpu.memory_space<hbm>> -> memref<32xf32, #tpu.memory_space<hbm>>
      tpu.enqueue_dma source(%dma_start3A_330 : memref<32xf32, #tpu.memory_space<hbm>>) target(%dma_start3A_327 : memref<32xf32, #tpu.memory_space<vmem>>) target_semaphore(%arg19 : memref<!tpu.dma_semaphore, #tpu.memory_space<semaphore_mem>>)
      %slice3A_331 = vector.extract_strided_slice %get3A_189 {offsets = [8], sizes = [1], strides = [1]} : vector<16xi32> to vector<1xi32>
      %squeeze3A_332 = vector.extract %slice3A_331[0] : i32 from vector<1xi32>
      %mul3A_333 = arith.constant 16 : i32
      %mul3A_334 = arith.muli %scan3A_185, %mul3A_333 : i32
      %add3A_335 = arith.constant 8 : i32
      %add3A_336 = arith.addi %mul3A_334, %add3A_335 : i32
      %dma_start3A_337 = arith.constant 0 : i32
      %dma_start3A_338 = tpu.memref_slice %arg15[%add3A_336, %dma_start3A_337] : memref<512x32xf32, #tpu.memory_space<vmem>> -> memref<1x32xf32, #tpu.memory_space<vmem>>
      %dma_start3A_339 = tpu.memref_squeeze %dma_start3A_338 : memref<1x32xf32, #tpu.memory_space<vmem>> -> memref<32xf32, #tpu.memory_space<vmem>>
      %dma_start3A_340 = arith.constant 0 : i32
      %dma_start3A_341 = tpu.memref_slice %arg5[%squeeze3A_332, %dma_start3A_340] : memref<100x32xf32, #tpu.memory_space<hbm>> -> memref<1x32xf32, #tpu.memory_space<hbm>>
      %dma_start3A_342 = tpu.memref_squeeze %dma_start3A_341 : memref<1x32xf32, #tpu.memory_space<hbm>> -> memref<32xf32, #tpu.memory_space<hbm>>
      %dma_start3A_343 = arith.constant 0 : i32
      %dma_start3A_344 = tpu.memref_slice %arg15[%add3A_336, %dma_start3A_343] : memref<512x32xf32, #tpu.memory_space<vmem>> -> memref<1x32xf32, #tpu.memory_space<vmem>>
      %dma_start3A_345 = tpu.memref_squeeze %dma_start3A_344 : memref<1x32xf32, #tpu.memory_space<vmem>> -> memref<32xf32, #tpu.memory_space<vmem>>
      %dma_start3A_346 = arith.constant 0 : i32
      %dma_start3A_347 = tpu.memref_slice %arg5[%squeeze3A_332, %dma_start3A_346] : memref<100x32xf32, #tpu.memory_space<hbm>> -> memref<1x32xf32, #tpu.memory_space<hbm>>
      %dma_start3A_348 = tpu.memref_squeeze %dma_start3A_347 : memref<1x32xf32, #tpu.memory_space<hbm>> -> memref<32xf32, #tpu.memory_space<hbm>>
      tpu.enqueue_dma source(%dma_start3A_348 : memref<32xf32, #tpu.memory_space<hbm>>) target(%dma_start3A_345 : memref<32xf32, #tpu.memory_space<vmem>>) target_semaphore(%arg16 : memref<!tpu.dma_semaphore, #tpu.memory_space<semaphore_mem>>)
      %slice3A_349 = vector.extract_strided_slice %get3A_189 {offsets = [9], sizes = [1], strides = [1]} : vector<16xi32> to vector<1xi32>
      %squeeze3A_350 = vector.extract %slice3A_349[0] : i32 from vector<1xi32>
      %mul3A_351 = arith.constant 16 : i32
      %mul3A_352 = arith.muli %scan3A_185, %mul3A_351 : i32
      %add3A_353 = arith.constant 9 : i32
      %add3A_354 = arith.addi %mul3A_352, %add3A_353 : i32
      %dma_start3A_355 = arith.constant 0 : i32
      %dma_start3A_356 = tpu.memref_slice %arg15[%add3A_354, %dma_start3A_355] : memref<512x32xf32, #tpu.memory_space<vmem>> -> memref<1x32xf32, #tpu.memory_space<vmem>>
      %dma_start3A_357 = tpu.memref_squeeze %dma_start3A_356 : memref<1x32xf32, #tpu.memory_space<vmem>> -> memref<32xf32, #tpu.memory_space<vmem>>
      %dma_start3A_358 = arith.constant 0 : i32
      %dma_start3A_359 = tpu.memref_slice %arg5[%squeeze3A_350, %dma_start3A_358] : memref<100x32xf32, #tpu.memory_space<hbm>> -> memref<1x32xf32, #tpu.memory_space<hbm>>
      %dma_start3A_360 = tpu.memref_squeeze %dma_start3A_359 : memref<1x32xf32, #tpu.memory_space<hbm>> -> memref<32xf32, #tpu.memory_space<hbm>>
      %dma_start3A_361 = arith.constant 0 : i32
      %dma_start3A_362 = tpu.memref_slice %arg15[%add3A_354, %dma_start3A_361] : memref<512x32xf32, #tpu.memory_space<vmem>> -> memref<1x32xf32, #tpu.memory_space<vmem>>
      %dma_start3A_363 = tpu.memref_squeeze %dma_start3A_362 : memref<1x32xf32, #tpu.memory_space<vmem>> -> memref<32xf32, #tpu.memory_space<vmem>>
      %dma_start3A_364 = arith.constant 0 : i32
      %dma_start3A_365 = tpu.memref_slice %arg5[%squeeze3A_350, %dma_start3A_364] : memref<100x32xf32, #tpu.memory_space<hbm>> -> memref<1x32xf32, #tpu.memory_space<hbm>>
      %dma_start3A_366 = tpu.memref_squeeze %dma_start3A_365 : memref<1x32xf32, #tpu.memory_space<hbm>> -> memref<32xf32, #tpu.memory_space<hbm>>
      tpu.enqueue_dma source(%dma_start3A_366 : memref<32xf32, #tpu.memory_space<hbm>>) target(%dma_start3A_363 : memref<32xf32, #tpu.memory_space<vmem>>) target_semaphore(%arg17 : memref<!tpu.dma_semaphore, #tpu.memory_space<semaphore_mem>>)
      %slice3A_367 = vector.extract_strided_slice %get3A_189 {offsets = [10], sizes = [1], strides = [1]} : vector<16xi32> to vector<1xi32>
      %squeeze3A_368 = vector.extract %slice3A_367[0] : i32 from vector<1xi32>
      %mul3A_369 = arith.constant 16 : i32
      %mul3A_370 = arith.muli %scan3A_185, %mul3A_369 : i32
      %add3A_371 = arith.constant 10 : i32
      %add3A_372 = arith.addi %mul3A_370, %add3A_371 : i32
      %dma_start3A_373 = arith.constant 0 : i32
      %dma_start3A_374 = tpu.memref_slice %arg15[%add3A_372, %dma_start3A_373] : memref<512x32xf32, #tpu.memory_space<vmem>> -> memref<1x32xf32, #tpu.memory_space<vmem>>
      %dma_start3A_375 = tpu.memref_squeeze %dma_start3A_374 : memref<1x32xf32, #tpu.memory_space<vmem>> -> memref<32xf32, #tpu.memory_space<vmem>>
      %dma_start3A_376 = arith.constant 0 : i32
      %dma_start3A_377 = tpu.memref_slice %arg5[%squeeze3A_368, %dma_start3A_376] : memref<100x32xf32, #tpu.memory_space<hbm>> -> memref<1x32xf32, #tpu.memory_space<hbm>>
      %dma_start3A_378 = tpu.memref_squeeze %dma_start3A_377 : memref<1x32xf32, #tpu.memory_space<hbm>> -> memref<32xf32, #tpu.memory_space<hbm>>
      %dma_start3A_379 = arith.constant 0 : i32
      %dma_start3A_380 = tpu.memref_slice %arg15[%add3A_372, %dma_start3A_379] : memref<512x32xf32, #tpu.memory_space<vmem>> -> memref<1x32xf32, #tpu.memory_space<vmem>>
      %dma_start3A_381 = tpu.memref_squeeze %dma_start3A_380 : memref<1x32xf32, #tpu.memory_space<vmem>> -> memref<32xf32, #tpu.memory_space<vmem>>
      %dma_start3A_382 = arith.constant 0 : i32
      %dma_start3A_383 = tpu.memref_slice %arg5[%squeeze3A_368, %dma_start3A_382] : memref<100x32xf32, #tpu.memory_space<hbm>> -> memref<1x32xf32, #tpu.memory_space<hbm>>
      %dma_start3A_384 = tpu.memref_squeeze %dma_start3A_383 : memref<1x32xf32, #tpu.memory_space<hbm>> -> memref<32xf32, #tpu.memory_space<hbm>>
      tpu.enqueue_dma source(%dma_start3A_384 : memref<32xf32, #tpu.memory_space<hbm>>) target(%dma_start3A_381 : memref<32xf32, #tpu.memory_space<vmem>>) target_semaphore(%arg18 : memref<!tpu.dma_semaphore, #tpu.memory_space<semaphore_mem>>)
      %slice3A_385 = vector.extract_strided_slice %get3A_189 {offsets = [11], sizes = [1], strides = [1]} : vector<16xi32> to vector<1xi32>
      %squeeze3A_386 = vector.extract %slice3A_385[0] : i32 from vector<1xi32>
      %mul3A_387 = arith.constant 16 : i32
      %mul3A_388 = arith.muli %scan3A_185, %mul3A_387 : i32
      %add3A_389 = arith.constant 11 : i32
      %add3A_390 = arith.addi %mul3A_388, %add3A_389 : i32
      %dma_start3A_391 = arith.constant 0 : i32
      %dma_start3A_392 = tpu.memref_slice %arg15[%add3A_390, %dma_start3A_391] : memref<512x32xf32, #tpu.memory_space<vmem>> -> memref<1x32xf32, #tpu.memory_space<vmem>>
      %dma_start3A_393 = tpu.memref_squeeze %dma_start3A_392 : memref<1x32xf32, #tpu.memory_space<vmem>> -> memref<32xf32, #tpu.memory_space<vmem>>
      %dma_start3A_394 = arith.constant 0 : i32
      %dma_start3A_395 = tpu.memref_slice %arg5[%squeeze3A_386, %dma_start3A_394] : memref<100x32xf32, #tpu.memory_space<hbm>> -> memref<1x32xf32, #tpu.memory_space<hbm>>
      %dma_start3A_396 = tpu.memref_squeeze %dma_start3A_395 : memref<1x32xf32, #tpu.memory_space<hbm>> -> memref<32xf32, #tpu.memory_space<hbm>>
      %dma_start3A_397 = arith.constant 0 : i32
      %dma_start3A_398 = tpu.memref_slice %arg15[%add3A_390, %dma_start3A_397] : memref<512x32xf32, #tpu.memory_space<vmem>> -> memref<1x32xf32, #tpu.memory_space<vmem>>
      %dma_start3A_399 = tpu.memref_squeeze %dma_start3A_398 : memref<1x32xf32, #tpu.memory_space<vmem>> -> memref<32xf32, #tpu.memory_space<vmem>>
      %dma_start3A_400 = arith.constant 0 : i32
      %dma_start3A_401 = tpu.memref_slice %arg5[%squeeze3A_386, %dma_start3A_400] : memref<100x32xf32, #tpu.memory_space<hbm>> -> memref<1x32xf32, #tpu.memory_space<hbm>>
      %dma_start3A_402 = tpu.memref_squeeze %dma_start3A_401 : memref<1x32xf32, #tpu.memory_space<hbm>> -> memref<32xf32, #tpu.memory_space<hbm>>
      tpu.enqueue_dma source(%dma_start3A_402 : memref<32xf32, #tpu.memory_space<hbm>>) target(%dma_start3A_399 : memref<32xf32, #tpu.memory_space<vmem>>) target_semaphore(%arg19 : memref<!tpu.dma_semaphore, #tpu.memory_space<semaphore_mem>>)
      %slice3A_403 = vector.extract_strided_slice %get3A_189 {offsets = [12], sizes = [1], strides = [1]} : vector<16xi32> to vector<1xi32>
      %squeeze3A_404 = vector.extract %slice3A_403[0] : i32 from vector<1xi32>
      %mul3A_405 = arith.constant 16 : i32
      %mul3A_406 = arith.muli %scan3A_185, %mul3A_405 : i32
      %add3A_407 = arith.constant 12 : i32
      %add3A_408 = arith.addi %mul3A_406, %add3A_407 : i32
      %dma_start3A_409 = arith.constant 0 : i32
      %dma_start3A_410 = tpu.memref_slice %arg15[%add3A_408, %dma_start3A_409] : memref<512x32xf32, #tpu.memory_space<vmem>> -> memref<1x32xf32, #tpu.memory_space<vmem>>
      %dma_start3A_411 = tpu.memref_squeeze %dma_start3A_410 : memref<1x32xf32, #tpu.memory_space<vmem>> -> memref<32xf32, #tpu.memory_space<vmem>>
      %dma_start3A_412 = arith.constant 0 : i32
      %dma_start3A_413 = tpu.memref_slice %arg5[%squeeze3A_404, %dma_start3A_412] : memref<100x32xf32, #tpu.memory_space<hbm>> -> memref<1x32xf32, #tpu.memory_space<hbm>>
      %dma_start3A_414 = tpu.memref_squeeze %dma_start3A_413 : memref<1x32xf32, #tpu.memory_space<hbm>> -> memref<32xf32, #tpu.memory_space<hbm>>
      %dma_start3A_415 = arith.constant 0 : i32
      %dma_start3A_416 = tpu.memref_slice %arg15[%add3A_408, %dma_start3A_415] : memref<512x32xf32, #tpu.memory_space<vmem>> -> memref<1x32xf32, #tpu.memory_space<vmem>>
      %dma_start3A_417 = tpu.memref_squeeze %dma_start3A_416 : memref<1x32xf32, #tpu.memory_space<vmem>> -> memref<32xf32, #tpu.memory_space<vmem>>
      %dma_start3A_418 = arith.constant 0 : i32
      %dma_start3A_419 = tpu.memref_slice %arg5[%squeeze3A_404, %dma_start3A_418] : memref<100x32xf32, #tpu.memory_space<hbm>> -> memref<1x32xf32, #tpu.memory_space<hbm>>
      %dma_start3A_420 = tpu.memref_squeeze %dma_start3A_419 : memref<1x32xf32, #tpu.memory_space<hbm>> -> memref<32xf32, #tpu.memory_space<hbm>>
      tpu.enqueue_dma source(%dma_start3A_420 : memref<32xf32, #tpu.memory_space<hbm>>) target(%dma_start3A_417 : memref<32xf32, #tpu.memory_space<vmem>>) target_semaphore(%arg16 : memref<!tpu.dma_semaphore, #tpu.memory_space<semaphore_mem>>)
      %slice3A_421 = vector.extract_strided_slice %get3A_189 {offsets = [13], sizes = [1], strides = [1]} : vector<16xi32> to vector<1xi32>
      %squeeze3A_422 = vector.extract %slice3A_421[0] : i32 from vector<1xi32>
      %mul3A_423 = arith.constant 16 : i32
      %mul3A_424 = arith.muli %scan3A_185, %mul3A_423 : i32
      %add3A_425 = arith.constant 13 : i32
      %add3A_426 = arith.addi %mul3A_424, %add3A_425 : i32
      %dma_start3A_427 = arith.constant 0 : i32
      %dma_start3A_428 = tpu.memref_slice %arg15[%add3A_426, %dma_start3A_427] : memref<512x32xf32, #tpu.memory_space<vmem>> -> memref<1x32xf32, #tpu.memory_space<vmem>>
      %dma_start3A_429 = tpu.memref_squeeze %dma_start3A_428 : memref<1x32xf32, #tpu.memory_space<vmem>> -> memref<32xf32, #tpu.memory_space<vmem>>
      %dma_start3A_430 = arith.constant 0 : i32
      %dma_start3A_431 = tpu.memref_slice %arg5[%squeeze3A_422, %dma_start3A_430] : memref<100x32xf32, #tpu.memory_space<hbm>> -> memref<1x32xf32, #tpu.memory_space<hbm>>
      %dma_start3A_432 = tpu.memref_squeeze %dma_start3A_431 : memref<1x32xf32, #tpu.memory_space<hbm>> -> memref<32xf32, #tpu.memory_space<hbm>>
      %dma_start3A_433 = arith.constant 0 : i32
      %dma_start3A_434 = tpu.memref_slice %arg15[%add3A_426, %dma_start3A_433] : memref<512x32xf32, #tpu.memory_space<vmem>> -> memref<1x32xf32, #tpu.memory_space<vmem>>
      %dma_start3A_435 = tpu.memref_squeeze %dma_start3A_434 : memref<1x32xf32, #tpu.memory_space<vmem>> -> memref<32xf32, #tpu.memory_space<vmem>>
      %dma_start3A_436 = arith.constant 0 : i32
      %dma_start3A_437 = tpu.memref_slice %arg5[%squeeze3A_422, %dma_start3A_436] : memref<100x32xf32, #tpu.memory_space<hbm>> -> memref<1x32xf32, #tpu.memory_space<hbm>>
      %dma_start3A_438 = tpu.memref_squeeze %dma_start3A_437 : memref<1x32xf32, #tpu.memory_space<hbm>> -> memref<32xf32, #tpu.memory_space<hbm>>
      tpu.enqueue_dma source(%dma_start3A_438 : memref<32xf32, #tpu.memory_space<hbm>>) target(%dma_start3A_435 : memref<32xf32, #tpu.memory_space<vmem>>) target_semaphore(%arg17 : memref<!tpu.dma_semaphore, #tpu.memory_space<semaphore_mem>>)
      %slice3A_439 = vector.extract_strided_slice %get3A_189 {offsets = [14], sizes = [1], strides = [1]} : vector<16xi32> to vector<1xi32>
      %squeeze3A_440 = vector.extract %slice3A_439[0] : i32 from vector<1xi32>
      %mul3A_441 = arith.constant 16 : i32
      %mul3A_442 = arith.muli %scan3A_185, %mul3A_441 : i32
      %add3A_443 = arith.constant 14 : i32
      %add3A_444 = arith.addi %mul3A_442, %add3A_443 : i32
      %dma_start3A_445 = arith.constant 0 : i32
      %dma_start3A_446 = tpu.memref_slice %arg15[%add3A_444, %dma_start3A_445] : memref<512x32xf32, #tpu.memory_space<vmem>> -> memref<1x32xf32, #tpu.memory_space<vmem>>
      %dma_start3A_447 = tpu.memref_squeeze %dma_start3A_446 : memref<1x32xf32, #tpu.memory_space<vmem>> -> memref<32xf32, #tpu.memory_space<vmem>>
      %dma_start3A_448 = arith.constant 0 : i32
      %dma_start3A_449 = tpu.memref_slice %arg5[%squeeze3A_440, %dma_start3A_448] : memref<100x32xf32, #tpu.memory_space<hbm>> -> memref<1x32xf32, #tpu.memory_space<hbm>>
      %dma_start3A_450 = tpu.memref_squeeze %dma_start3A_449 : memref<1x32xf32, #tpu.memory_space<hbm>> -> memref<32xf32, #tpu.memory_space<hbm>>
      %dma_start3A_451 = arith.constant 0 : i32
      %dma_start3A_452 = tpu.memref_slice %arg15[%add3A_444, %dma_start3A_451] : memref<512x32xf32, #tpu.memory_space<vmem>> -> memref<1x32xf32, #tpu.memory_space<vmem>>
      %dma_start3A_453 = tpu.memref_squeeze %dma_start3A_452 : memref<1x32xf32, #tpu.memory_space<vmem>> -> memref<32xf32, #tpu.memory_space<vmem>>
      %dma_start3A_454 = arith.constant 0 : i32
      %dma_start3A_455 = tpu.memref_slice %arg5[%squeeze3A_440, %dma_start3A_454] : memref<100x32xf32, #tpu.memory_space<hbm>> -> memref<1x32xf32, #tpu.memory_space<hbm>>
      %dma_start3A_456 = tpu.memref_squeeze %dma_start3A_455 : memref<1x32xf32, #tpu.memory_space<hbm>> -> memref<32xf32, #tpu.memory_space<hbm>>
      tpu.enqueue_dma source(%dma_start3A_456 : memref<32xf32, #tpu.memory_space<hbm>>) target(%dma_start3A_453 : memref<32xf32, #tpu.memory_space<vmem>>) target_semaphore(%arg18 : memref<!tpu.dma_semaphore, #tpu.memory_space<semaphore_mem>>)
      %slice3A_457 = vector.extract_strided_slice %get3A_189 {offsets = [15], sizes = [1], strides = [1]} : vector<16xi32> to vector<1xi32>
      %squeeze3A_458 = vector.extract %slice3A_457[0] : i32 from vector<1xi32>
      %mul3A_459 = arith.constant 16 : i32
      %mul3A_460 = arith.muli %scan3A_185, %mul3A_459 : i32
      %add3A_461 = arith.constant 15 : i32
      %add3A_462 = arith.addi %mul3A_460, %add3A_461 : i32
      %dma_start3A_463 = arith.constant 0 : i32
      %dma_start3A_464 = tpu.memref_slice %arg15[%add3A_462, %dma_start3A_463] : memref<512x32xf32, #tpu.memory_space<vmem>> -> memref<1x32xf32, #tpu.memory_space<vmem>>
      %dma_start3A_465 = tpu.memref_squeeze %dma_start3A_464 : memref<1x32xf32, #tpu.memory_space<vmem>> -> memref<32xf32, #tpu.memory_space<vmem>>
      %dma_start3A_466 = arith.constant 0 : i32
      %dma_start3A_467 = tpu.memref_slice %arg5[%squeeze3A_458, %dma_start3A_466] : memref<100x32xf32, #tpu.memory_space<hbm>> -> memref<1x32xf32, #tpu.memory_space<hbm>>
      %dma_start3A_468 = tpu.memref_squeeze %dma_start3A_467 : memref<1x32xf32, #tpu.memory_space<hbm>> -> memref<32xf32, #tpu.memory_space<hbm>>
      %dma_start3A_469 = arith.constant 0 : i32
      %dma_start3A_470 = tpu.memref_slice %arg15[%add3A_462, %dma_start3A_469] : memref<512x32xf32, #tpu.memory_space<vmem>> -> memref<1x32xf32, #tpu.memory_space<vmem>>
      %dma_start3A_471 = tpu.memref_squeeze %dma_start3A_470 : memref<1x32xf32, #tpu.memory_space<vmem>> -> memref<32xf32, #tpu.memory_space<vmem>>
      %dma_start3A_472 = arith.constant 0 : i32
      %dma_start3A_473 = tpu.memref_slice %arg5[%squeeze3A_458, %dma_start3A_472] : memref<100x32xf32, #tpu.memory_space<hbm>> -> memref<1x32xf32, #tpu.memory_space<hbm>>
      %dma_start3A_474 = tpu.memref_squeeze %dma_start3A_473 : memref<1x32xf32, #tpu.memory_space<hbm>> -> memref<32xf32, #tpu.memory_space<hbm>>
      tpu.enqueue_dma source(%dma_start3A_474 : memref<32xf32, #tpu.memory_space<hbm>>) target(%dma_start3A_471 : memref<32xf32, #tpu.memory_space<vmem>>) target_semaphore(%arg19 : memref<!tpu.dma_semaphore, #tpu.memory_space<semaphore_mem>>)
    }
    %scan3A_144 = arith.constant 32 : i32
    %dma_wait3A_145 = arith.constant 0 : i32
    %dma_wait3A_146 = arith.constant 0 : i32
    %dma_wait3A_147 = tpu.memref_slice %arg15[%dma_wait3A_145, %dma_wait3A_146] : memref<512x32xf32, #tpu.memory_space<vmem>> -> memref<128x32xf32, #tpu.memory_space<vmem>>
    %dma_wait3A_148 = arith.constant 0 : i32
    %dma_wait3A_149 = tpu.memref_slice %arg13[%mul3A_2, %dma_wait3A_148] : memref<16384x32xf32, #tpu.memory_space<hbm>> -> memref<128x32xf32, #tpu.memory_space<hbm>>
    %dma_wait3A_150 = arith.constant 0 : i32
    %dma_wait3A_151 = arith.constant 0 : i32
    %dma_wait3A_152 = tpu.memref_slice %arg15[%dma_wait3A_150, %dma_wait3A_151] : memref<512x32xf32, #tpu.memory_space<vmem>> -> memref<128x32xf32, #tpu.memory_space<vmem>>
    %dma_wait3A_153 = arith.constant 0 : i32
    %dma_wait3A_154 = tpu.memref_slice %arg13[%mul3A_2, %dma_wait3A_153] : memref<16384x32xf32, #tpu.memory_space<hbm>> -> memref<128x32xf32, #tpu.memory_space<hbm>>
    tpu.wait_dma2 semaphore(%arg16 : memref<!tpu.dma_semaphore, #tpu.memory_space<semaphore_mem>>) src(%dma_wait3A_154 : memref<128x32xf32, #tpu.memory_space<hbm>>) dst(%dma_wait3A_152 : memref<128x32xf32, #tpu.memory_space<vmem>>)
    %dma_wait3A_155 = arith.constant 0 : i32
    %dma_wait3A_156 = arith.constant 0 : i32
    %dma_wait3A_157 = tpu.memref_slice %arg15[%dma_wait3A_155, %dma_wait3A_156] : memref<512x32xf32, #tpu.memory_space<vmem>> -> memref<128x32xf32, #tpu.memory_space<vmem>>
    %dma_wait3A_158 = arith.constant 0 : i32
    %dma_wait3A_159 = tpu.memref_slice %arg13[%mul3A_2, %dma_wait3A_158] : memref<16384x32xf32, #tpu.memory_space<hbm>> -> memref<128x32xf32, #tpu.memory_space<hbm>>
    %dma_wait3A_160 = arith.constant 0 : i32
    %dma_wait3A_161 = arith.constant 0 : i32
    %dma_wait3A_162 = tpu.memref_slice %arg15[%dma_wait3A_160, %dma_wait3A_161] : memref<512x32xf32, #tpu.memory_space<vmem>> -> memref<128x32xf32, #tpu.memory_space<vmem>>
    %dma_wait3A_163 = arith.constant 0 : i32
    %dma_wait3A_164 = tpu.memref_slice %arg13[%mul3A_2, %dma_wait3A_163] : memref<16384x32xf32, #tpu.memory_space<hbm>> -> memref<128x32xf32, #tpu.memory_space<hbm>>
    tpu.wait_dma2 semaphore(%arg17 : memref<!tpu.dma_semaphore, #tpu.memory_space<semaphore_mem>>) src(%dma_wait3A_164 : memref<128x32xf32, #tpu.memory_space<hbm>>) dst(%dma_wait3A_162 : memref<128x32xf32, #tpu.memory_space<vmem>>)
    %dma_wait3A_165 = arith.constant 0 : i32
    %dma_wait3A_166 = arith.constant 0 : i32
    %dma_wait3A_167 = tpu.memref_slice %arg15[%dma_wait3A_165, %dma_wait3A_166] : memref<512x32xf32, #tpu.memory_space<vmem>> -> memref<128x32xf32, #tpu.memory_space<vmem>>
    %dma_wait3A_168 = arith.constant 0 : i32
    %dma_wait3A_169 = tpu.memref_slice %arg13[%mul3A_2, %dma_wait3A_168] : memref<16384x32xf32, #tpu.memory_space<hbm>> -> memref<128x32xf32, #tpu.memory_space<hbm>>
    %dma_wait3A_170 = arith.constant 0 : i32
    %dma_wait3A_171 = arith.constant 0 : i32
    %dma_wait3A_172 = tpu.memref_slice %arg15[%dma_wait3A_170, %dma_wait3A_171] : memref<512x32xf32, #tpu.memory_space<vmem>> -> memref<128x32xf32, #tpu.memory_space<vmem>>
    %dma_wait3A_173 = arith.constant 0 : i32
    %dma_wait3A_174 = tpu.memref_slice %arg13[%mul3A_2, %dma_wait3A_173] : memref<16384x32xf32, #tpu.memory_space<hbm>> -> memref<128x32xf32, #tpu.memory_space<hbm>>
    tpu.wait_dma2 semaphore(%arg18 : memref<!tpu.dma_semaphore, #tpu.memory_space<semaphore_mem>>) src(%dma_wait3A_174 : memref<128x32xf32, #tpu.memory_space<hbm>>) dst(%dma_wait3A_172 : memref<128x32xf32, #tpu.memory_space<vmem>>)
    %dma_wait3A_175 = arith.constant 0 : i32
    %dma_wait3A_176 = arith.constant 0 : i32
    %dma_wait3A_177 = tpu.memref_slice %arg15[%dma_wait3A_175, %dma_wait3A_176] : memref<512x32xf32, #tpu.memory_space<vmem>> -> memref<128x32xf32, #tpu.memory_space<vmem>>
    %dma_wait3A_178 = arith.constant 0 : i32
    %dma_wait3A_179 = tpu.memref_slice %arg13[%mul3A_2, %dma_wait3A_178] : memref<16384x32xf32, #tpu.memory_space<hbm>> -> memref<128x32xf32, #tpu.memory_space<hbm>>
    %dma_wait3A_180 = arith.constant 0 : i32
    %dma_wait3A_181 = arith.constant 0 : i32
    %dma_wait3A_182 = tpu.memref_slice %arg15[%dma_wait3A_180, %dma_wait3A_181] : memref<512x32xf32, #tpu.memory_space<vmem>> -> memref<128x32xf32, #tpu.memory_space<vmem>>
    %dma_wait3A_183 = arith.constant 0 : i32
    %dma_wait3A_184 = tpu.memref_slice %arg13[%mul3A_2, %dma_wait3A_183] : memref<16384x32xf32, #tpu.memory_space<hbm>> -> memref<128x32xf32, #tpu.memory_space<hbm>>
    tpu.wait_dma2 semaphore(%arg19 : memref<!tpu.dma_semaphore, #tpu.memory_space<semaphore_mem>>) src(%dma_wait3A_184 : memref<128x32xf32, #tpu.memory_space<hbm>>) dst(%dma_wait3A_182 : memref<128x32xf32, #tpu.memory_space<vmem>>)
    "tpu.region"() ({
      %run_scoped3A = tpu.sem_alloc : memref<!tpu.dma_semaphore, #tpu.memory_space<semaphore_mem>>
      %dma_start3A = arith.constant 0 : i32
      %dma_start3A_185 = tpu.memref_slice %arg13[%mul3A_2, %dma_start3A] : memref<16384x32xf32, #tpu.memory_space<hbm>> -> memref<512x32xf32, #tpu.memory_space<hbm>>
      %dma_start3A_186 = arith.constant 0 : i32
      %dma_start3A_187 = tpu.memref_slice %arg13[%mul3A_2, %dma_start3A_186] : memref<16384x32xf32, #tpu.memory_space<hbm>> -> memref<512x32xf32, #tpu.memory_space<hbm>>
      tpu.enqueue_dma source(%arg15 : memref<512x32xf32, #tpu.memory_space<vmem>>) target(%dma_start3A_187 : memref<512x32xf32, #tpu.memory_space<hbm>>) target_semaphore(%run_scoped3A : memref<!tpu.dma_semaphore, #tpu.memory_space<semaphore_mem>>)
      %dma_wait3A_188 = arith.constant 0 : i32
      %dma_wait3A_189 = tpu.memref_slice %arg13[%mul3A_2, %dma_wait3A_188] : memref<16384x32xf32, #tpu.memory_space<hbm>> -> memref<512x32xf32, #tpu.memory_space<hbm>>
      %dma_wait3A_190 = arith.constant 0 : i32
      %dma_wait3A_191 = tpu.memref_slice %arg13[%mul3A_2, %dma_wait3A_190] : memref<16384x32xf32, #tpu.memory_space<hbm>> -> memref<512x32xf32, #tpu.memory_space<hbm>>
      tpu.wait_dma2 semaphore(%run_scoped3A : memref<!tpu.dma_semaphore, #tpu.memory_space<semaphore_mem>>) src(%arg15 : memref<512x32xf32, #tpu.memory_space<vmem>>) dst(%dma_wait3A_191 : memref<512x32xf32, #tpu.memory_space<hbm>>)
      tpu.yield
    }) : () -> ()
    return
  }
}

module attributes {stable_mosaic.version = 14 : i64} {
  func.func @_tc_body(%arg0: i32, %arg1: memref<2048x32xf32, #tpu.memory_space<vmem>>, %arg2: memref<2048x32xf32, #tpu.memory_space<vmem>>, %arg3: memref<2048x32xf32, #tpu.memory_space<vmem>>, %arg4: memref<2048x32xf32, #tpu.memory_space<vmem>>, %arg5: memref<2048x25xf32, #tpu.memory_space<vmem>>, %arg6: memref<2048x3xf32, #tpu.memory_space<vmem>>, %arg7: memref<25x32xf32, #tpu.memory_space<vmem>>, %arg8: memref<1x32xf32, #tpu.memory_space<vmem>>, %arg9: memref<3x32xf32, #tpu.memory_space<vmem>>, %arg10: memref<1x32xf32, #tpu.memory_space<vmem>>, %arg11: memref<32x1xf32, #tpu.memory_space<vmem>>, %arg12: memref<192x256xf32, #tpu.memory_space<vmem>>, %arg13: memref<1x256xf32, #tpu.memory_space<vmem>>, %arg14: memref<256x128xf32, #tpu.memory_space<vmem>>, %arg15: memref<1x128xf32, #tpu.memory_space<vmem>>, %arg16: memref<128x1xf32, #tpu.memory_space<vmem>>, %arg17: memref<1x1xf32, #tpu.memory_space<vmem>>, %arg18: memref<2048x1xf32, #tpu.memory_space<vmem>>) attributes {dimension_semantics = [#tpu.dimension_semantics<arbitrary>], iteration_bounds = array<i64: 8>, scalar_prefetch = 0 : i64, scratch_operands = 0 : i64, tpu.core_type = #tpu.core_type<tc>, window_params = [{transform_indices = @transform_0, window_bounds = array<i64: 2048, 32>}, {transform_indices = @transform_1, window_bounds = array<i64: 2048, 32>}, {transform_indices = @transform_2, window_bounds = array<i64: 2048, 32>}, {transform_indices = @transform_3, window_bounds = array<i64: 2048, 32>}, {transform_indices = @transform_4, window_bounds = array<i64: 2048, 25>}, {transform_indices = @transform_5, window_bounds = array<i64: 2048, 3>}, {pipeline_mode = #tpu.pipeline_mode<synchronous>, transform_indices = @transform_6, window_bounds = array<i64: 25, 32>}, {pipeline_mode = #tpu.pipeline_mode<synchronous>, transform_indices = @transform_7, window_bounds = array<i64: 1, 32>}, {pipeline_mode = #tpu.pipeline_mode<synchronous>, transform_indices = @transform_8, window_bounds = array<i64: 3, 32>}, {pipeline_mode = #tpu.pipeline_mode<synchronous>, transform_indices = @transform_9, window_bounds = array<i64: 1, 32>}, {pipeline_mode = #tpu.pipeline_mode<synchronous>, transform_indices = @transform_10, window_bounds = array<i64: 32, 1>}, {pipeline_mode = #tpu.pipeline_mode<synchronous>, transform_indices = @transform_11, window_bounds = array<i64: 192, 256>}, {pipeline_mode = #tpu.pipeline_mode<synchronous>, transform_indices = @transform_12, window_bounds = array<i64: 1, 256>}, {pipeline_mode = #tpu.pipeline_mode<synchronous>, transform_indices = @transform_13, window_bounds = array<i64: 256, 128>}, {pipeline_mode = #tpu.pipeline_mode<synchronous>, transform_indices = @transform_14, window_bounds = array<i64: 1, 128>}, {pipeline_mode = #tpu.pipeline_mode<synchronous>, transform_indices = @transform_15, window_bounds = array<i64: 128, 1>}, {pipeline_mode = #tpu.pipeline_mode<synchronous>, transform_indices = @transform_16, window_bounds = array<i64: 1, 1>}, {transform_indices = @transform_17, window_bounds = array<i64: 2048, 1>}]} {
    %get3A = arith.constant 0 : index
    %get3A_0 = arith.constant 0 : index
    %get3A_1 = vector.load %arg1[%get3A, %get3A_0] : memref<2048x32xf32, #tpu.memory_space<vmem>>, vector<2048x32xf32>
    %get3A_2 = arith.constant 0 : index
    %get3A_3 = arith.constant 0 : index
    %get3A_4 = vector.load %arg2[%get3A_2, %get3A_3] : memref<2048x32xf32, #tpu.memory_space<vmem>>, vector<2048x32xf32>
    %get3A_5 = arith.constant 0 : index
    %get3A_6 = arith.constant 0 : index
    %get3A_7 = vector.load %arg3[%get3A_5, %get3A_6] : memref<2048x32xf32, #tpu.memory_space<vmem>>, vector<2048x32xf32>
    %get3A_8 = arith.constant 0 : index
    %get3A_9 = arith.constant 0 : index
    %get3A_10 = vector.load %arg4[%get3A_8, %get3A_9] : memref<2048x32xf32, #tpu.memory_space<vmem>>, vector<2048x32xf32>
    %get3A_11 = arith.constant 0 : index
    %get3A_12 = arith.constant 0 : index
    %get3A_13 = vector.load %arg5[%get3A_11, %get3A_12] : memref<2048x25xf32, #tpu.memory_space<vmem>>, vector<2048x25xf32>
    %get3A_14 = arith.constant 0 : index
    %get3A_15 = arith.constant 0 : index
    %get3A_16 = vector.load %arg7[%get3A_14, %get3A_15] : memref<25x32xf32, #tpu.memory_space<vmem>>, vector<25x32xf32>
    %dot_general3A = arith.constant dense<0.000000e+00> : vector<2048x32xf32>
    %dot_general3A_17 = tpu.matmul %get3A_13, %get3A_16, %dot_general3A {dimension_numbers = #tpu.dot_dimension_numbers<[1], [0], [0], [1], [0, 0, 1, 1], [], []>, transpose_lhs_hint = false} : vector<2048x25xf32>, vector<25x32xf32>, vector<2048x32xf32> -> vector<2048x32xf32>
    %get3A_18 = arith.constant 0 : index
    %get3A_19 = arith.constant 0 : index
    %get3A_20 = vector.load %arg8[%get3A_18, %get3A_19] : memref<1x32xf32, #tpu.memory_space<vmem>>, vector<1x32xf32>
    %add3A = vector.broadcast %get3A_20 : vector<1x32xf32> to vector<2048x32xf32>
    %add3A_21 = arith.addf %dot_general3A_17, %add3A : vector<2048x32xf32>
    %max3A = arith.constant 0.000000e+00 : f32
    %max3A_22 = vector.broadcast %max3A : f32 to vector<2048x32xf32>
    %max3A_23 = arith.maximumf %add3A_21, %max3A_22 : vector<2048x32xf32>
    %get3A_24 = arith.constant 0 : index
    %get3A_25 = arith.constant 0 : index
    %get3A_26 = vector.load %arg6[%get3A_24, %get3A_25] : memref<2048x3xf32, #tpu.memory_space<vmem>>, vector<2048x3xf32>
    %get3A_27 = arith.constant 0 : index
    %get3A_28 = arith.constant 0 : index
    %get3A_29 = vector.load %arg9[%get3A_27, %get3A_28] : memref<3x32xf32, #tpu.memory_space<vmem>>, vector<3x32xf32>
    %dot_general3A_30 = arith.constant dense<0.000000e+00> : vector<2048x32xf32>
    %dot_general3A_31 = tpu.matmul %get3A_26, %get3A_29, %dot_general3A_30 {dimension_numbers = #tpu.dot_dimension_numbers<[1], [0], [0], [1], [0, 0, 1, 1], [], []>, transpose_lhs_hint = false} : vector<2048x3xf32>, vector<3x32xf32>, vector<2048x32xf32> -> vector<2048x32xf32>
    %get3A_32 = arith.constant 0 : index
    %get3A_33 = arith.constant 0 : index
    %get3A_34 = vector.load %arg10[%get3A_32, %get3A_33] : memref<1x32xf32, #tpu.memory_space<vmem>>, vector<1x32xf32>
    %add3A_35 = vector.broadcast %get3A_34 : vector<1x32xf32> to vector<2048x32xf32>
    %add3A_36 = arith.addf %dot_general3A_31, %add3A_35 : vector<2048x32xf32>
    %max3A_37 = arith.constant 0.000000e+00 : f32
    %max3A_38 = vector.broadcast %max3A_37 : f32 to vector<2048x32xf32>
    %max3A_39 = arith.maximumf %add3A_36, %max3A_38 : vector<2048x32xf32>
    %add3A_40 = arith.addf %get3A_1, %get3A_4 : vector<2048x32xf32>
    %add3A_41 = arith.addf %add3A_40, %get3A_7 : vector<2048x32xf32>
    %add3A_42 = arith.addf %add3A_41, %get3A_10 : vector<2048x32xf32>
    %add3A_43 = arith.addf %add3A_42, %max3A_23 : vector<2048x32xf32>
    %add3A_44 = arith.addf %add3A_43, %max3A_39 : vector<2048x32xf32>
    %get3A_45 = arith.constant 0 : index
    %get3A_46 = arith.constant 0 : index
    %get3A_47 = vector.load %arg11[%get3A_45, %get3A_46] : memref<32x1xf32, #tpu.memory_space<vmem>>, vector<32x1xf32>
    %dot_general3A_48 = arith.constant dense<0.000000e+00> : vector<2048x1xf32>
    %dot_general3A_49 = tpu.matmul %add3A_44, %get3A_47, %dot_general3A_48 {dimension_numbers = #tpu.dot_dimension_numbers<[1], [0], [0], [1], [0, 0, 1, 1], [], []>, transpose_lhs_hint = false} : vector<2048x32xf32>, vector<32x1xf32>, vector<2048x1xf32> -> vector<2048x1xf32>
    %mul3A = arith.mulf %add3A_44, %add3A_44 : vector<2048x32xf32>
    %reduce_sum3A = arith.constant dense<0.000000e+00> : vector<2048xf32>
    %reduce_sum3A_50 = vector.multi_reduction <add>, %mul3A, %reduce_sum3A [1] : vector<2048x32xf32> to vector<2048xf32>
    %broadcast_in_dim3A = vector.shape_cast %reduce_sum3A_50 : vector<2048xf32> to vector<2048x1xf32>
    %mul3A_51 = arith.mulf %get3A_1, %get3A_1 : vector<2048x32xf32>
    %reduce_sum3A_52 = arith.constant dense<0.000000e+00> : vector<2048xf32>
    %reduce_sum3A_53 = vector.multi_reduction <add>, %mul3A_51, %reduce_sum3A_52 [1] : vector<2048x32xf32> to vector<2048xf32>
    %broadcast_in_dim3A_54 = vector.shape_cast %reduce_sum3A_53 : vector<2048xf32> to vector<2048x1xf32>
    %mul3A_55 = arith.mulf %get3A_4, %get3A_4 : vector<2048x32xf32>
    %reduce_sum3A_56 = arith.constant dense<0.000000e+00> : vector<2048xf32>
    %reduce_sum3A_57 = vector.multi_reduction <add>, %mul3A_55, %reduce_sum3A_56 [1] : vector<2048x32xf32> to vector<2048xf32>
    %broadcast_in_dim3A_58 = vector.shape_cast %reduce_sum3A_57 : vector<2048xf32> to vector<2048x1xf32>
    %add3A_59 = arith.addf %broadcast_in_dim3A_54, %broadcast_in_dim3A_58 : vector<2048x1xf32>
    %mul3A_60 = arith.mulf %get3A_7, %get3A_7 : vector<2048x32xf32>
    %reduce_sum3A_61 = arith.constant dense<0.000000e+00> : vector<2048xf32>
    %reduce_sum3A_62 = vector.multi_reduction <add>, %mul3A_60, %reduce_sum3A_61 [1] : vector<2048x32xf32> to vector<2048xf32>
    %broadcast_in_dim3A_63 = vector.shape_cast %reduce_sum3A_62 : vector<2048xf32> to vector<2048x1xf32>
    %add3A_64 = arith.addf %add3A_59, %broadcast_in_dim3A_63 : vector<2048x1xf32>
    %mul3A_65 = arith.mulf %get3A_10, %get3A_10 : vector<2048x32xf32>
    %reduce_sum3A_66 = arith.constant dense<0.000000e+00> : vector<2048xf32>
    %reduce_sum3A_67 = vector.multi_reduction <add>, %mul3A_65, %reduce_sum3A_66 [1] : vector<2048x32xf32> to vector<2048xf32>
    %broadcast_in_dim3A_68 = vector.shape_cast %reduce_sum3A_67 : vector<2048xf32> to vector<2048x1xf32>
    %add3A_69 = arith.addf %add3A_64, %broadcast_in_dim3A_68 : vector<2048x1xf32>
    %mul3A_70 = arith.mulf %max3A_23, %max3A_23 : vector<2048x32xf32>
    %reduce_sum3A_71 = arith.constant dense<0.000000e+00> : vector<2048xf32>
    %reduce_sum3A_72 = vector.multi_reduction <add>, %mul3A_70, %reduce_sum3A_71 [1] : vector<2048x32xf32> to vector<2048xf32>
    %broadcast_in_dim3A_73 = vector.shape_cast %reduce_sum3A_72 : vector<2048xf32> to vector<2048x1xf32>
    %add3A_74 = arith.addf %add3A_69, %broadcast_in_dim3A_73 : vector<2048x1xf32>
    %mul3A_75 = arith.mulf %max3A_39, %max3A_39 : vector<2048x32xf32>
    %reduce_sum3A_76 = arith.constant dense<0.000000e+00> : vector<2048xf32>
    %reduce_sum3A_77 = vector.multi_reduction <add>, %mul3A_75, %reduce_sum3A_76 [1] : vector<2048x32xf32> to vector<2048xf32>
    %broadcast_in_dim3A_78 = vector.shape_cast %reduce_sum3A_77 : vector<2048xf32> to vector<2048x1xf32>
    %add3A_79 = arith.addf %add3A_74, %broadcast_in_dim3A_78 : vector<2048x1xf32>
    %sub3A = arith.subf %broadcast_in_dim3A, %add3A_79 : vector<2048x1xf32>
    %mul3A_80 = arith.constant 5.000000e-01 : f32
    %mul3A_81 = vector.broadcast %mul3A_80 : f32 to vector<2048x1xf32>
    %mul3A_82 = arith.mulf %mul3A_81, %sub3A : vector<2048x1xf32>
    %concatenate3A = tpu.concatenate %get3A_1, %get3A_4, %get3A_7, %get3A_10, %max3A_23, %max3A_39 in 1 : vector<2048x32xf32>, vector<2048x32xf32>, vector<2048x32xf32>, vector<2048x32xf32>, vector<2048x32xf32>, vector<2048x32xf32> -> vector<2048x192xf32>
    %get3A_83 = arith.constant 0 : index
    %get3A_84 = arith.constant 0 : index
    %get3A_85 = vector.load %arg12[%get3A_83, %get3A_84] : memref<192x256xf32, #tpu.memory_space<vmem>>, vector<192x256xf32>
    %dot_general3A_86 = arith.constant dense<0.000000e+00> : vector<2048x256xf32>
    %dot_general3A_87 = tpu.matmul %concatenate3A, %get3A_85, %dot_general3A_86 {dimension_numbers = #tpu.dot_dimension_numbers<[1], [0], [0], [1], [0, 0, 1, 1], [], []>, transpose_lhs_hint = false} : vector<2048x192xf32>, vector<192x256xf32>, vector<2048x256xf32> -> vector<2048x256xf32>
    %get3A_88 = arith.constant 0 : index
    %get3A_89 = arith.constant 0 : index
    %get3A_90 = vector.load %arg13[%get3A_88, %get3A_89] : memref<1x256xf32, #tpu.memory_space<vmem>>, vector<1x256xf32>
    %add3A_91 = vector.broadcast %get3A_90 : vector<1x256xf32> to vector<2048x256xf32>
    %add3A_92 = arith.addf %dot_general3A_87, %add3A_91 : vector<2048x256xf32>
    %max3A_93 = arith.constant 0.000000e+00 : f32
    %max3A_94 = vector.broadcast %max3A_93 : f32 to vector<2048x256xf32>
    %max3A_95 = arith.maximumf %add3A_92, %max3A_94 : vector<2048x256xf32>
    %get3A_96 = arith.constant 0 : index
    %get3A_97 = arith.constant 0 : index
    %get3A_98 = vector.load %arg14[%get3A_96, %get3A_97] : memref<256x128xf32, #tpu.memory_space<vmem>>, vector<256x128xf32>
    %dot_general3A_99 = arith.constant dense<0.000000e+00> : vector<2048x128xf32>
    %dot_general3A_100 = tpu.matmul %max3A_95, %get3A_98, %dot_general3A_99 {dimension_numbers = #tpu.dot_dimension_numbers<[1], [0], [0], [1], [0, 0, 1, 1], [], []>, transpose_lhs_hint = false} : vector<2048x256xf32>, vector<256x128xf32>, vector<2048x128xf32> -> vector<2048x128xf32>
    %get3A_101 = arith.constant 0 : index
    %get3A_102 = arith.constant 0 : index
    %get3A_103 = vector.load %arg15[%get3A_101, %get3A_102] : memref<1x128xf32, #tpu.memory_space<vmem>>, vector<1x128xf32>
    %add3A_104 = vector.broadcast %get3A_103 : vector<1x128xf32> to vector<2048x128xf32>
    %add3A_105 = arith.addf %dot_general3A_100, %add3A_104 : vector<2048x128xf32>
    %max3A_106 = arith.constant 0.000000e+00 : f32
    %max3A_107 = vector.broadcast %max3A_106 : f32 to vector<2048x128xf32>
    %max3A_108 = arith.maximumf %add3A_105, %max3A_107 : vector<2048x128xf32>
    %get3A_109 = arith.constant 0 : index
    %get3A_110 = arith.constant 0 : index
    %get3A_111 = vector.load %arg16[%get3A_109, %get3A_110] : memref<128x1xf32, #tpu.memory_space<vmem>>, vector<128x1xf32>
    %dot_general3A_112 = arith.constant dense<0.000000e+00> : vector<2048x1xf32>
    %dot_general3A_113 = tpu.matmul %max3A_108, %get3A_111, %dot_general3A_112 {dimension_numbers = #tpu.dot_dimension_numbers<[1], [0], [0], [1], [0, 0, 1, 1], [], []>, transpose_lhs_hint = false} : vector<2048x128xf32>, vector<128x1xf32>, vector<2048x1xf32> -> vector<2048x1xf32>
    %add3A_114 = arith.addf %dot_general3A_49, %mul3A_82 : vector<2048x1xf32>
    %add3A_115 = arith.addf %add3A_114, %dot_general3A_113 : vector<2048x1xf32>
    %get3A_116 = arith.constant 0 : index
    %get3A_117 = arith.constant 0 : index
    %get3A_118 = vector.load %arg17[%get3A_116, %get3A_117] : memref<1x1xf32, #tpu.memory_space<vmem>>, vector<1x1xf32>
    %add3A_119 = vector.broadcast %get3A_118 : vector<1x1xf32> to vector<2048x1xf32>
    %add3A_120 = arith.addf %add3A_115, %add3A_119 : vector<2048x1xf32>
    %neg3A = arith.constant 0.000000e+00 : f32
    %neg3A_121 = vector.broadcast %neg3A : f32 to vector<2048x1xf32>
    %neg3A_122 = arith.subf %neg3A_121, %add3A_120 : vector<2048x1xf32>
    %exp3A = math.exp %neg3A_122 : vector<2048x1xf32>
    %add3A_123 = arith.constant 1.000000e+00 : f32
    %add3A_124 = vector.broadcast %add3A_123 : f32 to vector<2048x1xf32>
    %add3A_125 = arith.addf %add3A_124, %exp3A : vector<2048x1xf32>
    %div3A = arith.constant 1.000000e+00 : f32
    %div3A_126 = vector.broadcast %div3A : f32 to vector<2048x1xf32>
    %div3A_127 = arith.divf %div3A_126, %add3A_125 : vector<2048x1xf32>
    %swap3A = arith.constant 0 : index
    %swap3A_128 = arith.constant 0 : index
    %swap3A_129 = vector.load %arg18[%swap3A, %swap3A_128] : memref<2048x1xf32, #tpu.memory_space<vmem>>, vector<2048x1xf32>
    tpu.vector_store %arg18[%swap3A, %swap3A_128], %div3A_127 {strides = array<i32>} : memref<2048x1xf32, #tpu.memory_space<vmem>>, vector<2048x1xf32>,
    return
  }
  func.func @transform_0(%arg0: i32) -> (i32, i32) {
    %c0_i32 = arith.constant 0 : i32
    %c0_i32_0 = arith.constant 0 : i32
    return %arg0, %c0_i32 : i32, i32
  }
  func.func @transform_1(%arg0: i32) -> (i32, i32) {
    %c0_i32 = arith.constant 0 : i32
    %c0_i32_0 = arith.constant 0 : i32
    return %arg0, %c0_i32 : i32, i32
  }
  func.func @transform_2(%arg0: i32) -> (i32, i32) {
    %c0_i32 = arith.constant 0 : i32
    %c0_i32_0 = arith.constant 0 : i32
    return %arg0, %c0_i32 : i32, i32
  }
  func.func @transform_3(%arg0: i32) -> (i32, i32) {
    %c0_i32 = arith.constant 0 : i32
    %c0_i32_0 = arith.constant 0 : i32
    return %arg0, %c0_i32 : i32, i32
  }
  func.func @transform_4(%arg0: i32) -> (i32, i32) {
    %c0_i32 = arith.constant 0 : i32
    %c0_i32_0 = arith.constant 0 : i32
    return %arg0, %c0_i32 : i32, i32
  }
  func.func @transform_5(%arg0: i32) -> (i32, i32) {
    %c0_i32 = arith.constant 0 : i32
    %c0_i32_0 = arith.constant 0 : i32
    return %arg0, %c0_i32 : i32, i32
  }
  func.func @transform_6(%arg0: i32) -> (i32, i32) {
    %c0_i32 = arith.constant 0 : i32
    %c0_i32_0 = arith.constant 0 : i32
    %c0_i32_1 = arith.constant 0 : i32
    return %c0_i32, %c0_i32_0 : i32, i32
  }
  func.func @transform_7(%arg0: i32) -> (i32, i32) {
    %c0_i32 = arith.constant 0 : i32
    %c0_i32_0 = arith.constant 0 : i32
    %c0_i32_1 = arith.constant 0 : i32
    return %c0_i32, %c0_i32_0 : i32, i32
  }
  func.func @transform_8(%arg0: i32) -> (i32, i32) {
    %c0_i32 = arith.constant 0 : i32
    %c0_i32_0 = arith.constant 0 : i32
    %c0_i32_1 = arith.constant 0 : i32
    return %c0_i32, %c0_i32_0 : i32, i32
  }
  func.func @transform_9(%arg0: i32) -> (i32, i32) {
    %c0_i32 = arith.constant 0 : i32
    %c0_i32_0 = arith.constant 0 : i32
    %c0_i32_1 = arith.constant 0 : i32
    return %c0_i32, %c0_i32_0 : i32, i32
  }
  func.func @transform_10(%arg0: i32) -> (i32, i32) {
    %c0_i32 = arith.constant 0 : i32
    %c0_i32_0 = arith.constant 0 : i32
    %c0_i32_1 = arith.constant 0 : i32
    return %c0_i32, %c0_i32_0 : i32, i32
  }
  func.func @transform_11(%arg0: i32) -> (i32, i32) {
    %c0_i32 = arith.constant 0 : i32
    %c0_i32_0 = arith.constant 0 : i32
    %c0_i32_1 = arith.constant 0 : i32
    return %c0_i32, %c0_i32_0 : i32, i32
  }
  func.func @transform_12(%arg0: i32) -> (i32, i32) {
    %c0_i32 = arith.constant 0 : i32
    %c0_i32_0 = arith.constant 0 : i32
    %c0_i32_1 = arith.constant 0 : i32
    return %c0_i32, %c0_i32_0 : i32, i32
  }
  func.func @transform_13(%arg0: i32) -> (i32, i32) {
    %c0_i32 = arith.constant 0 : i32
    %c0_i32_0 = arith.constant 0 : i32
    %c0_i32_1 = arith.constant 0 : i32
    return %c0_i32, %c0_i32_0 : i32, i32
  }
  func.func @transform_14(%arg0: i32) -> (i32, i32) {
    %c0_i32 = arith.constant 0 : i32
    %c0_i32_0 = arith.constant 0 : i32
    %c0_i32_1 = arith.constant 0 : i32
    return %c0_i32, %c0_i32_0 : i32, i32
  }
  func.func @transform_15(%arg0: i32) -> (i32, i32) {
    %c0_i32 = arith.constant 0 : i32
    %c0_i32_0 = arith.constant 0 : i32
    %c0_i32_1 = arith.constant 0 : i32
    return %c0_i32, %c0_i32_0 : i32, i32
  }
  func.func @transform_16(%arg0: i32) -> (i32, i32) {
    %c0_i32 = arith.constant 0 : i32
    %c0_i32_0 = arith.constant 0 : i32
    %c0_i32_1 = arith.constant 0 : i32
    return %c0_i32, %c0_i32_0 : i32, i32
  }
  func.func @transform_17(%arg0: i32) -> (i32, i32) {
    %c0_i32 = arith.constant 0 : i32
    %c0_i32_0 = arith.constant 0 : i32
    return %arg0, %c0_i32 : i32, i32
  }
}

</mosaic_0001>

<sc_bundles>
// kernel: kernel.4.cloned.1.call-start
scs
__scs_entry_jumppad:
0x0: {  	(pc) =	sbr.rel $0x88, $3  }
0x1: {  	(tag) =	ssettag $0x0;
	lr =	simm.s32 $0x1  }
0x2: {  	[smem:$0x3F8B] =	sst lr;
	_ =	strace $0xD0000000  }
0x3: {  	_ = 	snop  }
0x4: {  	_ = 	snop  }
0x5: {  	_ = 	snop  }
0x6: {  	_ = 	snop  }
0x7: {  	_ = 	snop  }
__scs_overlays_trampoline_lowered:
0x8: {  	[smem:$0x3F9A] =	sst s0  }
0x9: {  	[smem:$0x3F9B] =	sst s1  }
0xa: {  	[smem:$0x3F9C] =	sst s2  }
0xb: {  	[smem:$0x3F9D] =	sst s3  }
0xc: {  	[smem:$0x3F9E] =	sst s4  }
0xd: {  	[smem:$0x3F9F] =	sst s5  }
0xe: {  	[smem:$0x3FA0] =	sst s6  }
0xf: {  	[smem:$0x3FA1] =	sst s7  }
0x10: {  	[smem:$0x3FA2] =	sst s8  }
0x11: {  	[smem:$0x3FA3] =	sst s9;
	s0 =	simm.s32 @!p0 $0x0  }
0x12: {  	s1 =	sld [smem:$0x3F89];
	s0 =	simm.s32 @p0 $0x1  }
0x13: {  	[smem:$0x3FA4] =	sst s0;
	s0 =	simm.s32 @!p1 $0x0  }
0x14: {  	s2 =	sld [smem:$0x3F88];
	s0 =	simm.s32 @p1 $0x1  }
0x15: {  	[smem:$0x3FA5] =	sst s0;
	s0 =	simm.s32 @!p2 $0x0  }
0x16: {  	s3 =	sld [smem:$0x3FDB];
	s0 =	simm.s32 @p2 $0x1  }
0x17: {  	s4 =	simm.s32 $0x1BF5;
	[smem:$0x3FA7] =	sst s0  }
0x18: {  	s0 =	sld [smem:$0x3F8A];
	_ =	swait.ge [sflag:s4], $0x0  }
0x19: {  	s7 =	sld [smem:$0x3F8B]  }
0x1a: {  	s8 =	sadd.s32 $0xFFFFE003, lr  }
0x1b: {  	s9 =	sadd.s32 $0xFFFFFEF7, lr;
	s5 =	simm.s32 $0xFFFFFFFF;
	p2 =	slt.u32 s8, $0xFFFFF086  }
0x1c: {  	p1 =	slt.u32 s9, $0xF7A;
	s5 =	simm.s32 @!p2 $0x0  }
0x1d: {  	s5 =	simm.s32 @p1 $0x1;
	p0 =	seq.s32 s7, s2  }
0x1e: {  	s7 =	smul.u32 @!p0 $0xF7A, s2;
	p2 =	seq.s32 @!p0 s5, $0x0  }
0x1f: {  	s9 =	smul.u32 $0xF7A, s1;
	s8 =	simm.s32 @!p0 $0x1BF5;
	p2 =	por !p2, p0  }
0x20: {  	[sflag:s8] =	ssyncset.s32 @!p0 $0xFFFFF086;
	s6 =	sadd.s32 @!p0 s3, s7;
	s7 =	simm.s32 @!p0 $0x108  }
0x21: {  	s3 =	sadd.s32 s3, s9;
	s6 =	sadd.s32 @!p0 $0x88, s6;
	s7 =	simm.s32 @p2 $0x1082  }
0x22: {  	[simem:s7], [sflag:s8] =	dma.local @!p0 [hbm:s6], $0xF7A  }
0x23: {  	s9 =	sor.u32 $0xD0000000, s2;
	s6 =	simm.s32 $0x108;
	_ =	swait.ge @!p0 [sflag:s8], $0x0  }
0x24: {  	s3 =	sadd.s32 $0x88, s3;
	s6 =	simm.s32 @!p1 $0x1082;
	[sflag:s4] =	ssyncset.s32 $0xFFFFF086  }
0x25: {  	[simem:s6], [sflag:s4] =	dma.local [hbm:s3], $0xF7A  }
0x26: {  	[smem:$0x3F8B] =	sst s1;
	(tag) =	ssettag s2;
	_ =	strace s9  }
0x27: {  	s1 =	sld [smem:$0x3F9B]  }
0x28: {  	s2 =	sld [smem:$0x3F9C]  }
0x29: {  	s4 =	sld [smem:$0x3F9E]  }
0x2a: {  	p0 =	seq.s32 s5, $0x0;
	s5 =	sld [smem:$0x3F9F]  }
0x2b: {  	s6 =	sld [smem:$0x3FA0]  }
0x2c: {  	s7 =	sld [smem:$0x3FA1]  }
0x2d: {  	s3 =	simm.s32 $0x108;
	s8 =	sld [smem:$0x3FA2]  }
0x2e: {  	s3 =	simm.s32 @!p0 $0x1082;
	s9 =	sld [smem:$0x3FA3]  }
0x2f: {  	lr =	sadd.s32 s0, s3;
	s0 =	sld [smem:$0x3F9A]  }
0x30: {  	s3 =	sld [smem:$0x3F9D]  }
0x31: {  	[smem:$0x3FA6] =	sst s10  }
0x32: {  	s10 =	sld [smem:$0x3FA4];
	_ =	sdelay $0x3  }
0x33: {  	p0 =	seq.s32 s10, $0x1;
	s10 =	sld [smem:$0x3FA6];
	_ =	sdelay $0x3  }
0x34: {  	[smem:$0x3FA6] =	sst s10  }
0x35: {  	s10 =	sld [smem:$0x3FA5];
	_ =	sdelay $0x3  }
0x36: {  	p1 =	seq.s32 s10, $0x1;
	s10 =	sld [smem:$0x3FA6];
	_ =	sdelay $0x3  }
0x37: {  	[smem:$0x3FA6] =	sst s10  }
0x38: {  	s10 =	sld [smem:$0x3FA7]  }
0x39: {  	_ = 	snop;
	(pc) =	sbr.ind lr, $3  }
0x3a: {  	_ = 	snop  }
0x3b: {  	_ = 	snop  }
0x3c: {  	p2 =	seq.s32 s10, $0x1;
	s10 =	sld [smem:$0x3FA6]  }
0x3d: {  	_ =	shalt  }
0x3e: {  	_ =	shalt  }
0x3f: {  	_ =	shalt  }
0x40: {  	_ =	shalt  }
0x41: {  	_ =	shalt  }
0x42: {  	_ =	shalt  }
0x43: {  	_ =	shalt  }
0x44: {  	_ =	shalt  }
0x45: {  	_ =	shalt  }
0x46: {  	_ =	shalt  }
0x47: {  	_ =	shalt  }
0x48: {  	_ =	shalt  }
0x49: {  	_ =	shalt  }
0x4a: {  	_ =	shalt  }
0x4b: {  	_ =	shalt  }
0x4c: {  	_ =	shalt  }
0x4d: {  	_ =	shalt  }
0x4e: {  	_ =	shalt  }
0x4f: {  	_ =	shalt  }
0x50: {  	_ =	shalt  }
0x51: {  	_ =	shalt  }
0x52: {  	_ =	shalt  }
0x53: {  	_ =	shalt  }
0x54: {  	_ =	shalt  }
0x55: {  	_ =	shalt  }
0x56: {  	_ =	shalt  }
0x57: {  	_ =	shalt  }
0x58: {  	_ =	shalt  }
0x59: {  	_ =	shalt  }
0x5a: {  	_ =	shalt  }
0x5b: {  	_ =	shalt  }
0x5c: {  	_ =	shalt  }
0x5d: {  	_ =	shalt  }
0x5e: {  	_ =	shalt  }
0x5f: {  	_ =	shalt  }
0x60: {  	_ =	shalt  }
0x61: {  	_ =	shalt  }
0x62: {  	_ =	shalt  }
0x63: {  	_ =	shalt  }
0x64: {  	_ =	shalt  }
0x65: {  	_ =	shalt  }
0x66: {  	_ =	shalt  }
0x67: {  	_ =	shalt  }
0x68: {  	_ =	shalt  }
0x69: {  	_ =	shalt  }
0x6a: {  	_ =	shalt  }
0x6b: {  	_ =	shalt  }
0x6c: {  	_ =	shalt  }
0x6d: {  	_ =	shalt  }
0x6e: {  	_ =	shalt  }
0x6f: {  	_ =	shalt  }
0x70: {  	_ =	shalt  }
0x71: {  	_ =	shalt  }
0x72: {  	_ =	shalt  }
0x73: {  	_ =	shalt  }
0x74: {  	_ =	shalt  }
0x75: {  	_ =	shalt  }
0x76: {  	_ =	shalt  }
0x77: {  	_ =	shalt  }
0x78: {  	_ =	shalt  }
0x79: {  	_ =	shalt  }
0x7a: {  	_ =	shalt  }
0x7b: {  	_ =	shalt  }
0x7c: {  	_ =	shalt  }
0x7d: {  	_ =	shalt  }
0x7e: {  	_ =	shalt  }
0x7f: {  	_ =	shalt  }
0x80: {  	_ =	shalt  }
0x81: {  	_ =	shalt  }
0x82: {  	_ =	shalt  }
0x83: {  	_ =	shalt  }
0x84: {  	_ =	shalt  }
0x85: {  	_ =	shalt  }
0x86: {  	_ =	shalt  }
0x87: {  	_ =	shalt  }
.Lfunc_end0:
.L_simem_size_0:
called_computation_lowered:
.L_overlay_start_0:
0x88: {  	s2 =	sld [smem:$0x3FD9]  }
0x89: {  	s3 =	sld [smem:$0x3FFE];
	_ =	sdelay $0x1  }
0x8a: {  	s1 =	srdreg.scid  }
0x8b: {  	s0 =	sand.u32 $0x1, s1  }
0x8c: {  	s17 =	sshll.u32 s0, $0xA;
	s2 =	sadd.s32 s3, s2  }
0x8d: {  	s2 =	sadd.s32 s2, s17  }
0x8e: {  	[smem:$0x3FB2] =	sst s2  }
0x8f: {  	_ = 	snop  }
0x90: {  	s2 =	sld [smem:$0x3FC9]  }
0x91: {  	s18 =	sld [smem:$0x3FC8]  }
0x92: {  	s4 =	sld [smem:$0x3FC7]  }
0x93: {  	s5 =	sld [smem:$0x3FC6]  }
0x94: {  	s6 =	sld [smem:$0x3FD0];
	(tm) =	ssettm $0x1  }
0x95: {  	s7 =	sld [smem:$0x3FFB];
	_ =	sdelay $0x3  }
0x96: {  	_ =	strace s7  }
0x97: {  	s7 =	sld [smem:$0x3FFC];
	_ =	sdelay $0x3  }
0x98: {  	_ =	strace s7  }
0x99: {  	s7 =	sld [smem:$0x3FFD];
	_ =	sdelay $0x3  }
0x9a: {  	_ =	strace s7  }
0x9b: {  	_ =	strace $0x8FFFFFFF  }
0x9c: {  	s19 =	sld [smem:$0x3FDB];
	_ =	sdelay $0x1  }
0x9d: {  	s8 =	simm.s32 $_scs_section_size  }
0x9e: {  	s9 =	simm.s32 $_size__tile_overlayer_lowered;
	s10 =	simm.s32 $_tile_overlayer_lowered  }
0x9f: {  	s22 =	simm.s32 $0x1BFF;
	s21 =	sshll.u32 s10, $0x1;
	s7 =	sadd.s32 s8, s19  }
0xa0: {  	s11 =	simm.s32 $0x0;
	s20 =	sshll.u32 s9, $0x1;
	s9 =	sadd.s32 s21, s7  }
0xa1: {  	[timem:s11], [sflag:s22] =	dma.local [hbm:s9], s20  }
0xa2: {  	_ =	swait.ge [sflag:s22], s20  }
0xa3: {  	s8 =	ssub.s32 $0x0, s20;
	[sflag:s22] =	ssyncset.done $0x0  }
0xa4: {  	[sflag:s22] =	ssyncadd.s32 s8;
	_ =	sdelay $0x1  }
0xa5: {  	s23 =	simm.s32 $0x1B8B  }
0xa6: {  	_ =	swait.ge [sflag:s23], $0x1  }
0xa7: {  	[sflag:s23] =	ssyncset.done $0x0  }
0xa8: {  	s25 =	simm.s32 $0x1B8E;
	s24 =	sld [smem:$0x3FFE];
	[sflag:s23] =	ssyncadd.s32 $0xFFFFFFFF  }
0xa9: {  	s26 =	simm.s32 $execute0_lowered;
	[smem:$0x3FD2] =	sst s25  }
0xaa: {  	s9 =	sshll.u32 s26, $0x1;
	_ =	strace $0x80000046;
	[dreg:$0x1] =	wrdreg $0xFFFFFFFF  }
0xab: {  	s28 =	simm.s32 $_size_execute0_lowered;
	s7 =	sadd.s32 s7, s9;
	[dreg:$0x0] =	wrdreg $0x0  }
0xac: {  	s9 =	sshll.u32 s28, $0x1;
	[dreg:$0x2] =	wrdreg s7  }
0xad: {  	[dreg:$0x3] =	wrdreg s9  }
0xae: {  	[dreg:$0x4] =	wrdreg $0xC0  }
0xaf: {  	_ =	task [dreg:s11], $0x5FFFF  }
0xb0: {  	[dreg:$0x1] =	wrdreg $0xFFFFFFFF  }
0xb1: {  	[dreg:$0x0] =	wrdreg $0x60  }
0xb2: {  	[dreg:$0x2] =	wrdreg s24  }
0xb3: {  	[dreg:$0x3] =	wrdreg s6  }
0xb4: {  	[dreg:$0x4] =	wrdreg s2  }
0xb5: {  	[dreg:$0x5] =	wrdreg s18  }
0xb6: {  	[dreg:$0x6] =	wrdreg s4  }
0xb7: {  	[dreg:$0x7] =	wrdreg s5  }
0xb8: {  	[dreg:$0x8] =	wrdreg $0x9  }
0xb9: {  	_ =	task.clear_ibuf [dreg:s11], $0x9FFFF;
	_ =	strace $0x90000046  }
0xba: {  	s29 =	simm.s32 $0x9;
	_ =	strace $0x80000048  }
0xbb: {  	_ =	swait.ge [sflag:s29], $0x1  }
0xbc: {  	[sflag:s29] =	ssyncadd.s32 $0xFFFFFFFF  }
0xbd: {  	_ =	strace $0x90000048  }
0xbe: {  	_ =	sfence  }
0xbf: {  	s30 =	sld [smem:$0x0];
	_ =	sdelay $0x2  }
0xc0: {  	s31 =	sshll.u32 s1, $0xD;
	s1 =	sshrl.u32 s1, $0x2  }
0xc1: {  	s3 =	sand.u32 $0x4000, s31;
	s1 =	sadd.s32 s1, s30  }
0xc2: {  	s0 =	sor.u32 s3, s0;
	s1 =	sshll.u32 s1, $0x11  }
0xc3: {  	s0 =	sor.u32 s1, s0  }
0xc4: {  	s0 =	sadd.s32 $0x8F2B, s0  }
0xc5: {  	[sflag:s0] =	ssyncadd.remote.s32 $0x1  }
0xc6: {  	_ =	sfence.sel $0xFFFF  }
0xc7: {  	[dreg:$0x0] =	wrdreg $0xFFFFFFFF;
	(pc) =	sbr.abs _section_cstart, $3  }
0xc8: {  	[dreg:$0x1] =	wrdreg $0xFFFFFFFF  }
0xc9: {  	_ =	task.clear_ibuf [dreg:s11], $0x2FFFF;
	_ =	strace $0x9FFFFFFF  }
0xca: {  	(tm) =	ssettm $0x7FFFFFFF  }
0xcb: {  	_ =	shalt  }
tec
execute0_lowered:
.L_overlay_start_1:
0x0: {  	(tag) =	ssettag $0x1  }
0x1: {  	s0 =	rddreg [dreg:$0x0]  }
0x2: {  	s1 =	rddreg [dreg:$0x1]  }
0x3: {  	s3 =	rddreg [dreg:$0x2]  }
0x4: {  	s7 =	rddreg [dreg:$0x3]  }
0x5: {  	s8 =	rddreg [dreg:$0x4];
	s5 =	srdreg.scid  }
0x6: {  	s13 =	rddreg [dreg:$0x5];
	s6 =	stileid.u32;
	s9 =	sand.u32 $0x1, s5  }
0x7: {  	s2 =	simm.s32 $0x0;
	s10 =	sshll.u32 s6, $0xA;
	s11 =	sshll.u32 s9, $0x9  }
0x8: {  	[smem:$0x7FF] =	sst s2;
	s4 =	sadd.s32 $0x2200, s0;
	s10 =	sor.u32 s11, s10  }
0x9: {  	s5 =	sadd.s32 $0xF44600, s0;
	s6 =	sadd.s32 $0x1E86A00, s0;
	s14 =	sshrl.u32 s10, $0x3  }
0xa: {  	_ =	strace $0x80000047;
	s9 =	ssub.s32 $0x2, s9;
	s3 =	sadd.s32 s3, s14  }
0xb: {  	s12 =	sshrl.u32 s9, $0x1;
	s25 =	sadd.s32 s7, s14;
	[dreg:$0x7] =	wrdreg s3  }
0xc: {  	s11 =	sshll.u32 s10, $0x4;
	s28 =	sadd.s32 s8, s14;
	[dreg:$0x9] =	wrdreg s25  }
0xd: {  	s15 =	ssub.s32 s9, s12;
	s30 =	sadd.s32 s13, s14;
	[dreg:$0xb] =	wrdreg s28  }
0xe: {  	s0 =	sadd.s32 s11, s0;
	s31 =	smax.u32 s15, $0x1;
	[dreg:$0xd] =	wrdreg s30  }
0xf: {  	s16 =	simm.s32 $0x5;
	s24 =	sadd.s32 $0x1E8AA00, s0;
	[dreg:$0xf] =	wrdreg s31  }
0x10: {  	s17 =	simm.s32 $0x1;
	s26 =	sadd.s32 $0x1ECAA00, s0;
	[dreg:$0x8] =	wrdreg s24  }
0x11: {  	s18 =	simm.s32 $0x2;
	s29 =	sadd.s32 $0x1F0AA00, s0;
	[dreg:$0xa] =	wrdreg s26  }
0x12: {  	s19 =	simm.s32 $0x3;
	s0 =	sadd.s32 $0x1F4AA00, s0;
	[dreg:$0xc] =	wrdreg s29  }
0x13: {  	s20 =	simm.s32 $0x4;
	s22 =	simm.s32 $0x0;
	[dreg:$0xe] =	wrdreg s0  }
.LBB2_1:
0x14: {  	s0 =	rddreg [dreg:$0x7]  }
0x15: {  	[tilespmem:s2], [sflag:$0x5] =	stream.linear.gather [hbm4b:s0+s2], $0x200, $0x38;
	[tilespmem:$0x10200] =	vst v63  }
0x16: {  	_ =	swait.ge [sflag:s16], $0x200  }
0x17: {  	[sflag:s16] =	ssyncset.done $0x0  }
0x18: {  	[sflag:s16] =	ssyncadd.s32 $0xFFFFFE00  }
0x19: {  	v0 =	vld [tilespmem:s2+$0x0];
	_ =	sdelay $0x4  }
0x1a: {  	v0 =	vshll.u32 v0, $0x4  }
0x1b: {  	(v2sf) =	vpush v0, $0x0  }
0x1c: {  	(v2sf) =	vpush v0, $0x1  }
0x1d: {  	(v2sf) =	vpush v0, $0x2;
	_ =	sdelay $0x1  }
0x1e: {  	(v2sf) =	vpush v0, $0x4;
	_ =	sdelay $0x1  }
0x1f: {  	(v2sf) =	vpush v0, $0x3  }
0x20: {  	(v2sf) =	vpush v0, $0x5  }
0x21: {  	s24 =	simm.s32 $0x2000;
	s23 =	simm.s32 $0x0;
	s25 =	simm.s32 $0x0;
	(v2sf) =	vpush v0, $0x6  }
.LBB2_2:
0x22: {  	p0 =	sne.s32 s24, $0x3E000  }
0x23: {  	s9 =	sadd.s32 $0x280, s23;
	s30 =	sadd.s32 $0x780, s23;
	s26 =	smov.u32 s24  }
0x24: {  	s24 =	sadd.s32 $0x2000, s24;
	s3 =	sadd.s32 $0x580, s23;
	s28 =	sadd.s32 $0x800, s23;
	(v2sf) =	vpush v0, $0x7  }
0x25: {  	s8 =	sadd.s32 $0x480, s23;
	s0 =	sadd.s32 $0x600, s23;
	s29 =	sadd.s32 $0x880, s23  }
0x26: {  	s10 =	sadd.s32 $0x200, s23;
	s11 =	sadd.s32 $0x400, s23;
	(v2sf) =	vpush v0, $0x8  }
0x27: {  	s12 =	sadd.s32 $0x500, s23;
	s25 =	sadd.s32 $0x10, s25  }
0x28: {  	s13 =	sadd.s32 $0x300, s23;
	s31 =	sadd.s32 $0x700, s23;
	s7 =	spop (v2sf);
	(v2sf) =	vpush v0, $0x9  }
0x29: {  	s14 =	sand.u32 $0x1FFFFFF0, s7;
	s7 =	sadd.s32 $0x680, s23;
	s15 =	spop (v2sf)  }
0x2a: {  	s14 =	sadd.s32 s4, s14;
	s15 =	sand.u32 $0x1FFFFFF0, s15;
	s21 =	spop (v2sf);
	(v2sf) =	vpush v0, $0xA  }
0x2b: {  	[tilespmem:s10], [sflag:$0x1] =	stream.linear.gather [hbm4b:s14+s2], $0x80, $0x38;
	[tilespmem:$0x10200] =	vst v63  }
0x2c: {  	s10 =	sadd.s32 s4, s15;
	s14 =	sadd.s32 $0x380, s23;
	s15 =	spop (v2sf);
	(v2sf) =	vpush v0, $0xB  }
0x2d: {  	[tilespmem:s9], [sflag:$0x2] =	stream.linear.gather [hbm4b:s10+s2], $0x80, $0x38;
	[tilespmem:$0x10200] =	vst v63  }
0x2e: {  	s9 =	sand.u32 $0x1FFFFFF0, s21;
	s10 =	sand.u32 $0x1FFFFFF0, s15;
	s15 =	spop (v2sf);
	(v2sf) =	vpush v0, $0xC  }
0x2f: {  	s9 =	sadd.s32 s4, s9;
	s15 =	sand.u32 $0x1FFFFFF0, s15;
	s21 =	spop (v2sf)  }
0x30: {  	[tilespmem:s13], [sflag:$0x3] =	stream.linear.gather [hbm4b:s9+s2], $0x80, $0x38;
	(v2sf) =	vpush v0, $0xD;
	[tilespmem:$0x10200] =	vst v63  }
0x31: {  	s9 =	sadd.s32 s4, s15;
	s13 =	sand.u32 $0x1FFFFFF0, s21;
	s15 =	spop (v2sf)  }
0x32: {  	[tilespmem:s14], [sflag:$0x4] =	stream.linear.gather [hbm4b:s9+s2], $0x80, $0x38;
	(v2sf) =	vpush v0, $0xE;
	[tilespmem:$0x10200] =	vst v63  }
0x33: {  	s9 =	sadd.s32 s4, s10;
	s10 =	sand.u32 $0x1FFFFFF0, s15;
	s14 =	spop (v2sf)  }
0x34: {  	[tilespmem:s11], [sflag:$0x1] =	stream.linear.gather [hbm4b:s9+s2], $0x80, $0x38;
	(v2sf) =	vpush v0, $0xF;
	[tilespmem:$0x10200] =	vst v63  }
0x35: {  	s9 =	sadd.s32 s4, s13;
	s11 =	sand.u32 $0x1FFFFFF0, s14;
	s13 =	spop (v2sf)  }
0x36: {  	[tilespmem:s8], [sflag:$0x2] =	stream.linear.gather [hbm4b:s9+s2], $0x80, $0x38;
	[tilespmem:$0x10200] =	vst v63  }
0x37: {  	s8 =	sadd.s32 s4, s10;
	s9 =	sand.u32 $0x1FFFFFF0, s13;
	s10 =	spop (v2sf)  }
0x38: {  	[tilespmem:s12], [sflag:$0x3] =	stream.linear.gather [hbm4b:s8+s2], $0x80, $0x38;
	[tilespmem:$0x10200] =	vst v63  }
0x39: {  	s8 =	sadd.s32 s4, s11;
	s10 =	sand.u32 $0x1FFFFFF0, s10;
	s11 =	spop (v2sf)  }
0x3a: {  	[tilespmem:s3], [sflag:$0x4] =	stream.linear.gather [hbm4b:s8+s2], $0x80, $0x38;
	[tilespmem:$0x10200] =	vst v63  }
0x3b: {  	s3 =	sadd.s32 s4, s9;
	s8 =	sand.u32 $0x1FFFFFF0, s11;
	s9 =	spop (v2sf)  }
0x3c: {  	[tilespmem:s0], [sflag:$0x1] =	stream.linear.gather [hbm4b:s3+s2], $0x80, $0x38;
	[tilespmem:$0x10200] =	vst v63  }
0x3d: {  	s0 =	sadd.s32 s4, s10;
	s3 =	sand.u32 $0x1FFFFFF0, s9;
	s9 =	spop (v2sf)  }
0x3e: {  	[tilespmem:s7], [sflag:$0x2] =	stream.linear.gather [hbm4b:s0+s2], $0x80, $0x38;
	[tilespmem:$0x10200] =	vst v63  }
0x3f: {  	s0 =	sadd.s32 s4, s8;
	s7 =	sand.u32 $0x1FFFFFF0, s9;
	s8 =	spop (v2sf)  }
0x40: {  	[tilespmem:s31], [sflag:$0x3] =	stream.linear.gather [hbm4b:s0+s2], $0x80, $0x38;
	[tilespmem:$0x10200] =	vst v63  }
0x41: {  	s0 =	sadd.s32 s4, s3;
	s3 =	sand.u32 $0x1FFFFFF0, s8;
	s8 =	spop (v2sf)  }
0x42: {  	[tilespmem:s30], [sflag:$0x4] =	stream.linear.gather [hbm4b:s0+s2], $0x80, $0x38;
	[tilespmem:$0x10200] =	vst v63  }
0x43: {  	s0 =	sadd.s32 s4, s7;
	s7 =	sand.u32 $0x1FFFFFF0, s8;
	s8 =	spop (v2sf)  }
0x44: {  	[tilespmem:s28], [sflag:$0x1] =	stream.linear.gather [hbm4b:s0+s2], $0x80, $0x38;
	[tilespmem:$0x10200] =	vst v63  }
0x45: {  	s0 =	sadd.s32 s4, s3;
	s3 =	sand.u32 $0x1FFFFFF0, s8  }
0x46: {  	[tilespmem:s29], [sflag:$0x2] =	stream.linear.gather [hbm4b:s0+s2], $0x80, $0x38;
	[tilespmem:$0x10200] =	vst v63  }
0x47: {  	s7 =	sadd.s32 s4, s7;
	s0 =	sadd.s32 $0x900, s23  }
0x48: {  	[tilespmem:s0], [sflag:$0x3] =	stream.linear.gather [hbm4b:s7+s2], $0x80, $0x38;
	[tilespmem:$0x10200] =	vst v63  }
0x49: {  	s3 =	sadd.s32 s4, s3;
	s0 =	sadd.s32 $0x980, s23  }
0x4a: {  	[tilespmem:s0], [sflag:$0x4] =	stream.linear.gather [hbm4b:s3+s2], $0x80, $0x38;
	[tilespmem:$0x10200] =	vst v63  }
0x4b: {  	v0 =	vld [tilespmem:s25+$0x0];
	_ =	sdelay $0x4  }
0x4c: {  	v0 =	vshll.u32 v0, $0x4  }
0x4d: {  	(v2sf) =	vpush v0, $0x0  }
0x4e: {  	(v2sf) =	vpush v0, $0x1  }
0x4f: {  	(v2sf) =	vpush v0, $0x2;
	_ =	sdelay $0x1  }
0x50: {  	(v2sf) =	vpush v0, $0x4  }
.Ltmp0:
0x51: {  	(pc) =	sbr.rel @p0 .LBB2_2-.Ltmp0, $3  }
0x52: {  	(v2sf) =	vpush v0, $0x3  }
0x53: {  	(v2sf) =	vpush v0, $0x5;
	_ =	sdelay $0x1  }
0x54: {  	s23 =	sshra.s32 s26, $0x2;
	(v2sf) =	vpush v0, $0x6  }
0x55: {  	_ =	sdelay $0x4  }
0x56: {  	s0 =	spop (v2sf)  }
0x57: {  	s0 =	sand.u32 $0x1FFFFFF0, s0  }
0x58: {  	s7 =	sadd.s32 $0x200, s23;
	(v2sf) =	vpush v0, $0x7;
	s3 =	spop (v2sf);
	s0 =	sadd.s32 s4, s0  }
0x59: {  	[tilespmem:s7], [sflag:$0x1] =	stream.linear.gather [hbm4b:s0+s2], $0x80, $0x38;
	[tilespmem:$0x10200] =	vst v63  }
0x5a: {  	s3 =	sand.u32 $0x1FFFFFF0, s3;
	s8 =	spop (v2sf);
	s7 =	sadd.s32 $0x280, s23  }
0x5b: {  	s3 =	sadd.s32 s4, s3;
	s9 =	sand.u32 $0x1FFFFFF0, s8;
	s11 =	spop (v2sf)  }
0x5c: {  	[tilespmem:s7], [sflag:$0x2] =	stream.linear.gather [hbm4b:s3+s2], $0x80, $0x38;
	[tilespmem:$0x10200] =	vst v63  }
0x5d: {  	s10 =	sadd.s32 $0x300, s23;
	s0 =	sadd.s32 s4, s9;
	s12 =	spop (v2sf);
	(v2sf) =	vpush v0, $0x8  }
0x5e: {  	[tilespmem:s10], [sflag:$0x3] =	stream.linear.gather [hbm4b:s0+s2], $0x80, $0x38;
	[tilespmem:$0x10200] =	vst v63  }
0x5f: {  	s0 =	sand.u32 $0x1FFFFFF0, s12;
	(v2sf) =	vpush v0, $0x9  }
0x60: {  	s13 =	sadd.s32 $0x380, s23;
	s14 =	sand.u32 $0x1FFFFFF0, s11;
	s0 =	sadd.s32 s4, s0  }
0x61: {  	(v2sf) =	vpush v0, $0xA;
	[tilespmem:s13], [sflag:$0x4] =	stream.linear.gather [hbm4b:s0+s2], $0x80, $0x38;
	[tilespmem:$0x10200] =	vst v63  }
0x62: {  	s15 =	sadd.s32 $0x400, s23;
	s21 =	spop (v2sf);
	s0 =	sadd.s32 s4, s14  }
0x63: {  	[tilespmem:s15], [sflag:$0x1] =	stream.linear.gather [hbm4b:s0+s2], $0x80, $0x38;
	[tilespmem:$0x10200] =	vst v63  }
0x64: {  	s0 =	sand.u32 $0x1FFFFFF0, s21  }
0x65: {  	s24 =	sadd.s32 $0x480, s23;
	s25 =	spop (v2sf);
	s0 =	sadd.s32 s4, s0  }
0x66: {  	[tilespmem:s24], [sflag:$0x2] =	stream.linear.gather [hbm4b:s0+s2], $0x80, $0x38;
	[tilespmem:$0x10200] =	vst v63  }
0x67: {  	s28 =	spop (v2sf);
	(v2sf) =	vpush v0, $0xB  }
0x68: {  	s0 =	sand.u32 $0x1FFFFFF0, s25  }
0x69: {  	s26 =	sadd.s32 $0x500, s23;
	s0 =	sadd.s32 s4, s0  }
0x6a: {  	[tilespmem:s26], [sflag:$0x3] =	stream.linear.gather [hbm4b:s0+s2], $0x80, $0x38;
	[tilespmem:$0x10200] =	vst v63  }
0x6b: {  	s0 =	sand.u32 $0x1FFFFFF0, s28  }
0x6c: {  	s29 =	sadd.s32 $0x580, s23;
	s0 =	sadd.s32 s4, s0;
	s30 =	spop (v2sf);
	(v2sf) =	vpush v0, $0xC  }
0x6d: {  	[tilespmem:s29], [sflag:$0x4] =	stream.linear.gather [hbm4b:s0+s2], $0x80, $0x38;
	[tilespmem:$0x10200] =	vst v63  }
0x6e: {  	s7 =	spop (v2sf);
	(v2sf) =	vpush v0, $0xD  }
0x6f: {  	s0 =	sand.u32 $0x1FFFFFF0, s30  }
0x70: {  	s31 =	sadd.s32 $0x600, s23;
	s0 =	sadd.s32 s4, s0;
	s9 =	spop (v2sf)  }
0x71: {  	(v2sf) =	vpush v0, $0xE;
	[tilespmem:s31], [sflag:$0x1] =	stream.linear.gather [hbm4b:s0+s2], $0x80, $0x38;
	[tilespmem:$0x10200] =	vst v63  }
0x72: {  	s0 =	sand.u32 $0x1FFFFFF0, s7  }
0x73: {  	s8 =	sadd.s32 $0x680, s23;
	s0 =	sadd.s32 s4, s0  }
0x74: {  	[tilespmem:s8], [sflag:$0x2] =	stream.linear.gather [hbm4b:s0+s2], $0x80, $0x38;
	[tilespmem:$0x10200] =	vst v63  }
0x75: {  	s0 =	sand.u32 $0x1FFFFFF0, s9  }
0x76: {  	s10 =	sadd.s32 $0x700, s23;
	s0 =	sadd.s32 s4, s0;
	s11 =	spop (v2sf);
	(v2sf) =	vpush v0, $0xF  }
0x77: {  	[tilespmem:s10], [sflag:$0x3] =	stream.linear.gather [hbm4b:s0+s2], $0x80, $0x38;
	[tilespmem:$0x10200] =	vst v63  }
0x78: {  	s0 =	sand.u32 $0x1FFFFFF0, s11  }
0x79: {  	s12 =	sadd.s32 $0x780, s23;
	s0 =	sadd.s32 s4, s0  }
0x7a: {  	[tilespmem:s12], [sflag:$0x4] =	stream.linear.gather [hbm4b:s0+s2], $0x80, $0x38;
	[tilespmem:$0x10200] =	vst v63  }
0x7b: {  	s13 =	spop (v2sf)  }
0x7c: {  	s0 =	sand.u32 $0x1FFFFFF0, s13  }
0x7d: {  	s14 =	sadd.s32 $0x800, s23;
	s15 =	spop (v2sf);
	s0 =	sadd.s32 s4, s0  }
0x7e: {  	[tilespmem:s14], [sflag:$0x1] =	stream.linear.gather [hbm4b:s0+s2], $0x80, $0x38;
	[tilespmem:$0x10200] =	vst v63  }
0x7f: {  	s0 =	sand.u32 $0x1FFFFFF0, s15  }
0x80: {  	s21 =	sadd.s32 $0x880, s23;
	s24 =	spop (v2sf);
	s0 =	sadd.s32 s4, s0  }
0x81: {  	[tilespmem:s21], [sflag:$0x2] =	stream.linear.gather [hbm4b:s0+s2], $0x80, $0x38;
	[tilespmem:$0x10200] =	vst v63  }
0x82: {  	s0 =	sand.u32 $0x1FFFFFF0, s24  }
0x83: {  	s25 =	sadd.s32 $0x900, s23;
	s0 =	sadd.s32 s4, s0  }
0x84: {  	[tilespmem:s25], [sflag:$0x3] =	stream.linear.gather [hbm4b:s0+s2], $0x80, $0x38;
	[tilespmem:$0x10200] =	vst v63  }
0x85: {  	s26 =	spop (v2sf)  }
0x86: {  	s0 =	sand.u32 $0x1FFFFFF0, s26  }
0x87: {  	s28 =	sadd.s32 $0x980, s23;
	s0 =	sadd.s32 s4, s0  }
0x88: {  	[tilespmem:s28], [sflag:$0x4] =	stream.linear.gather [hbm4b:s0+s2], $0x80, $0x38;
	[tilespmem:$0x10200] =	vst v63  }
0x89: {  	_ =	swait.ge [sflag:s17], $0x4000  }
0x8a: {  	[sflag:s17] =	ssyncset.done $0x0  }
0x8b: {  	[sflag:s17] =	ssyncadd.s32 $0xFFFFC000  }
0x8c: {  	_ =	swait.ge [sflag:s18], $0x4000  }
0x8d: {  	[sflag:s18] =	ssyncset.done $0x0  }
0x8e: {  	[sflag:s18] =	ssyncadd.s32 $0xFFFFC000  }
0x8f: {  	_ =	swait.ge [sflag:s19], $0x4000  }
0x90: {  	[sflag:s19] =	ssyncset.done $0x0  }
0x91: {  	[sflag:s19] =	ssyncadd.s32 $0xFFFFC000  }
0x92: {  	_ =	swait.ge [sflag:s20], $0x4000  }
0x93: {  	s30 =	simm.s32 $0x200;
	[sflag:s20] =	ssyncset.done $0x0  }
0x94: {  	s24 =	simm.s32 $0x0;
	s29 =	rddreg [dreg:$0x8];
	[sflag:s20] =	ssyncadd.s32 $0xFFFFC000  }
0x95: {  	[hbm4b:s29+s24] =	stream.linear.scatter [tilespmem:s30], [sflag:$0x5], $0x10000, $0x38;
	[tilespmem:$0x10200] =	vst v63  }
0x96: {  	_ =	swait.ge [sflag:s16], $0x10000  }
0x97: {  	[sflag:s16] =	ssyncset.done $0x0  }
0x98: {  	s31 =	rddreg [dreg:$0x9];
	[sflag:s16] =	ssyncadd.s32 $0xFFFF0000  }
0x99: {  	[tilespmem:s24], [sflag:$0x5] =	stream.linear.gather [hbm4b:s31+s24], $0x200, $0x38;
	[tilespmem:$0x10200] =	vst v63  }
0x9a: {  	_ =	swait.ge [sflag:s16], $0x200  }
0x9b: {  	[sflag:s16] =	ssyncset.done $0x0  }
0x9c: {  	[sflag:s16] =	ssyncadd.s32 $0xFFFFFE00  }
0x9d: {  	v0 =	vld [tilespmem:s24+$0x0];
	_ =	sdelay $0x4  }
0x9e: {  	v0 =	vshll.u32 v0, $0x4  }
0x9f: {  	(v2sf) =	vpush v0, $0x0  }
0xa0: {  	(v2sf) =	vpush v0, $0x1  }
0xa1: {  	(v2sf) =	vpush v0, $0x2;
	_ =	sdelay $0x1  }
0xa2: {  	(v2sf) =	vpush v0, $0x4;
	_ =	sdelay $0x1  }
0xa3: {  	(v2sf) =	vpush v0, $0x3  }
0xa4: {  	(v2sf) =	vpush v0, $0x5  }
0xa5: {  	s23 =	simm.s32 $0x0;
	s25 =	simm.s32 $0x2000;
	(v2sf) =	vpush v0, $0x6  }
.LBB2_4:
0xa6: {  	p0 =	sne.s32 s25, $0x3E000  }
0xa7: {  	s9 =	sadd.s32 $0x280, s23;
	s30 =	sadd.s32 $0x780, s23;
	s26 =	smov.u32 s25  }
0xa8: {  	s25 =	sadd.s32 $0x2000, s25;
	s3 =	sadd.s32 $0x580, s23;
	s28 =	sadd.s32 $0x800, s23;
	(v2sf) =	vpush v0, $0x7  }
0xa9: {  	s8 =	sadd.s32 $0x480, s23;
	s0 =	sadd.s32 $0x600, s23;
	s29 =	sadd.s32 $0x880, s23  }
0xaa: {  	s10 =	sadd.s32 $0x200, s23;
	s11 =	sadd.s32 $0x400, s23;
	(v2sf) =	vpush v0, $0x8  }
0xab: {  	s12 =	sadd.s32 $0x500, s23;
	s24 =	sadd.s32 $0x10, s24  }
0xac: {  	s13 =	sadd.s32 $0x300, s23;
	s31 =	sadd.s32 $0x700, s23;
	s7 =	spop (v2sf);
	(v2sf) =	vpush v0, $0x9  }
0xad: {  	s14 =	sand.u32 $0x1FFFFFF0, s7;
	s7 =	sadd.s32 $0x680, s23;
	s15 =	spop (v2sf)  }
0xae: {  	s14 =	sadd.s32 s5, s14;
	s15 =	sand.u32 $0x1FFFFFF0, s15;
	s21 =	spop (v2sf);
	(v2sf) =	vpush v0, $0xA  }
0xaf: {  	[tilespmem:s10], [sflag:$0x1] =	stream.linear.gather [hbm4b:s14+s2], $0x80, $0x38;
	[tilespmem:$0x10200] =	vst v63  }
0xb0: {  	s10 =	sadd.s32 s5, s15;
	s14 =	sadd.s32 $0x380, s23;
	s15 =	spop (v2sf);
	(v2sf) =	vpush v0, $0xB  }
0xb1: {  	[tilespmem:s9], [sflag:$0x2] =	stream.linear.gather [hbm4b:s10+s2], $0x80, $0x38;
	[tilespmem:$0x10200] =	vst v63  }
0xb2: {  	s9 =	sand.u32 $0x1FFFFFF0, s21;
	s10 =	sand.u32 $0x1FFFFFF0, s15;
	s15 =	spop (v2sf);
	(v2sf) =	vpush v0, $0xC  }
0xb3: {  	s9 =	sadd.s32 s5, s9;
	s15 =	sand.u32 $0x1FFFFFF0, s15;
	s21 =	spop (v2sf)  }
0xb4: {  	[tilespmem:s13], [sflag:$0x3] =	stream.linear.gather [hbm4b:s9+s2], $0x80, $0x38;
	(v2sf) =	vpush v0, $0xD;
	[tilespmem:$0x10200] =	vst v63  }
0xb5: {  	s9 =	sadd.s32 s5, s15;
	s13 =	sand.u32 $0x1FFFFFF0, s21;
	s15 =	spop (v2sf)  }
0xb6: {  	[tilespmem:s14], [sflag:$0x4] =	stream.linear.gather [hbm4b:s9+s2], $0x80, $0x38;
	(v2sf) =	vpush v0, $0xE;
	[tilespmem:$0x10200] =	vst v63  }
0xb7: {  	s9 =	sadd.s32 s5, s10;
	s10 =	sand.u32 $0x1FFFFFF0, s15;
	s14 =	spop (v2sf)  }
0xb8: {  	[tilespmem:s11], [sflag:$0x1] =	stream.linear.gather [hbm4b:s9+s2], $0x80, $0x38;
	(v2sf) =	vpush v0, $0xF;
	[tilespmem:$0x10200] =	vst v63  }
0xb9: {  	s9 =	sadd.s32 s5, s13;
	s11 =	sand.u32 $0x1FFFFFF0, s14;
	s13 =	spop (v2sf)  }
0xba: {  	[tilespmem:s8], [sflag:$0x2] =	stream.linear.gather [hbm4b:s9+s2], $0x80, $0x38;
	[tilespmem:$0x10200] =	vst v63  }
0xbb: {  	s8 =	sadd.s32 s5, s10;
	s9 =	sand.u32 $0x1FFFFFF0, s13;
	s10 =	spop (v2sf)  }
0xbc: {  	[tilespmem:s12], [sflag:$0x3] =	stream.linear.gather [hbm4b:s8+s2], $0x80, $0x38;
	[tilespmem:$0x10200] =	vst v63  }
0xbd: {  	s8 =	sadd.s32 s5, s11;
	s10 =	sand.u32 $0x1FFFFFF0, s10;
	s11 =	spop (v2sf)  }
0xbe: {  	[tilespmem:s3], [sflag:$0x4] =	stream.linear.gather [hbm4b:s8+s2], $0x80, $0x38;
	[tilespmem:$0x10200] =	vst v63  }
0xbf: {  	s3 =	sadd.s32 s5, s9;
	s8 =	sand.u32 $0x1FFFFFF0, s11;
	s9 =	spop (v2sf)  }
0xc0: {  	[tilespmem:s0], [sflag:$0x1] =	stream.linear.gather [hbm4b:s3+s2], $0x80, $0x38;
	[tilespmem:$0x10200] =	vst v63  }
0xc1: {  	s0 =	sadd.s32 s5, s10;
	s3 =	sand.u32 $0x1FFFFFF0, s9;
	s9 =	spop (v2sf)  }
0xc2: {  	[tilespmem:s7], [sflag:$0x2] =	stream.linear.gather [hbm4b:s0+s2], $0x80, $0x38;
	[tilespmem:$0x10200] =	vst v63  }
0xc3: {  	s0 =	sadd.s32 s5, s8;
	s7 =	sand.u32 $0x1FFFFFF0, s9;
	s8 =	spop (v2sf)  }
0xc4: {  	[tilespmem:s31], [sflag:$0x3] =	stream.linear.gather [hbm4b:s0+s2], $0x80, $0x38;
	[tilespmem:$0x10200] =	vst v63  }
0xc5: {  	s0 =	sadd.s32 s5, s3;
	s3 =	sand.u32 $0x1FFFFFF0, s8;
	s8 =	spop (v2sf)  }
0xc6: {  	[tilespmem:s30], [sflag:$0x4] =	stream.linear.gather [hbm4b:s0+s2], $0x80, $0x38;
	[tilespmem:$0x10200] =	vst v63  }
0xc7: {  	s0 =	sadd.s32 s5, s7;
	s7 =	sand.u32 $0x1FFFFFF0, s8;
	s8 =	spop (v2sf)  }
0xc8: {  	[tilespmem:s28], [sflag:$0x1] =	stream.linear.gather [hbm4b:s0+s2], $0x80, $0x38;
	[tilespmem:$0x10200] =	vst v63  }
0xc9: {  	s0 =	sadd.s32 s5, s3;
	s3 =	sand.u32 $0x1FFFFFF0, s8  }
0xca: {  	[tilespmem:s29], [sflag:$0x2] =	stream.linear.gather [hbm4b:s0+s2], $0x80, $0x38;
	[tilespmem:$0x10200] =	vst v63  }
0xcb: {  	s7 =	sadd.s32 s5, s7;
	s0 =	sadd.s32 $0x900, s23  }
0xcc: {  	[tilespmem:s0], [sflag:$0x3] =	stream.linear.gather [hbm4b:s7+s2], $0x80, $0x38;
	[tilespmem:$0x10200] =	vst v63  }
0xcd: {  	s3 =	sadd.s32 s5, s3;
	s0 =	sadd.s32 $0x980, s23  }
0xce: {  	[tilespmem:s0], [sflag:$0x4] =	stream.linear.gather [hbm4b:s3+s2], $0x80, $0x38;
	[tilespmem:$0x10200] =	vst v63  }
0xcf: {  	v0 =	vld [tilespmem:s24+$0x0];
	_ =	sdelay $0x4  }
0xd0: {  	v0 =	vshll.u32 v0, $0x4  }
0xd1: {  	(v2sf) =	vpush v0, $0x0  }
0xd2: {  	(v2sf) =	vpush v0, $0x1  }
0xd3: {  	(v2sf) =	vpush v0, $0x2;
	_ =	sdelay $0x1  }
0xd4: {  	(v2sf) =	vpush v0, $0x4  }
.Ltmp1:
0xd5: {  	(pc) =	sbr.rel @p0 .LBB2_4-.Ltmp1, $3  }
0xd6: {  	(v2sf) =	vpush v0, $0x3  }
0xd7: {  	(v2sf) =	vpush v0, $0x5;
	_ =	sdelay $0x1  }
0xd8: {  	s23 =	sshra.s32 s26, $0x2;
	(v2sf) =	vpush v0, $0x6  }
0xd9: {  	_ =	sdelay $0x4  }
0xda: {  	s0 =	spop (v2sf)  }
0xdb: {  	s0 =	sand.u32 $0x1FFFFFF0, s0  }
0xdc: {  	s7 =	sadd.s32 $0x200, s23;
	(v2sf) =	vpush v0, $0x7;
	s3 =	spop (v2sf);
	s0 =	sadd.s32 s5, s0  }
0xdd: {  	[tilespmem:s7], [sflag:$0x1] =	stream.linear.gather [hbm4b:s0+s2], $0x80, $0x38;
	[tilespmem:$0x10200] =	vst v63  }
0xde: {  	s3 =	sand.u32 $0x1FFFFFF0, s3;
	s8 =	spop (v2sf);
	s7 =	sadd.s32 $0x280, s23  }
0xdf: {  	s3 =	sadd.s32 s5, s3;
	s9 =	sand.u32 $0x1FFFFFF0, s8;
	s11 =	spop (v2sf)  }
0xe0: {  	[tilespmem:s7], [sflag:$0x2] =	stream.linear.gather [hbm4b:s3+s2], $0x80, $0x38;
	[tilespmem:$0x10200] =	vst v63  }
0xe1: {  	s10 =	sadd.s32 $0x300, s23;
	s0 =	sadd.s32 s5, s9;
	s12 =	spop (v2sf);
	(v2sf) =	vpush v0, $0x8  }
0xe2: {  	[tilespmem:s10], [sflag:$0x3] =	stream.linear.gather [hbm4b:s0+s2], $0x80, $0x38;
	[tilespmem:$0x10200] =	vst v63  }
0xe3: {  	s0 =	sand.u32 $0x1FFFFFF0, s12;
	(v2sf) =	vpush v0, $0x9  }
0xe4: {  	s13 =	sadd.s32 $0x380, s23;
	s14 =	sand.u32 $0x1FFFFFF0, s11;
	s0 =	sadd.s32 s5, s0  }
0xe5: {  	(v2sf) =	vpush v0, $0xA;
	[tilespmem:s13], [sflag:$0x4] =	stream.linear.gather [hbm4b:s0+s2], $0x80, $0x38;
	[tilespmem:$0x10200] =	vst v63  }
0xe6: {  	s15 =	sadd.s32 $0x400, s23;
	s21 =	spop (v2sf);
	s0 =	sadd.s32 s5, s14  }
0xe7: {  	[tilespmem:s15], [sflag:$0x1] =	stream.linear.gather [hbm4b:s0+s2], $0x80, $0x38;
	[tilespmem:$0x10200] =	vst v63  }
0xe8: {  	s0 =	sand.u32 $0x1FFFFFF0, s21  }
0xe9: {  	s24 =	sadd.s32 $0x480, s23;
	s25 =	spop (v2sf);
	s0 =	sadd.s32 s5, s0  }
0xea: {  	[tilespmem:s24], [sflag:$0x2] =	stream.linear.gather [hbm4b:s0+s2], $0x80, $0x38;
	[tilespmem:$0x10200] =	vst v63  }
0xeb: {  	s28 =	spop (v2sf);
	(v2sf) =	vpush v0, $0xB  }
0xec: {  	s0 =	sand.u32 $0x1FFFFFF0, s25  }
0xed: {  	s26 =	sadd.s32 $0x500, s23;
	s0 =	sadd.s32 s5, s0  }
0xee: {  	[tilespmem:s26], [sflag:$0x3] =	stream.linear.gather [hbm4b:s0+s2], $0x80, $0x38;
	[tilespmem:$0x10200] =	vst v63  }
0xef: {  	s0 =	sand.u32 $0x1FFFFFF0, s28  }
0xf0: {  	s29 =	sadd.s32 $0x580, s23;
	s0 =	sadd.s32 s5, s0;
	s30 =	spop (v2sf);
	(v2sf) =	vpush v0, $0xC  }
0xf1: {  	[tilespmem:s29], [sflag:$0x4] =	stream.linear.gather [hbm4b:s0+s2], $0x80, $0x38;
	[tilespmem:$0x10200] =	vst v63  }
0xf2: {  	s7 =	spop (v2sf);
	(v2sf) =	vpush v0, $0xD  }
0xf3: {  	s0 =	sand.u32 $0x1FFFFFF0, s30  }
0xf4: {  	s31 =	sadd.s32 $0x600, s23;
	s0 =	sadd.s32 s5, s0;
	s9 =	spop (v2sf)  }
0xf5: {  	(v2sf) =	vpush v0, $0xE;
	[tilespmem:s31], [sflag:$0x1] =	stream.linear.gather [hbm4b:s0+s2], $0x80, $0x38;
	[tilespmem:$0x10200] =	vst v63  }
0xf6: {  	s0 =	sand.u32 $0x1FFFFFF0, s7  }
0xf7: {  	s8 =	sadd.s32 $0x680, s23;
	s0 =	sadd.s32 s5, s0  }
0xf8: {  	[tilespmem:s8], [sflag:$0x2] =	stream.linear.gather [hbm4b:s0+s2], $0x80, $0x38;
	[tilespmem:$0x10200] =	vst v63  }
0xf9: {  	s0 =	sand.u32 $0x1FFFFFF0, s9  }
0xfa: {  	s10 =	sadd.s32 $0x700, s23;
	s0 =	sadd.s32 s5, s0;
	s11 =	spop (v2sf);
	(v2sf) =	vpush v0, $0xF  }
0xfb: {  	[tilespmem:s10], [sflag:$0x3] =	stream.linear.gather [hbm4b:s0+s2], $0x80, $0x38;
	[tilespmem:$0x10200] =	vst v63  }
0xfc: {  	s0 =	sand.u32 $0x1FFFFFF0, s11  }
0xfd: {  	s12 =	sadd.s32 $0x780, s23;
	s0 =	sadd.s32 s5, s0  }
0xfe: {  	[tilespmem:s12], [sflag:$0x4] =	stream.linear.gather [hbm4b:s0+s2], $0x80, $0x38;
	[tilespmem:$0x10200] =	vst v63  }
0xff: {  	s13 =	spop (v2sf)  }
0x100: {  	s0 =	sand.u32 $0x1FFFFFF0, s13  }
0x101: {  	s14 =	sadd.s32 $0x800, s23;
	s15 =	spop (v2sf);
	s0 =	sadd.s32 s5, s0  }
0x102: {  	[tilespmem:s14], [sflag:$0x1] =	stream.linear.gather [hbm4b:s0+s2], $0x80, $0x38;
	[tilespmem:$0x10200] =	vst v63  }
0x103: {  	s0 =	sand.u32 $0x1FFFFFF0, s15  }
0x104: {  	s21 =	sadd.s32 $0x880, s23;
	s24 =	spop (v2sf);
	s0 =	sadd.s32 s5, s0  }
0x105: {  	[tilespmem:s21], [sflag:$0x2] =	stream.linear.gather [hbm4b:s0+s2], $0x80, $0x38;
	[tilespmem:$0x10200] =	vst v63  }
0x106: {  	s0 =	sand.u32 $0x1FFFFFF0, s24  }
0x107: {  	s25 =	sadd.s32 $0x900, s23;
	s0 =	sadd.s32 s5, s0  }
0x108: {  	[tilespmem:s25], [sflag:$0x3] =	stream.linear.gather [hbm4b:s0+s2], $0x80, $0x38;
	[tilespmem:$0x10200] =	vst v63  }
0x109: {  	s26 =	spop (v2sf)  }
0x10a: {  	s0 =	sand.u32 $0x1FFFFFF0, s26  }
0x10b: {  	s28 =	sadd.s32 $0x980, s23;
	s0 =	sadd.s32 s5, s0  }
0x10c: {  	[tilespmem:s28], [sflag:$0x4] =	stream.linear.gather [hbm4b:s0+s2], $0x80, $0x38;
	[tilespmem:$0x10200] =	vst v63  }
0x10d: {  	_ =	swait.ge [sflag:s17], $0x4000  }
0x10e: {  	[sflag:s17] =	ssyncset.done $0x0  }
0x10f: {  	[sflag:s17] =	ssyncadd.s32 $0xFFFFC000  }
0x110: {  	_ =	swait.ge [sflag:s18], $0x4000  }
0x111: {  	[sflag:s18] =	ssyncset.done $0x0  }
0x112: {  	[sflag:s18] =	ssyncadd.s32 $0xFFFFC000  }
0x113: {  	_ =	swait.ge [sflag:s19], $0x4000  }
0x114: {  	[sflag:s19] =	ssyncset.done $0x0  }
0x115: {  	[sflag:s19] =	ssyncadd.s32 $0xFFFFC000  }
0x116: {  	_ =	swait.ge [sflag:s20], $0x4000  }
0x117: {  	s30 =	simm.s32 $0x200;
	[sflag:s20] =	ssyncset.done $0x0  }
0x118: {  	s24 =	simm.s32 $0x0;
	s29 =	rddreg [dreg:$0xa];
	[sflag:s20] =	ssyncadd.s32 $0xFFFFC000  }
0x119: {  	[hbm4b:s29+s24] =	stream.linear.scatter [tilespmem:s30], [sflag:$0x5], $0x10000, $0x38;
	[tilespmem:$0x10200] =	vst v63  }
0x11a: {  	_ =	swait.ge [sflag:s16], $0x10000  }
0x11b: {  	[sflag:s16] =	ssyncset.done $0x0  }
0x11c: {  	s31 =	rddreg [dreg:$0xb];
	[sflag:s16] =	ssyncadd.s32 $0xFFFF0000  }
0x11d: {  	[tilespmem:s24], [sflag:$0x5] =	stream.linear.gather [hbm4b:s31+s24], $0x200, $0x38;
	[tilespmem:$0x10200] =	vst v63  }
0x11e: {  	_ =	swait.ge [sflag:s16], $0x200  }
0x11f: {  	[sflag:s16] =	ssyncset.done $0x0  }
0x120: {  	[sflag:s16] =	ssyncadd.s32 $0xFFFFFE00  }
0x121: {  	v0 =	vld [tilespmem:s24+$0x0];
	_ =	sdelay $0x4  }
0x122: {  	v0 =	vshll.u32 v0, $0x4  }
0x123: {  	(v2sf) =	vpush v0, $0x0  }
0x124: {  	(v2sf) =	vpush v0, $0x1  }
0x125: {  	(v2sf) =	vpush v0, $0x2;
	_ =	sdelay $0x1  }
0x126: {  	(v2sf) =	vpush v0, $0x4;
	_ =	sdelay $0x1  }
0x127: {  	(v2sf) =	vpush v0, $0x3  }
0x128: {  	(v2sf) =	vpush v0, $0x5  }
0x129: {  	s23 =	simm.s32 $0x0;
	s25 =	simm.s32 $0x2000;
	(v2sf) =	vpush v0, $0x6  }
.LBB2_6:
0x12a: {  	p0 =	sne.s32 s25, $0x3E000  }
0x12b: {  	s9 =	sadd.s32 $0x280, s23;
	s30 =	sadd.s32 $0x780, s23;
	s26 =	smov.u32 s25  }
0x12c: {  	s25 =	sadd.s32 $0x2000, s25;
	s3 =	sadd.s32 $0x580, s23;
	s28 =	sadd.s32 $0x800, s23;
	(v2sf) =	vpush v0, $0x7  }
0x12d: {  	s8 =	sadd.s32 $0x480, s23;
	s0 =	sadd.s32 $0x600, s23;
	s29 =	sadd.s32 $0x880, s23  }
0x12e: {  	s10 =	sadd.s32 $0x200, s23;
	s11 =	sadd.s32 $0x400, s23;
	(v2sf) =	vpush v0, $0x8  }
0x12f: {  	s12 =	sadd.s32 $0x500, s23;
	s24 =	sadd.s32 $0x10, s24  }
0x130: {  	s13 =	sadd.s32 $0x300, s23;
	s31 =	sadd.s32 $0x700, s23;
	s7 =	spop (v2sf);
	(v2sf) =	vpush v0, $0x9  }
0x131: {  	s14 =	sand.u32 $0x1FFFFFF0, s7;
	s7 =	sadd.s32 $0x680, s23;
	s15 =	spop (v2sf)  }
0x132: {  	s14 =	sadd.s32 s6, s14;
	s15 =	sand.u32 $0x1FFFFFF0, s15;
	s21 =	spop (v2sf);
	(v2sf) =	vpush v0, $0xA  }
0x133: {  	[tilespmem:s10], [sflag:$0x1] =	stream.linear.gather [hbm4b:s14+s2], $0x80, $0x38;
	[tilespmem:$0x10200] =	vst v63  }
0x134: {  	s10 =	sadd.s32 s6, s15;
	s14 =	sadd.s32 $0x380, s23;
	s15 =	spop (v2sf);
	(v2sf) =	vpush v0, $0xB  }
0x135: {  	[tilespmem:s9], [sflag:$0x2] =	stream.linear.gather [hbm4b:s10+s2], $0x80, $0x38;
	[tilespmem:$0x10200] =	vst v63  }
0x136: {  	s9 =	sand.u32 $0x1FFFFFF0, s21;
	s10 =	sand.u32 $0x1FFFFFF0, s15;
	s15 =	spop (v2sf);
	(v2sf) =	vpush v0, $0xC  }
0x137: {  	s9 =	sadd.s32 s6, s9;
	s15 =	sand.u32 $0x1FFFFFF0, s15;
	s21 =	spop (v2sf)  }
0x138: {  	[tilespmem:s13], [sflag:$0x3] =	stream.linear.gather [hbm4b:s9+s2], $0x80, $0x38;
	(v2sf) =	vpush v0, $0xD;
	[tilespmem:$0x10200] =	vst v63  }
0x139: {  	s9 =	sadd.s32 s6, s15;
	s13 =	sand.u32 $0x1FFFFFF0, s21;
	s15 =	spop (v2sf)  }
0x13a: {  	[tilespmem:s14], [sflag:$0x4] =	stream.linear.gather [hbm4b:s9+s2], $0x80, $0x38;
	(v2sf) =	vpush v0, $0xE;
	[tilespmem:$0x10200] =	vst v63  }
0x13b: {  	s9 =	sadd.s32 s6, s10;
	s10 =	sand.u32 $0x1FFFFFF0, s15;
	s14 =	spop (v2sf)  }
0x13c: {  	[tilespmem:s11], [sflag:$0x1] =	stream.linear.gather [hbm4b:s9+s2], $0x80, $0x38;
	(v2sf) =	vpush v0, $0xF;
	[tilespmem:$0x10200] =	vst v63  }
0x13d: {  	s9 =	sadd.s32 s6, s13;
	s11 =	sand.u32 $0x1FFFFFF0, s14;
	s13 =	spop (v2sf)  }
0x13e: {  	[tilespmem:s8], [sflag:$0x2] =	stream.linear.gather [hbm4b:s9+s2], $0x80, $0x38;
	[tilespmem:$0x10200] =	vst v63  }
0x13f: {  	s8 =	sadd.s32 s6, s10;
	s9 =	sand.u32 $0x1FFFFFF0, s13;
	s10 =	spop (v2sf)  }
0x140: {  	[tilespmem:s12], [sflag:$0x3] =	stream.linear.gather [hbm4b:s8+s2], $0x80, $0x38;
	[tilespmem:$0x10200] =	vst v63  }
0x141: {  	s8 =	sadd.s32 s6, s11;
	s10 =	sand.u32 $0x1FFFFFF0, s10;
	s11 =	spop (v2sf)  }
0x142: {  	[tilespmem:s3], [sflag:$0x4] =	stream.linear.gather [hbm4b:s8+s2], $0x80, $0x38;
	[tilespmem:$0x10200] =	vst v63  }
0x143: {  	s3 =	sadd.s32 s6, s9;
	s8 =	sand.u32 $0x1FFFFFF0, s11;
	s9 =	spop (v2sf)  }
0x144: {  	[tilespmem:s0], [sflag:$0x1] =	stream.linear.gather [hbm4b:s3+s2], $0x80, $0x38;
	[tilespmem:$0x10200] =	vst v63  }
0x145: {  	s0 =	sadd.s32 s6, s10;
	s3 =	sand.u32 $0x1FFFFFF0, s9;
	s9 =	spop (v2sf)  }
0x146: {  	[tilespmem:s7], [sflag:$0x2] =	stream.linear.gather [hbm4b:s0+s2], $0x80, $0x38;
	[tilespmem:$0x10200] =	vst v63  }
0x147: {  	s0 =	sadd.s32 s6, s8;
	s7 =	sand.u32 $0x1FFFFFF0, s9;
	s8 =	spop (v2sf)  }
0x148: {  	[tilespmem:s31], [sflag:$0x3] =	stream.linear.gather [hbm4b:s0+s2], $0x80, $0x38;
	[tilespmem:$0x10200] =	vst v63  }
0x149: {  	s0 =	sadd.s32 s6, s3;
	s3 =	sand.u32 $0x1FFFFFF0, s8;
	s8 =	spop (v2sf)  }
0x14a: {  	[tilespmem:s30], [sflag:$0x4] =	stream.linear.gather [hbm4b:s0+s2], $0x80, $0x38;
	[tilespmem:$0x10200] =	vst v63  }
0x14b: {  	s0 =	sadd.s32 s6, s7;
	s7 =	sand.u32 $0x1FFFFFF0, s8;
	s8 =	spop (v2sf)  }
0x14c: {  	[tilespmem:s28], [sflag:$0x1] =	stream.linear.gather [hbm4b:s0+s2], $0x80, $0x38;
	[tilespmem:$0x10200] =	vst v63  }
0x14d: {  	s0 =	sadd.s32 s6, s3;
	s3 =	sand.u32 $0x1FFFFFF0, s8  }
0x14e: {  	[tilespmem:s29], [sflag:$0x2] =	stream.linear.gather [hbm4b:s0+s2], $0x80, $0x38;
	[tilespmem:$0x10200] =	vst v63  }
0x14f: {  	s7 =	sadd.s32 s6, s7;
	s0 =	sadd.s32 $0x900, s23  }
0x150: {  	[tilespmem:s0], [sflag:$0x3] =	stream.linear.gather [hbm4b:s7+s2], $0x80, $0x38;
	[tilespmem:$0x10200] =	vst v63  }
0x151: {  	s3 =	sadd.s32 s6, s3;
	s0 =	sadd.s32 $0x980, s23  }
0x152: {  	[tilespmem:s0], [sflag:$0x4] =	stream.linear.gather [hbm4b:s3+s2], $0x80, $0x38;
	[tilespmem:$0x10200] =	vst v63  }
0x153: {  	v0 =	vld [tilespmem:s24+$0x0];
	_ =	sdelay $0x4  }
0x154: {  	v0 =	vshll.u32 v0, $0x4  }
0x155: {  	(v2sf) =	vpush v0, $0x0  }
0x156: {  	(v2sf) =	vpush v0, $0x1  }
0x157: {  	(v2sf) =	vpush v0, $0x2;
	_ =	sdelay $0x1  }
0x158: {  	(v2sf) =	vpush v0, $0x4  }
.Ltmp2:
0x159: {  	(pc) =	sbr.rel @p0 .LBB2_6-.Ltmp2, $3  }
0x15a: {  	(v2sf) =	vpush v0, $0x3  }
0x15b: {  	(v2sf) =	vpush v0, $0x5;
	_ =	sdelay $0x1  }
0x15c: {  	s23 =	sshra.s32 s26, $0x2;
	(v2sf) =	vpush v0, $0x6  }
0x15d: {  	_ =	sdelay $0x4  }
0x15e: {  	s0 =	spop (v2sf)  }
0x15f: {  	s0 =	sand.u32 $0x1FFFFFF0, s0  }
0x160: {  	s7 =	sadd.s32 $0x200, s23;
	(v2sf) =	vpush v0, $0x7;
	s3 =	spop (v2sf);
	s0 =	sadd.s32 s6, s0  }
0x161: {  	[tilespmem:s7], [sflag:$0x1] =	stream.linear.gather [hbm4b:s0+s2], $0x80, $0x38;
	[tilespmem:$0x10200] =	vst v63  }
0x162: {  	s3 =	sand.u32 $0x1FFFFFF0, s3;
	s8 =	spop (v2sf);
	s7 =	sadd.s32 $0x280, s23  }
0x163: {  	s3 =	sadd.s32 s6, s3;
	s9 =	sand.u32 $0x1FFFFFF0, s8;
	s11 =	spop (v2sf)  }
0x164: {  	[tilespmem:s7], [sflag:$0x2] =	stream.linear.gather [hbm4b:s3+s2], $0x80, $0x38;
	[tilespmem:$0x10200] =	vst v63  }
0x165: {  	s10 =	sadd.s32 $0x300, s23;
	s0 =	sadd.s32 s6, s9;
	s12 =	spop (v2sf);
	(v2sf) =	vpush v0, $0x8  }
0x166: {  	[tilespmem:s10], [sflag:$0x3] =	stream.linear.gather [hbm4b:s0+s2], $0x80, $0x38;
	[tilespmem:$0x10200] =	vst v63  }
0x167: {  	s0 =	sand.u32 $0x1FFFFFF0, s12;
	(v2sf) =	vpush v0, $0x9  }
0x168: {  	s13 =	sadd.s32 $0x380, s23;
	s14 =	sand.u32 $0x1FFFFFF0, s11;
	s0 =	sadd.s32 s6, s0  }
0x169: {  	(v2sf) =	vpush v0, $0xA;
	[tilespmem:s13], [sflag:$0x4] =	stream.linear.gather [hbm4b:s0+s2], $0x80, $0x38;
	[tilespmem:$0x10200] =	vst v63  }
0x16a: {  	s15 =	sadd.s32 $0x400, s23;
	s21 =	spop (v2sf);
	s0 =	sadd.s32 s6, s14  }
0x16b: {  	[tilespmem:s15], [sflag:$0x1] =	stream.linear.gather [hbm4b:s0+s2], $0x80, $0x38;
	[tilespmem:$0x10200] =	vst v63  }
0x16c: {  	s0 =	sand.u32 $0x1FFFFFF0, s21  }
0x16d: {  	s24 =	sadd.s32 $0x480, s23;
	s25 =	spop (v2sf);
	s0 =	sadd.s32 s6, s0  }
0x16e: {  	[tilespmem:s24], [sflag:$0x2] =	stream.linear.gather [hbm4b:s0+s2], $0x80, $0x38;
	[tilespmem:$0x10200] =	vst v63  }
0x16f: {  	s28 =	spop (v2sf);
	(v2sf) =	vpush v0, $0xB  }
0x170: {  	s0 =	sand.u32 $0x1FFFFFF0, s25  }
0x171: {  	s26 =	sadd.s32 $0x500, s23;
	s0 =	sadd.s32 s6, s0  }
0x172: {  	[tilespmem:s26], [sflag:$0x3] =	stream.linear.gather [hbm4b:s0+s2], $0x80, $0x38;
	[tilespmem:$0x10200] =	vst v63  }
0x173: {  	s0 =	sand.u32 $0x1FFFFFF0, s28  }
0x174: {  	s29 =	sadd.s32 $0x580, s23;
	s0 =	sadd.s32 s6, s0;
	s30 =	spop (v2sf);
	(v2sf) =	vpush v0, $0xC  }
0x175: {  	[tilespmem:s29], [sflag:$0x4] =	stream.linear.gather [hbm4b:s0+s2], $0x80, $0x38;
	[tilespmem:$0x10200] =	vst v63  }
0x176: {  	s7 =	spop (v2sf);
	(v2sf) =	vpush v0, $0xD  }
0x177: {  	s0 =	sand.u32 $0x1FFFFFF0, s30  }
0x178: {  	s31 =	sadd.s32 $0x600, s23;
	s0 =	sadd.s32 s6, s0;
	s9 =	spop (v2sf)  }
0x179: {  	(v2sf) =	vpush v0, $0xE;
	[tilespmem:s31], [sflag:$0x1] =	stream.linear.gather [hbm4b:s0+s2], $0x80, $0x38;
	[tilespmem:$0x10200] =	vst v63  }
0x17a: {  	s0 =	sand.u32 $0x1FFFFFF0, s7  }
0x17b: {  	s8 =	sadd.s32 $0x680, s23;
	s0 =	sadd.s32 s6, s0  }
0x17c: {  	[tilespmem:s8], [sflag:$0x2] =	stream.linear.gather [hbm4b:s0+s2], $0x80, $0x38;
	[tilespmem:$0x10200] =	vst v63  }
0x17d: {  	s0 =	sand.u32 $0x1FFFFFF0, s9  }
0x17e: {  	s10 =	sadd.s32 $0x700, s23;
	s0 =	sadd.s32 s6, s0;
	s11 =	spop (v2sf);
	(v2sf) =	vpush v0, $0xF  }
0x17f: {  	[tilespmem:s10], [sflag:$0x3] =	stream.linear.gather [hbm4b:s0+s2], $0x80, $0x38;
	[tilespmem:$0x10200] =	vst v63  }
0x180: {  	s0 =	sand.u32 $0x1FFFFFF0, s11  }
0x181: {  	s12 =	sadd.s32 $0x780, s23;
	s0 =	sadd.s32 s6, s0  }
0x182: {  	[tilespmem:s12], [sflag:$0x4] =	stream.linear.gather [hbm4b:s0+s2], $0x80, $0x38;
	[tilespmem:$0x10200] =	vst v63  }
0x183: {  	s13 =	spop (v2sf)  }
0x184: {  	s0 =	sand.u32 $0x1FFFFFF0, s13  }
0x185: {  	s14 =	sadd.s32 $0x800, s23;
	s15 =	spop (v2sf);
	s0 =	sadd.s32 s6, s0  }
0x186: {  	[tilespmem:s14], [sflag:$0x1] =	stream.linear.gather [hbm4b:s0+s2], $0x80, $0x38;
	[tilespmem:$0x10200] =	vst v63  }
0x187: {  	s0 =	sand.u32 $0x1FFFFFF0, s15  }
0x188: {  	s21 =	sadd.s32 $0x880, s23;
	s24 =	spop (v2sf);
	s0 =	sadd.s32 s6, s0  }
0x189: {  	[tilespmem:s21], [sflag:$0x2] =	stream.linear.gather [hbm4b:s0+s2], $0x80, $0x38;
	[tilespmem:$0x10200] =	vst v63  }
0x18a: {  	s0 =	sand.u32 $0x1FFFFFF0, s24  }
0x18b: {  	s25 =	sadd.s32 $0x900, s23;
	s0 =	sadd.s32 s6, s0  }
0x18c: {  	[tilespmem:s25], [sflag:$0x3] =	stream.linear.gather [hbm4b:s0+s2], $0x80, $0x38;
	[tilespmem:$0x10200] =	vst v63  }
0x18d: {  	s26 =	spop (v2sf)  }
0x18e: {  	s0 =	sand.u32 $0x1FFFFFF0, s26  }
0x18f: {  	s28 =	sadd.s32 $0x980, s23;
	s0 =	sadd.s32 s6, s0  }
0x190: {  	[tilespmem:s28], [sflag:$0x4] =	stream.linear.gather [hbm4b:s0+s2], $0x80, $0x38;
	[tilespmem:$0x10200] =	vst v63  }
0x191: {  	_ =	swait.ge [sflag:s17], $0x4000  }
0x192: {  	[sflag:s17] =	ssyncset.done $0x0  }
0x193: {  	[sflag:s17] =	ssyncadd.s32 $0xFFFFC000  }
0x194: {  	_ =	swait.ge [sflag:s18], $0x4000  }
0x195: {  	[sflag:s18] =	ssyncset.done $0x0  }
0x196: {  	[sflag:s18] =	ssyncadd.s32 $0xFFFFC000  }
0x197: {  	_ =	swait.ge [sflag:s19], $0x4000  }
0x198: {  	[sflag:s19] =	ssyncset.done $0x0  }
0x199: {  	[sflag:s19] =	ssyncadd.s32 $0xFFFFC000  }
0x19a: {  	_ =	swait.ge [sflag:s20], $0x4000  }
0x19b: {  	s30 =	simm.s32 $0x200;
	[sflag:s20] =	ssyncset.done $0x0  }
0x19c: {  	s24 =	simm.s32 $0x0;
	s29 =	rddreg [dreg:$0xc];
	[sflag:s20] =	ssyncadd.s32 $0xFFFFC000  }
0x19d: {  	[hbm4b:s29+s24] =	stream.linear.scatter [tilespmem:s30], [sflag:$0x5], $0x10000, $0x38;
	[tilespmem:$0x10200] =	vst v63  }
0x19e: {  	_ =	swait.ge [sflag:s16], $0x10000  }
0x19f: {  	[sflag:s16] =	ssyncset.done $0x0  }
0x1a0: {  	s31 =	rddreg [dreg:$0xd];
	[sflag:s16] =	ssyncadd.s32 $0xFFFF0000  }
0x1a1: {  	[tilespmem:s24], [sflag:$0x5] =	stream.linear.gather [hbm4b:s31+s24], $0x200, $0x38;
	[tilespmem:$0x10200] =	vst v63  }
0x1a2: {  	_ =	swait.ge [sflag:s16], $0x200  }
0x1a3: {  	[sflag:s16] =	ssyncset.done $0x0  }
0x1a4: {  	[sflag:s16] =	ssyncadd.s32 $0xFFFFFE00  }
0x1a5: {  	v0 =	vld [tilespmem:s24+$0x0];
	_ =	sdelay $0x4  }
0x1a6: {  	v0 =	vshll.u32 v0, $0x4  }
0x1a7: {  	(v2sf) =	vpush v0, $0x0  }
0x1a8: {  	(v2sf) =	vpush v0, $0x1  }
0x1a9: {  	(v2sf) =	vpush v0, $0x2;
	_ =	sdelay $0x1  }
0x1aa: {  	(v2sf) =	vpush v0, $0x4;
	_ =	sdelay $0x1  }
0x1ab: {  	(v2sf) =	vpush v0, $0x3  }
0x1ac: {  	(v2sf) =	vpush v0, $0x5  }
0x1ad: {  	s23 =	simm.s32 $0x0;
	s25 =	simm.s32 $0x2000;
	(v2sf) =	vpush v0, $0x6  }
.LBB2_8:
0x1ae: {  	p0 =	sne.s32 s25, $0x3E000  }
0x1af: {  	s9 =	sadd.s32 $0x280, s23;
	s30 =	sadd.s32 $0x780, s23;
	s26 =	smov.u32 s25  }
0x1b0: {  	s25 =	sadd.s32 $0x2000, s25;
	s3 =	sadd.s32 $0x580, s23;
	s28 =	sadd.s32 $0x800, s23;
	(v2sf) =	vpush v0, $0x7  }
0x1b1: {  	s8 =	sadd.s32 $0x480, s23;
	s0 =	sadd.s32 $0x600, s23;
	s29 =	sadd.s32 $0x880, s23  }
0x1b2: {  	s10 =	sadd.s32 $0x200, s23;
	s11 =	sadd.s32 $0x400, s23;
	(v2sf) =	vpush v0, $0x8  }
0x1b3: {  	s12 =	sadd.s32 $0x500, s23;
	s24 =	sadd.s32 $0x10, s24  }
0x1b4: {  	s13 =	sadd.s32 $0x300, s23;
	s31 =	sadd.s32 $0x700, s23;
	s7 =	spop (v2sf);
	(v2sf) =	vpush v0, $0x9  }
0x1b5: {  	s14 =	sand.u32 $0x1FFFFFF0, s7;
	s7 =	sadd.s32 $0x680, s23;
	s15 =	spop (v2sf)  }
0x1b6: {  	s14 =	sadd.s32 s1, s14;
	s15 =	sand.u32 $0x1FFFFFF0, s15;
	s21 =	spop (v2sf);
	(v2sf) =	vpush v0, $0xA  }
0x1b7: {  	[tilespmem:s10], [sflag:$0x1] =	stream.linear.gather [hbm4b:s14+s2], $0x80, $0x38;
	[tilespmem:$0x10200] =	vst v63  }
0x1b8: {  	s10 =	sadd.s32 s1, s15;
	s14 =	sadd.s32 $0x380, s23;
	s15 =	spop (v2sf);
	(v2sf) =	vpush v0, $0xB  }
0x1b9: {  	[tilespmem:s9], [sflag:$0x2] =	stream.linear.gather [hbm4b:s10+s2], $0x80, $0x38;
	[tilespmem:$0x10200] =	vst v63  }
0x1ba: {  	s9 =	sand.u32 $0x1FFFFFF0, s21;
	s10 =	sand.u32 $0x1FFFFFF0, s15;
	s15 =	spop (v2sf);
	(v2sf) =	vpush v0, $0xC  }
0x1bb: {  	s9 =	sadd.s32 s1, s9;
	s15 =	sand.u32 $0x1FFFFFF0, s15;
	s21 =	spop (v2sf)  }
0x1bc: {  	[tilespmem:s13], [sflag:$0x3] =	stream.linear.gather [hbm4b:s9+s2], $0x80, $0x38;
	(v2sf) =	vpush v0, $0xD;
	[tilespmem:$0x10200] =	vst v63  }
0x1bd: {  	s9 =	sadd.s32 s1, s15;
	s13 =	sand.u32 $0x1FFFFFF0, s21;
	s15 =	spop (v2sf)  }
0x1be: {  	[tilespmem:s14], [sflag:$0x4] =	stream.linear.gather [hbm4b:s9+s2], $0x80, $0x38;
	(v2sf) =	vpush v0, $0xE;
	[tilespmem:$0x10200] =	vst v63  }
0x1bf: {  	s9 =	sadd.s32 s1, s10;
	s10 =	sand.u32 $0x1FFFFFF0, s15;
	s14 =	spop (v2sf)  }
0x1c0: {  	[tilespmem:s11], [sflag:$0x1] =	stream.linear.gather [hbm4b:s9+s2], $0x80, $0x38;
	(v2sf) =	vpush v0, $0xF;
	[tilespmem:$0x10200] =	vst v63  }
0x1c1: {  	s9 =	sadd.s32 s1, s13;
	s11 =	sand.u32 $0x1FFFFFF0, s14;
	s13 =	spop (v2sf)  }
0x1c2: {  	[tilespmem:s8], [sflag:$0x2] =	stream.linear.gather [hbm4b:s9+s2], $0x80, $0x38;
	[tilespmem:$0x10200] =	vst v63  }
0x1c3: {  	s8 =	sadd.s32 s1, s10;
	s9 =	sand.u32 $0x1FFFFFF0, s13;
	s10 =	spop (v2sf)  }
0x1c4: {  	[tilespmem:s12], [sflag:$0x3] =	stream.linear.gather [hbm4b:s8+s2], $0x80, $0x38;
	[tilespmem:$0x10200] =	vst v63  }
0x1c5: {  	s8 =	sadd.s32 s1, s11;
	s10 =	sand.u32 $0x1FFFFFF0, s10;
	s11 =	spop (v2sf)  }
0x1c6: {  	[tilespmem:s3], [sflag:$0x4] =	stream.linear.gather [hbm4b:s8+s2], $0x80, $0x38;
	[tilespmem:$0x10200] =	vst v63  }
0x1c7: {  	s3 =	sadd.s32 s1, s9;
	s8 =	sand.u32 $0x1FFFFFF0, s11;
	s9 =	spop (v2sf)  }
0x1c8: {  	[tilespmem:s0], [sflag:$0x1] =	stream.linear.gather [hbm4b:s3+s2], $0x80, $0x38;
	[tilespmem:$0x10200] =	vst v63  }
0x1c9: {  	s0 =	sadd.s32 s1, s10;
	s3 =	sand.u32 $0x1FFFFFF0, s9;
	s9 =	spop (v2sf)  }
0x1ca: {  	[tilespmem:s7], [sflag:$0x2] =	stream.linear.gather [hbm4b:s0+s2], $0x80, $0x38;
	[tilespmem:$0x10200] =	vst v63  }
0x1cb: {  	s0 =	sadd.s32 s1, s8;
	s7 =	sand.u32 $0x1FFFFFF0, s9;
	s8 =	spop (v2sf)  }
0x1cc: {  	[tilespmem:s31], [sflag:$0x3] =	stream.linear.gather [hbm4b:s0+s2], $0x80, $0x38;
	[tilespmem:$0x10200] =	vst v63  }
0x1cd: {  	s0 =	sadd.s32 s1, s3;
	s3 =	sand.u32 $0x1FFFFFF0, s8;
	s8 =	spop (v2sf)  }
0x1ce: {  	[tilespmem:s30], [sflag:$0x4] =	stream.linear.gather [hbm4b:s0+s2], $0x80, $0x38;
	[tilespmem:$0x10200] =	vst v63  }
0x1cf: {  	s0 =	sadd.s32 s1, s7;
	s7 =	sand.u32 $0x1FFFFFF0, s8;
	s8 =	spop (v2sf)  }
0x1d0: {  	[tilespmem:s28], [sflag:$0x1] =	stream.linear.gather [hbm4b:s0+s2], $0x80, $0x38;
	[tilespmem:$0x10200] =	vst v63  }
0x1d1: {  	s0 =	sadd.s32 s1, s3;
	s3 =	sand.u32 $0x1FFFFFF0, s8  }
0x1d2: {  	[tilespmem:s29], [sflag:$0x2] =	stream.linear.gather [hbm4b:s0+s2], $0x80, $0x38;
	[tilespmem:$0x10200] =	vst v63  }
0x1d3: {  	s7 =	sadd.s32 s1, s7;
	s0 =	sadd.s32 $0x900, s23  }
0x1d4: {  	[tilespmem:s0], [sflag:$0x3] =	stream.linear.gather [hbm4b:s7+s2], $0x80, $0x38;
	[tilespmem:$0x10200] =	vst v63  }
0x1d5: {  	s3 =	sadd.s32 s1, s3;
	s0 =	sadd.s32 $0x980, s23  }
0x1d6: {  	[tilespmem:s0], [sflag:$0x4] =	stream.linear.gather [hbm4b:s3+s2], $0x80, $0x38;
	[tilespmem:$0x10200] =	vst v63  }
0x1d7: {  	v0 =	vld [tilespmem:s24+$0x0];
	_ =	sdelay $0x4  }
0x1d8: {  	v0 =	vshll.u32 v0, $0x4  }
0x1d9: {  	(v2sf) =	vpush v0, $0x0  }
0x1da: {  	(v2sf) =	vpush v0, $0x1  }
0x1db: {  	(v2sf) =	vpush v0, $0x2;
	_ =	sdelay $0x1  }
0x1dc: {  	(v2sf) =	vpush v0, $0x4  }
.Ltmp3:
0x1dd: {  	(pc) =	sbr.rel @p0 .LBB2_8-.Ltmp3, $3  }
0x1de: {  	(v2sf) =	vpush v0, $0x3  }
0x1df: {  	(v2sf) =	vpush v0, $0x5;
	_ =	sdelay $0x1  }
0x1e0: {  	s23 =	sshra.s32 s26, $0x2;
	(v2sf) =	vpush v0, $0x6  }
0x1e1: {  	_ =	sdelay $0x5  }
0x1e2: {  	s0 =	spop (v2sf)  }
0x1e3: {  	s3 =	spop (v2sf)  }
0x1e4: {  	s8 =	spop (v2sf)  }
0x1e5: {  	s11 =	spop (v2sf);
	(v2sf) =	vpush v0, $0x7  }
0x1e6: {  	s0 =	sand.u32 $0x1FFFFFF0, s0  }
0x1e7: {  	s7 =	sadd.s32 $0x200, s23;
	s0 =	sadd.s32 s1, s0  }
0x1e8: {  	[tilespmem:s7], [sflag:$0x1] =	stream.linear.gather [hbm4b:s0+s2], $0x80, $0x38;
	[tilespmem:$0x10200] =	vst v63  }
0x1e9: {  	s3 =	sand.u32 $0x1FFFFFF0, s3;
	s12 =	spop (v2sf);
	(v2sf) =	vpush v0, $0x8  }
0x1ea: {  	s7 =	sadd.s32 $0x280, s23;
	s3 =	sadd.s32 s1, s3  }
0x1eb: {  	[tilespmem:s7], [sflag:$0x2] =	stream.linear.gather [hbm4b:s3+s2], $0x80, $0x38;
	[tilespmem:$0x10200] =	vst v63  }
0x1ec: {  	s9 =	sand.u32 $0x1FFFFFF0, s8;
	s21 =	spop (v2sf);
	(v2sf) =	vpush v0, $0x9  }
0x1ed: {  	s10 =	sadd.s32 $0x300, s23;
	s0 =	sadd.s32 s1, s9  }
0x1ee: {  	[tilespmem:s10], [sflag:$0x3] =	stream.linear.gather [hbm4b:s0+s2], $0x80, $0x38;
	[tilespmem:$0x10200] =	vst v63  }
0x1ef: {  	s0 =	sand.u32 $0x1FFFFFF0, s12;
	s25 =	spop (v2sf);
	(v2sf) =	vpush v0, $0xA  }
0x1f0: {  	s13 =	sadd.s32 $0x380, s23;
	s14 =	sand.u32 $0x1FFFFFF0, s11;
	s0 =	sadd.s32 s1, s0  }
0x1f1: {  	[tilespmem:s13], [sflag:$0x4] =	stream.linear.gather [hbm4b:s0+s2], $0x80, $0x38;
	[tilespmem:$0x10200] =	vst v63  }
0x1f2: {  	s15 =	sadd.s32 $0x400, s23;
	s0 =	sadd.s32 s1, s14  }
0x1f3: {  	[tilespmem:s15], [sflag:$0x1] =	stream.linear.gather [hbm4b:s0+s2], $0x80, $0x38;
	[tilespmem:$0x10200] =	vst v63  }
0x1f4: {  	s0 =	sand.u32 $0x1FFFFFF0, s21;
	s28 =	spop (v2sf);
	(v2sf) =	vpush v0, $0xB  }
0x1f5: {  	s24 =	sadd.s32 $0x480, s23;
	s0 =	sadd.s32 s1, s0  }
0x1f6: {  	[tilespmem:s24], [sflag:$0x2] =	stream.linear.gather [hbm4b:s0+s2], $0x80, $0x38;
	[tilespmem:$0x10200] =	vst v63  }
0x1f7: {  	s0 =	sand.u32 $0x1FFFFFF0, s25  }
0x1f8: {  	s26 =	sadd.s32 $0x500, s23;
	s0 =	sadd.s32 s1, s0;
	s30 =	spop (v2sf);
	(v2sf) =	vpush v0, $0xC  }
0x1f9: {  	[tilespmem:s26], [sflag:$0x3] =	stream.linear.gather [hbm4b:s0+s2], $0x80, $0x38;
	[tilespmem:$0x10200] =	vst v63  }
0x1fa: {  	s0 =	sand.u32 $0x1FFFFFF0, s28  }
0x1fb: {  	s29 =	sadd.s32 $0x580, s23;
	s0 =	sadd.s32 s1, s0;
	s7 =	spop (v2sf);
	(v2sf) =	vpush v0, $0xD  }
0x1fc: {  	[tilespmem:s29], [sflag:$0x4] =	stream.linear.gather [hbm4b:s0+s2], $0x80, $0x38;
	[tilespmem:$0x10200] =	vst v63  }
0x1fd: {  	s0 =	sand.u32 $0x1FFFFFF0, s30  }
0x1fe: {  	s31 =	sadd.s32 $0x600, s23;
	s0 =	sadd.s32 s1, s0;
	s9 =	spop (v2sf);
	(v2sf) =	vpush v0, $0xE  }
0x1ff: {  	[tilespmem:s31], [sflag:$0x1] =	stream.linear.gather [hbm4b:s0+s2], $0x80, $0x38;
	[tilespmem:$0x10200] =	vst v63  }
0x200: {  	s0 =	sand.u32 $0x1FFFFFF0, s7  }
0x201: {  	s8 =	sadd.s32 $0x680, s23;
	s0 =	sadd.s32 s1, s0  }
0x202: {  	[tilespmem:s8], [sflag:$0x2] =	stream.linear.gather [hbm4b:s0+s2], $0x80, $0x38;
	[tilespmem:$0x10200] =	vst v63  }
0x203: {  	s0 =	sand.u32 $0x1FFFFFF0, s9;
	s11 =	spop (v2sf);
	(v2sf) =	vpush v0, $0xF  }
0x204: {  	s10 =	sadd.s32 $0x700, s23;
	s0 =	sadd.s32 s1, s0  }
0x205: {  	[tilespmem:s10], [sflag:$0x3] =	stream.linear.gather [hbm4b:s0+s2], $0x80, $0x38;
	[tilespmem:$0x10200] =	vst v63  }
0x206: {  	s0 =	sand.u32 $0x1FFFFFF0, s11  }
0x207: {  	s12 =	sadd.s32 $0x780, s23;
	s0 =	sadd.s32 s1, s0;
	s13 =	spop (v2sf)  }
0x208: {  	[tilespmem:s12], [sflag:$0x4] =	stream.linear.gather [hbm4b:s0+s2], $0x80, $0x38;
	[tilespmem:$0x10200] =	vst v63  }
0x209: {  	s0 =	sand.u32 $0x1FFFFFF0, s13  }
0x20a: {  	s14 =	sadd.s32 $0x800, s23;
	s15 =	spop (v2sf);
	s0 =	sadd.s32 s1, s0  }
0x20b: {  	[tilespmem:s14], [sflag:$0x1] =	stream.linear.gather [hbm4b:s0+s2], $0x80, $0x38;
	[tilespmem:$0x10200] =	vst v63  }
0x20c: {  	s0 =	sand.u32 $0x1FFFFFF0, s15  }
0x20d: {  	s21 =	sadd.s32 $0x880, s23;
	s24 =	spop (v2sf);
	s0 =	sadd.s32 s1, s0  }
0x20e: {  	[tilespmem:s21], [sflag:$0x2] =	stream.linear.gather [hbm4b:s0+s2], $0x80, $0x38;
	[tilespmem:$0x10200] =	vst v63  }
0x20f: {  	s0 =	sand.u32 $0x1FFFFFF0, s24  }
0x210: {  	s25 =	sadd.s32 $0x900, s23;
	s0 =	sadd.s32 s1, s0  }
0x211: {  	[tilespmem:s25], [sflag:$0x3] =	stream.linear.gather [hbm4b:s0+s2], $0x80, $0x38;
	[tilespmem:$0x10200] =	vst v63  }
0x212: {  	s26 =	spop (v2sf)  }
0x213: {  	s0 =	sand.u32 $0x1FFFFFF0, s26  }
0x214: {  	s28 =	sadd.s32 $0x980, s23;
	s0 =	sadd.s32 s1, s0  }
0x215: {  	[tilespmem:s28], [sflag:$0x4] =	stream.linear.gather [hbm4b:s0+s2], $0x80, $0x38;
	[tilespmem:$0x10200] =	vst v63  }
0x216: {  	_ =	swait.ge [sflag:s17], $0x4000  }
0x217: {  	[sflag:s17] =	ssyncset.done $0x0  }
0x218: {  	[sflag:s17] =	ssyncadd.s32 $0xFFFFC000  }
0x219: {  	_ =	swait.ge [sflag:s18], $0x4000  }
0x21a: {  	[sflag:s18] =	ssyncset.done $0x0  }
0x21b: {  	[sflag:s18] =	ssyncadd.s32 $0xFFFFC000  }
0x21c: {  	_ =	swait.ge [sflag:s19], $0x4000  }
0x21d: {  	[sflag:s19] =	ssyncset.done $0x0  }
0x21e: {  	[sflag:s19] =	ssyncadd.s32 $0xFFFFC000  }
0x21f: {  	_ =	swait.ge [sflag:s20], $0x4000  }
0x220: {  	[sflag:s20] =	ssyncset.done $0x0  }
0x221: {  	s30 =	simm.s32 $0x200;
	s29 =	rddreg [dreg:$0xe];
	[sflag:s20] =	ssyncadd.s32 $0xFFFFC000  }
0x222: {  	[hbm4b:s29+s2] =	stream.linear.scatter [tilespmem:s30], [sflag:$0x5], $0x10000, $0x38;
	[tilespmem:$0x10200] =	vst v63  }
0x223: {  	_ =	swait.ge [sflag:s16], $0x10000  }
0x224: {  	s22 =	sadd.s32 $0x1, s22;
	s31 =	rddreg [dreg:$0xf]  }
0x225: {  	p0 =	sne.s32 s22, s31  }
.Ltmp4:
0x226: {  	_ = 	snop;
	(pc) =	sbr.rel @p0 .LBB2_1-.Ltmp4, $3  }
0x227: {  	_ =	sdelay $0x1  }
0x228: {  	[sflag:s16] =	ssyncset.done $0x0  }
0x229: {  	[sflag:s16] =	ssyncadd.s32 $0xFFFF0000  }
0x22a: {  	_ =	sfence.sel $0x180000  }
0x22b: {  	[bflag:$0x0] =	sbarrier.arrive $0xFFFF  }
0x22c: {  	_ =	strace $0x90000047  }
0x22d: {  	s0 =	stileid.u32;
	[bflag:$0x2] =	sbarrier.arrive $0xFFFF  }
0x22e: {  	p0 =	sne.s32 s0, $0x0;
	s0 =	rddreg [dreg:$0x6]  }
0x22f: {  	s0 =	sadd.s32 @!p0 $0x100000, s0  }
0x230: {  	[sflag:s0] =	ssyncadd.tile.s32 @!p0 $0x1;
	_ =	shalt  }
.Lfunc_end2:
_tile_overlayer_lowered:
.L_overlay_start_2:
0x231: {  	(tag) =	ssettag $0x2  }
0x232: {  	s0 =	rddreg [dreg:$0x0];
	s2 =	stileid.u32  }
0x233: {  	s1 =	rddreg [dreg:$0x1];
	p0 =	sne.s32 s2, $0x0  }
0x234: {  	s3 =	rddreg [dreg:$0x2];
	[bflag:$0x3] =	sbarrier.arrive $0xFFFF;
	s2 =	simm.s32 @!p0 $0x1C05  }
0x235: {  	[timem:s3], [sflag:s2] =	dma.local @!p0 [hbm:s0], s1  }
0x236: {  	s0 =	simm.s32 @!p0 $0x5  }
0x237: {  	_ =	swait.ge @!p0 [sflag:s0], s1  }
0x238: {  	s1 =	ssub.s32 @!p0 $0x0, s1;
	[sflag:s0] =	ssyncset.done @!p0 $0x0  }
0x239: {  	[sflag:s0] =	ssyncadd.s32 @!p0 s1  }
0x23a: {  	[bflag:$0x3] =	sbarrier.arrive $0xFFFF  }
0x23b: {  	_ =	shalt  }

</sc_bundles>
